<compile_context>
chip_gen: v7x
topology: tpu7x:2x2x1
jax: 0.10.2.dev20260603
libtpu: 0.0.44.dev20260713+nightly
codegen_flags: <defaults>
</compile_context>

<pallas_src>
import functools

import jax
import jax.numpy as jnp
from jax import lax
from jax.experimental import pallas as pl
from jax.experimental.pallas import tpu as pltpu
from jax.experimental.pallas import tpu_sc as plsc

N = 10000
E = 320000
D_IN = 128
D_HID = 16
D_OUT = 7
D_PAD = 16
D2 = 8

NC = 2
NS = 16
NW = NC * NS
CH = 128
NB = 4
SUPER = 4
GCH = SUPER * CH

N_PAD = 10240
RPT = N_PAD // NS

EPT = E // NW
NCHUNK = -(-EPT // CH)
NCHUNK = -(-NCHUNK // NB) * NB
EPT_P = NCHUNK * CH
GROUPS = NCHUNK // NB

_f32 = jnp.float32


def _sc_mesh():
    return plsc.VectorSubcoreMesh(
        core_axis_name="c", subcore_axis_name="s", num_cores=NC, num_subcores=NS
    )


def _sc_degree(dstg, zeros1d):

    @functools.partial(
        pl.kernel,
        out_type=jax.ShapeDtypeStruct((NC * N_PAD,), _f32),
        mesh=_sc_mesh(),
        scratch_types=[
            pltpu.VMEM((NCHUNK, CH), jnp.int32),
            pltpu.VMEM((CH,), _f32),
            pltpu.VMEM((RPT,), _f32),
            pltpu.VMEM_SHARED((N_PAD,), _f32),
            pltpu.SemaphoreType.DMA,
            pltpu.SemaphoreType.DMA,
        ],
    )
    def k(dst_hbm, z_hbm, out_hbm, idx_d, ones_v, stage, acc, sem_s, sem_p):
        cid = lax.axis_index("c")
        sid = lax.axis_index("s")
        wid = cid * NS + sid
        for j in range(CH // 16):
            ones_v[pl.ds(j * 16, 16)] = jnp.ones((16,), _f32)
        d1 = pltpu.async_copy(dst_hbm.at[wid], idx_d, sem_p)
        d2 = pltpu.async_copy(z_hbm.at[pl.ds(0, RPT)], stage, sem_s)
        d2.wait()
        d3 = pltpu.async_copy(stage, acc.at[pl.ds(sid * RPT, RPT)], sem_s)
        d1.wait()
        d3.wait()
        plsc.subcore_barrier()

        def body(g, carry):
            for b in range(NB):
                pltpu.async_copy(
                    ones_v, acc.at[idx_d.at[g * NB + b]], sem_s, add=True)
            return carry

        lax.fori_loop(0, GROUPS, body, 0)

        def drain(g, carry):
            pltpu.make_async_copy(
                z_hbm.at[pl.ds(0, CH)], ones_v, sem_s).wait()
            return carry

        lax.fori_loop(0, NCHUNK, drain, 0)
        plsc.subcore_barrier()
        pltpu.sync_copy(acc.at[pl.ds(sid * RPT, RPT)], stage)
        pltpu.sync_copy(stage, out_hbm.at[pl.ds(cid * N_PAD + sid * RPT, RPT)])

    return k(dstg, zeros1d)


def _sc_scatter(hp, srcg, dstg, zeros2d, D):

    @functools.partial(
        pl.kernel,
        out_type=jax.ShapeDtypeStruct((NC, N_PAD, D), _f32),
        mesh=_sc_mesh(),
        compiler_params=pltpu.CompilerParams(use_tc_tiling_on_sc=False),
        scratch_types=[
            pltpu.VMEM((EPT_P,), jnp.int32),
            pltpu.VMEM((NCHUNK, CH), jnp.int32),
            [pltpu.VMEM((GCH, D), _f32)] * NB,
            pltpu.VMEM((RPT, D), _f32),
            pltpu.VMEM_SHARED((N_PAD, D), _f32),
            [pltpu.SemaphoreType.DMA] * NB,
            [pltpu.SemaphoreType.DMA] * NB,
        ],
    )
    def k(hp_hbm, src_hbm, dst_hbm, z_hbm, out_hbm, idx_s, idx_d, rows, stage,
          acc, sem_g, sem_s):
        cid = lax.axis_index("c")
        sid = lax.axis_index("s")
        wid = cid * NS + sid
        d1 = pltpu.async_copy(src_hbm.at[wid], idx_s, sem_g[0])
        d2 = pltpu.async_copy(dst_hbm.at[wid], idx_d, sem_g[1])
        d3 = pltpu.async_copy(z_hbm.at[pl.ds(0, RPT)], stage, sem_g[2])
        d3.wait()
        d4 = pltpu.async_copy(stage, acc.at[pl.ds(sid * RPT, RPT)], sem_g[3])
        d1.wait()
        d2.wait()
        d4.wait()
        plsc.subcore_barrier()

        def _drain_scatters(b):
            pltpu.make_async_copy(
                hp_hbm.at[pl.ds(0, GCH)], rows[b], sem_s[b]).wait()

        def body(g, carry):
            gd = []
            for b in range(NB):
                pl.when(g > 0)(lambda b=b: _drain_scatters(b))
                q = (g * NB + b) * GCH
                gd.append(pltpu.async_copy(
                    hp_hbm.at[idx_s.at[pl.ds(q, GCH)]], rows[b], sem_g[b]))
            for b in range(NB):
                gd[b].wait()
                for u in range(SUPER):
                    j = (g * NB + b) * SUPER + u
                    pltpu.async_copy(
                        rows[b].at[pl.ds(u * CH, CH)],
                        acc.at[idx_d.at[j]], sem_s[b], add=True)
            return carry

        lax.fori_loop(0, NCHUNK // (SUPER * NB), body, 0)
        for b in range(NB):
            _drain_scatters(b)
        plsc.subcore_barrier()
        pltpu.sync_copy(acc.at[pl.ds(sid * RPT, RPT)], stage)
        pltpu.sync_copy(stage, out_hbm.at[cid, pl.ds(sid * RPT, RPT)])

    return k(hp, srcg, dstg, zeros2d)


_BM = 2000


def _tc_lin1(x, W1, degT):

    def body(x_ref, w_ref, d_ref, o_ref):
        d = d_ref[...]
        dis = lax.rsqrt(1.0 + d[:, 0] + d[:, 1])[:, None]
        h = jnp.dot(x_ref[...], w_ref[...], preferred_element_type=_f32)
        o_ref[...] = h * dis

    return pl.pallas_call(
        body,
        grid=(N // _BM,),
        in_specs=[
            pl.BlockSpec((_BM, D_IN), lambda i: (i, 0)),
            pl.BlockSpec((D_IN, D_HID), lambda i: (0, 0)),
            pl.BlockSpec((_BM, NC), lambda i: (i, 0)),
        ],
        out_specs=pl.BlockSpec((_BM, D_HID), lambda i: (i, 0)),
        out_shape=jax.ShapeDtypeStruct((N, D_HID), _f32),
    )(x, W1, degT)


def _tc_mid(accp, h1p, degT, b1, W2p):

    def body(a_ref, h_ref, d_ref, b_ref, w_ref, o_ref):
        d = d_ref[...]
        dis = lax.rsqrt(1.0 + d[:, 0] + d[:, 1])[:, None]
        z = (a_ref[0] + a_ref[1] + h_ref[...]) * dis + b_ref[...]
        r = jnp.maximum(z, 0.0)
        o_ref[...] = jnp.dot(r, w_ref[...], preferred_element_type=_f32) * dis

    return pl.pallas_call(
        body,
        grid=(N // _BM,),
        in_specs=[
            pl.BlockSpec((NC, _BM, D_PAD), lambda i: (0, i, 0)),
            pl.BlockSpec((_BM, D_PAD), lambda i: (i, 0)),
            pl.BlockSpec((_BM, NC), lambda i: (i, 0)),
            pl.BlockSpec((1, D_HID), lambda i: (0, 0)),
            pl.BlockSpec((D_HID, D2), lambda i: (0, 0)),
        ],
        out_specs=pl.BlockSpec((_BM, D2), lambda i: (i, 0)),
        out_shape=jax.ShapeDtypeStruct((N, D2), _f32),
    )(accp, h1p, degT, b1, W2p)


def _tc_out(accp, h2p, degT, b2p):

    def body(a_ref, h_ref, d_ref, b_ref, o_ref):
        d = d_ref[...]
        dis = lax.rsqrt(1.0 + d[:, 0] + d[:, 1])[:, None]
        o = (a_ref[0] + a_ref[1] + h_ref[...]) * dis + b_ref[...]
        col = lax.broadcasted_iota(jnp.int32, o.shape, 1)
        o = jnp.where(col < D_OUT, o, -1e30)
        m = jnp.max(o, axis=1, keepdims=True)
        s = jnp.sum(jnp.exp(o - m), axis=1, keepdims=True)
        o_ref[...] = o - m - jnp.log(s)

    return pl.pallas_call(
        body,
        grid=(N // _BM,),
        in_specs=[
            pl.BlockSpec((NC, _BM, D2), lambda i: (0, i, 0)),
            pl.BlockSpec((_BM, D2), lambda i: (i, 0)),
            pl.BlockSpec((_BM, NC), lambda i: (i, 0)),
            pl.BlockSpec((1, D2), lambda i: (0, 0)),
        ],
        out_specs=pl.BlockSpec((_BM, D2), lambda i: (i, 0)),
        out_shape=jax.ShapeDtypeStruct((N, D2), _f32),
    )(accp, h2p, degT, b2p)


def kernel(x, edge_index, W1, b1, W2, b2):
    ei = edge_index.astype(jnp.int32)
    pad = EPT_P - EPT
    srcg = jnp.pad(ei[0].reshape(NW, EPT), ((0, 0), (0, pad)))
    dstg = jnp.pad(ei[1].reshape(NW, EPT), ((0, 0), (0, pad)),
                   constant_values=N).reshape(NW, NCHUNK, CH)

    zeros1d = jnp.zeros((N_PAD,), _f32)
    zeros2d = jnp.zeros((N_PAD, D_PAD), _f32)
    zeros2d8 = jnp.zeros((N_PAD, D2), _f32)
    W2p = jnp.zeros((D_HID, D2), _f32).at[:, :D_OUT].set(W2)
    b1r = b1.reshape(1, D_HID)
    b2p = jnp.zeros((1, D2), _f32).at[0, :D_OUT].set(b2)

    degp = _sc_degree(dstg, zeros1d).reshape(NC, N_PAD)
    degT = degp[:, :N].T

    h1p = _tc_lin1(x, W1, degT)
    acc1 = _sc_scatter(h1p, srcg, dstg, zeros2d, D_PAD)
    h2p = _tc_mid(acc1, h1p, degT, b1r, W2p)
    acc2 = _sc_scatter(h2p, srcg, dstg, zeros2d8, D2)
    out = _tc_out(acc2, h2p, degT, b2p)
    return out[:, :D_OUT]

# --- scband reference (transcript-rebuilt; emitter-appended) ---
"""Pipeline reference for scband-gcn-23828478558585 (READ-ONLY COPY).

The authoritative reference and input builder live on the scoring server;
editing this copy changes nothing except your own understanding.
"""

import jax, jax.numpy as jnp
import numpy as np

N_NODES = 10000
N_EDGES = 320000
D_IN = 128
D_HID = 16
D_OUT = 7


def gcn_conv(x, edge_index, W, b, num_nodes):
    # GCNConv (PyG semantics): add self-loops, symmetric normalization, linear, scatter-add, bias
    src = edge_index[0]
    dst = edge_index[1]
    loop = jnp.arange(num_nodes, dtype=edge_index.dtype)
    src = jnp.concatenate([src, loop])
    dst = jnp.concatenate([dst, loop])
    deg = jnp.zeros((num_nodes,), dtype=x.dtype).at[dst].add(1.0)
    deg_inv_sqrt = jnp.where(deg > 0, deg ** -0.5, 0.0)
    norm = deg_inv_sqrt[src] * deg_inv_sqrt[dst]
    h = x @ W
    msg = h[src] * norm[:, None]
    out = jnp.zeros((num_nodes, W.shape[1]), dtype=x.dtype).at[dst].add(msg)
    return out + b


def setup_inputs(seed: int = 0) -> dict:
    key = jax.random.key(seed)
    k1, k2, k3, k4, k5, k6 = jax.random.split(key, 6)
    x = jax.random.normal(k1, (N_NODES, D_IN), dtype=jnp.float32)
    edge_index = jax.random.randint(k2, (2, N_EDGES), 0, N_NODES, dtype=jnp.int64)
    W1 = jax.random.normal(k3, (D_IN, D_HID), dtype=jnp.float32) * (1.0 / np.sqrt(D_IN))
    b1 = jnp.zeros((D_HID,), dtype=jnp.float32)
    W2 = jax.random.normal(k4, (D_HID, D_OUT), dtype=jnp.float32) * (1.0 / np.sqrt(D_HID))
    b2 = jnp.zeros((D_OUT,), dtype=jnp.float32)
    return {"x": x, "edge_index": edge_index, "W1": W1, "b1": b1, "W2": W2, "b2": b2}


def reference(x, edge_index, W1, b1, W2, b2):
    h = gcn_conv(x, edge_index, W1, b1, N_NODES)
    h = jax.nn.relu(h)
    # dropout is identity in eval mode (training=False)
    h = gcn_conv(h, edge_index, W2, b2, N_NODES)
    return jax.nn.log_softmax(h, axis=1)

if __name__ == "__main__":
    import jax
    _d = setup_inputs()
    print(jax.jit(kernel)(*tuple(_d.values())))

</pallas_src>

<mosaic_0001>
#map = affine_map<(d0, d1) -> (0, 0)>
#map1 = affine_map<(d0, d1) -> (0, 0, 0)>
module attributes {stable_mosaic.version = 14 : i64} {
  func.func @k(%arg0: i32, %arg1: i32, %arg2: memref<10000x16xf32, #tpu.memory_space<hbm>>, %arg3: memref<32x10240xi32, #tpu.memory_space<hbm>>, %arg4: memref<32x80x128xi32, #tpu.memory_space<hbm>>, %arg5: memref<10240x16xf32, #tpu.memory_space<hbm>>, %arg6: memref<2x10240x16xf32, #tpu.memory_space<hbm>>, %arg7: memref<10240xi32, #tpu.memory_space<vmem>>, %arg8: memref<80x128xi32, #tpu.memory_space<vmem>>, %arg9: memref<512x16xf32, #tpu.memory_space<vmem>>, %arg10: memref<512x16xf32, #tpu.memory_space<vmem>>, %arg11: memref<512x16xf32, #tpu.memory_space<vmem>>, %arg12: memref<512x16xf32, #tpu.memory_space<vmem>>, %arg13: memref<640x16xf32, #tpu.memory_space<vmem>>, %arg14: memref<10240x16xf32, #tpu.memory_space<vmem_shared>>, %arg15: memref<!tpu.dma_semaphore, #tpu.memory_space<semaphore_mem>>, %arg16: memref<!tpu.dma_semaphore, #tpu.memory_space<semaphore_mem>>, %arg17: memref<!tpu.dma_semaphore, #tpu.memory_space<semaphore_mem>>, %arg18: memref<!tpu.dma_semaphore, #tpu.memory_space<semaphore_mem>>, %arg19: memref<!tpu.dma_semaphore, #tpu.memory_space<semaphore_mem>>, %arg20: memref<!tpu.dma_semaphore, #tpu.memory_space<semaphore_mem>>, %arg21: memref<!tpu.dma_semaphore, #tpu.memory_space<semaphore_mem>>, %arg22: memref<!tpu.dma_semaphore, #tpu.memory_space<semaphore_mem>>) attributes {dimension_semantics = [#tpu.dimension_semantics<core_parallel>, #tpu.dimension_semantics<subcore_parallel>], iteration_bounds = array<i64: 2, 16>, scalar_prefetch = 0 : i64, scratch_operands = 16 : i64, tpu.core_type = #tpu.core_type<sc_vector_subcore>, window_params = [{transform_indices = #map}, {transform_indices = #map}, {transform_indices = #map1}, {transform_indices = #map}, {transform_indices = #map1}]} {
    %mul3A = arith.constant 16 : i32
    %mul3A_0 = arith.muli %arg0, %mul3A : i32
    %add3A = arith.addi %mul3A_0, %arg1 : i32
    %dma_start3A = arith.constant 0 : i32
    %dma_start3A_1 = tpu.memref_slice %arg3[%add3A, %dma_start3A] : memref<32x10240xi32, #tpu.memory_space<hbm>> -> memref<1x10240xi32, #tpu.memory_space<hbm>>
    %dma_start3A_2 = tpu.memref_squeeze %dma_start3A_1 : memref<1x10240xi32, #tpu.memory_space<hbm>> -> memref<10240xi32, #tpu.memory_space<hbm>>
    %dma_start3A_3 = arith.constant 0 : i32
    %dma_start3A_4 = tpu.memref_slice %arg3[%add3A, %dma_start3A_3] : memref<32x10240xi32, #tpu.memory_space<hbm>> -> memref<1x10240xi32, #tpu.memory_space<hbm>>
    %dma_start3A_5 = tpu.memref_squeeze %dma_start3A_4 : memref<1x10240xi32, #tpu.memory_space<hbm>> -> memref<10240xi32, #tpu.memory_space<hbm>>
    tpu.enqueue_dma source(%dma_start3A_5 : memref<10240xi32, #tpu.memory_space<hbm>>) target(%arg7 : memref<10240xi32, #tpu.memory_space<vmem>>) target_semaphore(%arg15 : memref<!tpu.dma_semaphore, #tpu.memory_space<semaphore_mem>>)
    %dma_start3A_6 = arith.constant 0 : i32
    %dma_start3A_7 = arith.constant 0 : i32
    %dma_start3A_8 = tpu.memref_slice %arg4[%add3A, %dma_start3A_6, %dma_start3A_7] : memref<32x80x128xi32, #tpu.memory_space<hbm>> -> memref<1x80x128xi32, #tpu.memory_space<hbm>>
    %dma_start3A_9 = tpu.memref_squeeze %dma_start3A_8 : memref<1x80x128xi32, #tpu.memory_space<hbm>> -> memref<80x128xi32, #tpu.memory_space<hbm>>
    %dma_start3A_10 = arith.constant 0 : i32
    %dma_start3A_11 = arith.constant 0 : i32
    %dma_start3A_12 = tpu.memref_slice %arg4[%add3A, %dma_start3A_10, %dma_start3A_11] : memref<32x80x128xi32, #tpu.memory_space<hbm>> -> memref<1x80x128xi32, #tpu.memory_space<hbm>>
    %dma_start3A_13 = tpu.memref_squeeze %dma_start3A_12 : memref<1x80x128xi32, #tpu.memory_space<hbm>> -> memref<80x128xi32, #tpu.memory_space<hbm>>
    tpu.enqueue_dma source(%dma_start3A_13 : memref<80x128xi32, #tpu.memory_space<hbm>>) target(%arg8 : memref<80x128xi32, #tpu.memory_space<vmem>>) target_semaphore(%arg16 : memref<!tpu.dma_semaphore, #tpu.memory_space<semaphore_mem>>)
    %dma_start3A_14 = arith.constant 0 : i32
    %dma_start3A_15 = arith.constant 0 : i32
    %dma_start3A_16 = tpu.memref_slice %arg5[%dma_start3A_14, %dma_start3A_15] : memref<10240x16xf32, #tpu.memory_space<hbm>> -> memref<640x16xf32, #tpu.memory_space<hbm>>
    %dma_start3A_17 = arith.constant 0 : i32
    %dma_start3A_18 = arith.constant 0 : i32
    %dma_start3A_19 = tpu.memref_slice %arg5[%dma_start3A_17, %dma_start3A_18] : memref<10240x16xf32, #tpu.memory_space<hbm>> -> memref<640x16xf32, #tpu.memory_space<hbm>>
    tpu.enqueue_dma source(%dma_start3A_19 : memref<640x16xf32, #tpu.memory_space<hbm>>) target(%arg13 : memref<640x16xf32, #tpu.memory_space<vmem>>) target_semaphore(%arg17 : memref<!tpu.dma_semaphore, #tpu.memory_space<semaphore_mem>>)
    %dma_wait3A = arith.constant 0 : i32
    %dma_wait3A_20 = arith.constant 0 : i32
    %dma_wait3A_21 = tpu.memref_slice %arg5[%dma_wait3A, %dma_wait3A_20] : memref<10240x16xf32, #tpu.memory_space<hbm>> -> memref<640x16xf32, #tpu.memory_space<hbm>>
    %dma_wait3A_22 = arith.constant 0 : i32
    %dma_wait3A_23 = arith.constant 0 : i32
    %dma_wait3A_24 = tpu.memref_slice %arg5[%dma_wait3A_22, %dma_wait3A_23] : memref<10240x16xf32, #tpu.memory_space<hbm>> -> memref<640x16xf32, #tpu.memory_space<hbm>>
    tpu.wait_dma2 semaphore(%arg17 : memref<!tpu.dma_semaphore, #tpu.memory_space<semaphore_mem>>) src(%dma_wait3A_24 : memref<640x16xf32, #tpu.memory_space<hbm>>) dst(%arg13 : memref<640x16xf32, #tpu.memory_space<vmem>>)
    %mul3A_25 = arith.constant 640 : i32
    %mul3A_26 = arith.muli %arg1, %mul3A_25 : i32
    %dma_start3A_27 = arith.constant 0 : i32
    %dma_start3A_28 = tpu.memref_slice %arg14[%mul3A_26, %dma_start3A_27] : memref<10240x16xf32, #tpu.memory_space<vmem_shared>> -> memref<640x16xf32, #tpu.memory_space<vmem_shared>>
    %dma_start3A_29 = arith.constant 0 : i32
    %dma_start3A_30 = tpu.memref_slice %arg14[%mul3A_26, %dma_start3A_29] : memref<10240x16xf32, #tpu.memory_space<vmem_shared>> -> memref<640x16xf32, #tpu.memory_space<vmem_shared>>
    tpu.enqueue_dma source(%arg13 : memref<640x16xf32, #tpu.memory_space<vmem>>) target(%dma_start3A_30 : memref<640x16xf32, #tpu.memory_space<vmem_shared>>) target_semaphore(%arg18 : memref<!tpu.dma_semaphore, #tpu.memory_space<semaphore_mem>>)
    %dma_wait3A_31 = arith.constant 0 : i32
    %dma_wait3A_32 = tpu.memref_slice %arg3[%add3A, %dma_wait3A_31] : memref<32x10240xi32, #tpu.memory_space<hbm>> -> memref<1x10240xi32, #tpu.memory_space<hbm>>
    %dma_wait3A_33 = tpu.memref_squeeze %dma_wait3A_32 : memref<1x10240xi32, #tpu.memory_space<hbm>> -> memref<10240xi32, #tpu.memory_space<hbm>>
    %dma_wait3A_34 = arith.constant 0 : i32
    %dma_wait3A_35 = tpu.memref_slice %arg3[%add3A, %dma_wait3A_34] : memref<32x10240xi32, #tpu.memory_space<hbm>> -> memref<1x10240xi32, #tpu.memory_space<hbm>>
    %dma_wait3A_36 = tpu.memref_squeeze %dma_wait3A_35 : memref<1x10240xi32, #tpu.memory_space<hbm>> -> memref<10240xi32, #tpu.memory_space<hbm>>
    tpu.wait_dma2 semaphore(%arg15 : memref<!tpu.dma_semaphore, #tpu.memory_space<semaphore_mem>>) src(%dma_wait3A_36 : memref<10240xi32, #tpu.memory_space<hbm>>) dst(%arg7 : memref<10240xi32, #tpu.memory_space<vmem>>)
    %dma_wait3A_37 = arith.constant 0 : i32
    %dma_wait3A_38 = arith.constant 0 : i32
    %dma_wait3A_39 = tpu.memref_slice %arg4[%add3A, %dma_wait3A_37, %dma_wait3A_38] : memref<32x80x128xi32, #tpu.memory_space<hbm>> -> memref<1x80x128xi32, #tpu.memory_space<hbm>>
    %dma_wait3A_40 = tpu.memref_squeeze %dma_wait3A_39 : memref<1x80x128xi32, #tpu.memory_space<hbm>> -> memref<80x128xi32, #tpu.memory_space<hbm>>
    %dma_wait3A_41 = arith.constant 0 : i32
    %dma_wait3A_42 = arith.constant 0 : i32
    %dma_wait3A_43 = tpu.memref_slice %arg4[%add3A, %dma_wait3A_41, %dma_wait3A_42] : memref<32x80x128xi32, #tpu.memory_space<hbm>> -> memref<1x80x128xi32, #tpu.memory_space<hbm>>
    %dma_wait3A_44 = tpu.memref_squeeze %dma_wait3A_43 : memref<1x80x128xi32, #tpu.memory_space<hbm>> -> memref<80x128xi32, #tpu.memory_space<hbm>>
    tpu.wait_dma2 semaphore(%arg16 : memref<!tpu.dma_semaphore, #tpu.memory_space<semaphore_mem>>) src(%dma_wait3A_44 : memref<80x128xi32, #tpu.memory_space<hbm>>) dst(%arg8 : memref<80x128xi32, #tpu.memory_space<vmem>>)
    %dma_wait3A_45 = arith.constant 0 : i32
    %dma_wait3A_46 = tpu.memref_slice %arg14[%mul3A_26, %dma_wait3A_45] : memref<10240x16xf32, #tpu.memory_space<vmem_shared>> -> memref<640x16xf32, #tpu.memory_space<vmem_shared>>
    %dma_wait3A_47 = arith.constant 0 : i32
    %dma_wait3A_48 = tpu.memref_slice %arg14[%mul3A_26, %dma_wait3A_47] : memref<10240x16xf32, #tpu.memory_space<vmem_shared>> -> memref<640x16xf32, #tpu.memory_space<vmem_shared>>
    tpu.wait_dma2 semaphore(%arg18 : memref<!tpu.dma_semaphore, #tpu.memory_space<semaphore_mem>>) src(%arg13 : memref<640x16xf32, #tpu.memory_space<vmem>>) dst(%dma_wait3A_48 : memref<640x16xf32, #tpu.memory_space<vmem_shared>>)
    %barrier3A = arith.constant 0 : index
    tpu.barrier barrier_id(%barrier3A)
    %scan3A = arith.constant 0 : i32
    %scan3A_49 = arith.constant 0 : i32
    %scan3A_50 = arith.constant 5 : i32
    %scan3A_51 = arith.addi %scan3A_49, %scan3A_50 : i32
    %scan3A_52 = arith.constant 1 : i32
    scf.for %scan3A_83 = %scan3A_49 to %scan3A_51 step %scan3A_52  : i32 {
      %gt3A = arith.constant 0 : i32
      %gt3A_84 = arith.cmpi sgt, %scan3A_83, %gt3A : i32
      %convert_element_type3A = arith.extui %gt3A_84 : i1 to i32
      %cond3A = arith.constant 0 : i32
      %cond3A_85 = arith.cmpi ne, %convert_element_type3A, %cond3A : i32
      scf.if %cond3A_85 {
        %dma_wait3A_429 = arith.constant 0 : i32
        %dma_wait3A_430 = arith.constant 0 : i32
        %dma_wait3A_431 = tpu.memref_slice %arg2[%dma_wait3A_429, %dma_wait3A_430] : memref<10000x16xf32, #tpu.memory_space<hbm>> -> memref<512x16xf32, #tpu.memory_space<hbm>>
        %dma_wait3A_432 = arith.constant 0 : i32
        %dma_wait3A_433 = arith.constant 0 : i32
        %dma_wait3A_434 = tpu.memref_slice %arg2[%dma_wait3A_432, %dma_wait3A_433] : memref<10000x16xf32, #tpu.memory_space<hbm>> -> memref<512x16xf32, #tpu.memory_space<hbm>>
        tpu.wait_dma2 semaphore(%arg19 : memref<!tpu.dma_semaphore, #tpu.memory_space<semaphore_mem>>) src(%dma_wait3A_434 : memref<512x16xf32, #tpu.memory_space<hbm>>) dst(%arg9 : memref<512x16xf32, #tpu.memory_space<vmem>>)
      } else {
      }
      %mul3A_86 = arith.constant 4 : i32
      %mul3A_87 = arith.muli %scan3A_83, %mul3A_86 : i32
      %add3A_88 = arith.constant 0 : i32
      %add3A_89 = arith.addi %mul3A_87, %add3A_88 : i32
      %mul3A_90 = arith.constant 512 : i32
      %mul3A_91 = arith.muli %add3A_89, %mul3A_90 : i32
      %dma_start3A_92 = tpu.memref_slice %arg7[%mul3A_91] : memref<10240xi32, #tpu.memory_space<vmem>> -> memref<512xi32, #tpu.memory_space<vmem>>
      %dma_start3A_93 = arith.constant 0 : i32
      %dma_start3A_94 = arith.constant 0 : i32
      %dma_start3A_95 = tpu.memref_slice %arg2[%dma_start3A_93, %dma_start3A_94] : memref<10000x16xf32, #tpu.memory_space<hbm>> -> memref<10000x16xf32, #tpu.memory_space<hbm>>
      tpu.enqueue_indirect_dma source(%dma_start3A_95 : memref<10000x16xf32, #tpu.memory_space<hbm>>) target(%arg9 : memref<512x16xf32, #tpu.memory_space<vmem>>) offsets(%dma_start3A_92 : memref<512xi32, #tpu.memory_space<vmem>>) semaphore(%arg15 : memref<!tpu.dma_semaphore, #tpu.memory_space<semaphore_mem>>)
      %gt3A_96 = arith.constant 0 : i32
      %gt3A_97 = arith.cmpi sgt, %scan3A_83, %gt3A_96 : i32
      %convert_element_type3A_98 = arith.extui %gt3A_97 : i1 to i32
      %cond3A_99 = arith.constant 0 : i32
      %cond3A_100 = arith.cmpi ne, %convert_element_type3A_98, %cond3A_99 : i32
      scf.if %cond3A_100 {
        %dma_wait3A_429 = arith.constant 0 : i32
        %dma_wait3A_430 = arith.constant 0 : i32
        %dma_wait3A_431 = tpu.memref_slice %arg2[%dma_wait3A_429, %dma_wait3A_430] : memref<10000x16xf32, #tpu.memory_space<hbm>> -> memref<512x16xf32, #tpu.memory_space<hbm>>
        %dma_wait3A_432 = arith.constant 0 : i32
        %dma_wait3A_433 = arith.constant 0 : i32
        %dma_wait3A_434 = tpu.memref_slice %arg2[%dma_wait3A_432, %dma_wait3A_433] : memref<10000x16xf32, #tpu.memory_space<hbm>> -> memref<512x16xf32, #tpu.memory_space<hbm>>
        tpu.wait_dma2 semaphore(%arg20 : memref<!tpu.dma_semaphore, #tpu.memory_space<semaphore_mem>>) src(%dma_wait3A_434 : memref<512x16xf32, #tpu.memory_space<hbm>>) dst(%arg10 : memref<512x16xf32, #tpu.memory_space<vmem>>)
      } else {
      }
      %mul3A_101 = arith.constant 4 : i32
      %mul3A_102 = arith.muli %scan3A_83, %mul3A_101 : i32
      %add3A_103 = arith.constant 1 : i32
      %add3A_104 = arith.addi %mul3A_102, %add3A_103 : i32
      %mul3A_105 = arith.constant 512 : i32
      %mul3A_106 = arith.muli %add3A_104, %mul3A_105 : i32
      %dma_start3A_107 = tpu.memref_slice %arg7[%mul3A_106] : memref<10240xi32, #tpu.memory_space<vmem>> -> memref<512xi32, #tpu.memory_space<vmem>>
      %dma_start3A_108 = arith.constant 0 : i32
      %dma_start3A_109 = arith.constant 0 : i32
      %dma_start3A_110 = tpu.memref_slice %arg2[%dma_start3A_108, %dma_start3A_109] : memref<10000x16xf32, #tpu.memory_space<hbm>> -> memref<10000x16xf32, #tpu.memory_space<hbm>>
      tpu.enqueue_indirect_dma source(%dma_start3A_110 : memref<10000x16xf32, #tpu.memory_space<hbm>>) target(%arg10 : memref<512x16xf32, #tpu.memory_space<vmem>>) offsets(%dma_start3A_107 : memref<512xi32, #tpu.memory_space<vmem>>) semaphore(%arg16 : memref<!tpu.dma_semaphore, #tpu.memory_space<semaphore_mem>>)
      %gt3A_111 = arith.constant 0 : i32
      %gt3A_112 = arith.cmpi sgt, %scan3A_83, %gt3A_111 : i32
      %convert_element_type3A_113 = arith.extui %gt3A_112 : i1 to i32
      %cond3A_114 = arith.constant 0 : i32
      %cond3A_115 = arith.cmpi ne, %convert_element_type3A_113, %cond3A_114 : i32
      scf.if %cond3A_115 {
        %dma_wait3A_429 = arith.constant 0 : i32
        %dma_wait3A_430 = arith.constant 0 : i32
        %dma_wait3A_431 = tpu.memref_slice %arg2[%dma_wait3A_429, %dma_wait3A_430] : memref<10000x16xf32, #tpu.memory_space<hbm>> -> memref<512x16xf32, #tpu.memory_space<hbm>>
        %dma_wait3A_432 = arith.constant 0 : i32
        %dma_wait3A_433 = arith.constant 0 : i32
        %dma_wait3A_434 = tpu.memref_slice %arg2[%dma_wait3A_432, %dma_wait3A_433] : memref<10000x16xf32, #tpu.memory_space<hbm>> -> memref<512x16xf32, #tpu.memory_space<hbm>>
        tpu.wait_dma2 semaphore(%arg21 : memref<!tpu.dma_semaphore, #tpu.memory_space<semaphore_mem>>) src(%dma_wait3A_434 : memref<512x16xf32, #tpu.memory_space<hbm>>) dst(%arg11 : memref<512x16xf32, #tpu.memory_space<vmem>>)
      } else {
      }
      %mul3A_116 = arith.constant 4 : i32
      %mul3A_117 = arith.muli %scan3A_83, %mul3A_116 : i32
      %add3A_118 = arith.constant 2 : i32
      %add3A_119 = arith.addi %mul3A_117, %add3A_118 : i32
      %mul3A_120 = arith.constant 512 : i32
      %mul3A_121 = arith.muli %add3A_119, %mul3A_120 : i32
      %dma_start3A_122 = tpu.memref_slice %arg7[%mul3A_121] : memref<10240xi32, #tpu.memory_space<vmem>> -> memref<512xi32, #tpu.memory_space<vmem>>
      %dma_start3A_123 = arith.constant 0 : i32
      %dma_start3A_124 = arith.constant 0 : i32
      %dma_start3A_125 = tpu.memref_slice %arg2[%dma_start3A_123, %dma_start3A_124] : memref<10000x16xf32, #tpu.memory_space<hbm>> -> memref<10000x16xf32, #tpu.memory_space<hbm>>
      tpu.enqueue_indirect_dma source(%dma_start3A_125 : memref<10000x16xf32, #tpu.memory_space<hbm>>) target(%arg11 : memref<512x16xf32, #tpu.memory_space<vmem>>) offsets(%dma_start3A_122 : memref<512xi32, #tpu.memory_space<vmem>>) semaphore(%arg17 : memref<!tpu.dma_semaphore, #tpu.memory_space<semaphore_mem>>)
      %gt3A_126 = arith.constant 0 : i32
      %gt3A_127 = arith.cmpi sgt, %scan3A_83, %gt3A_126 : i32
      %convert_element_type3A_128 = arith.extui %gt3A_127 : i1 to i32
      %cond3A_129 = arith.constant 0 : i32
      %cond3A_130 = arith.cmpi ne, %convert_element_type3A_128, %cond3A_129 : i32
      scf.if %cond3A_130 {
        %dma_wait3A_429 = arith.constant 0 : i32
        %dma_wait3A_430 = arith.constant 0 : i32
        %dma_wait3A_431 = tpu.memref_slice %arg2[%dma_wait3A_429, %dma_wait3A_430] : memref<10000x16xf32, #tpu.memory_space<hbm>> -> memref<512x16xf32, #tpu.memory_space<hbm>>
        %dma_wait3A_432 = arith.constant 0 : i32
        %dma_wait3A_433 = arith.constant 0 : i32
        %dma_wait3A_434 = tpu.memref_slice %arg2[%dma_wait3A_432, %dma_wait3A_433] : memref<10000x16xf32, #tpu.memory_space<hbm>> -> memref<512x16xf32, #tpu.memory_space<hbm>>
        tpu.wait_dma2 semaphore(%arg22 : memref<!tpu.dma_semaphore, #tpu.memory_space<semaphore_mem>>) src(%dma_wait3A_434 : memref<512x16xf32, #tpu.memory_space<hbm>>) dst(%arg12 : memref<512x16xf32, #tpu.memory_space<vmem>>)
      } else {
      }
      %mul3A_131 = arith.constant 4 : i32
      %mul3A_132 = arith.muli %scan3A_83, %mul3A_131 : i32
      %add3A_133 = arith.constant 3 : i32
      %add3A_134 = arith.addi %mul3A_132, %add3A_133 : i32
      %mul3A_135 = arith.constant 512 : i32
      %mul3A_136 = arith.muli %add3A_134, %mul3A_135 : i32
      %dma_start3A_137 = tpu.memref_slice %arg7[%mul3A_136] : memref<10240xi32, #tpu.memory_space<vmem>> -> memref<512xi32, #tpu.memory_space<vmem>>
      %dma_start3A_138 = arith.constant 0 : i32
      %dma_start3A_139 = arith.constant 0 : i32
      %dma_start3A_140 = tpu.memref_slice %arg2[%dma_start3A_138, %dma_start3A_139] : memref<10000x16xf32, #tpu.memory_space<hbm>> -> memref<10000x16xf32, #tpu.memory_space<hbm>>
      tpu.enqueue_indirect_dma source(%dma_start3A_140 : memref<10000x16xf32, #tpu.memory_space<hbm>>) target(%arg12 : memref<512x16xf32, #tpu.memory_space<vmem>>) offsets(%dma_start3A_137 : memref<512xi32, #tpu.memory_space<vmem>>) semaphore(%arg18 : memref<!tpu.dma_semaphore, #tpu.memory_space<semaphore_mem>>)
      %dma_wait3A_141 = tpu.memref_slice %arg7[%mul3A_91] : memref<10240xi32, #tpu.memory_space<vmem>> -> memref<512xi32, #tpu.memory_space<vmem>>
      %dma_wait3A_142 = arith.constant 0 : i32
      %dma_wait3A_143 = arith.constant 0 : i32
      %dma_wait3A_144 = tpu.memref_slice %arg2[%dma_wait3A_142, %dma_wait3A_143] : memref<10000x16xf32, #tpu.memory_space<hbm>> -> memref<10000x16xf32, #tpu.memory_space<hbm>>
      tpu.wait_indirect_dma semaphore(%arg15 : memref<!tpu.dma_semaphore, #tpu.memory_space<semaphore_mem>>) src(%dma_wait3A_144 : memref<10000x16xf32, #tpu.memory_space<hbm>>) dst(%arg9 : memref<512x16xf32, #tpu.memory_space<vmem>>)
      %mul3A_145 = arith.constant 4 : i32
      %mul3A_146 = arith.muli %scan3A_83, %mul3A_145 : i32
      %add3A_147 = arith.constant 0 : i32
      %add3A_148 = arith.addi %mul3A_146, %add3A_147 : i32
      %mul3A_149 = arith.constant 4 : i32
      %mul3A_150 = arith.muli %add3A_148, %mul3A_149 : i32
      %add3A_151 = arith.constant 0 : i32
      %add3A_152 = arith.addi %mul3A_150, %add3A_151 : i32
      %dma_start3A_153 = arith.constant 0 : i32
      %dma_start3A_154 = arith.constant 0 : i32
      %dma_start3A_155 = tpu.memref_slice %arg9[%dma_start3A_153, %dma_start3A_154] : memref<512x16xf32, #tpu.memory_space<vmem>> -> memref<128x16xf32, #tpu.memory_space<vmem>>
      %dma_start3A_156 = arith.constant 0 : i32
      %dma_start3A_157 = tpu.memref_slice %arg8[%add3A_152, %dma_start3A_156] : memref<80x128xi32, #tpu.memory_space<vmem>> -> memref<1x128xi32, #tpu.memory_space<vmem>>
      %dma_start3A_158 = tpu.memref_squeeze %dma_start3A_157 : memref<1x128xi32, #tpu.memory_space<vmem>> -> memref<128xi32, #tpu.memory_space<vmem>>
      %dma_start3A_159 = arith.constant 0 : i32
      %dma_start3A_160 = arith.constant 0 : i32
      %dma_start3A_161 = tpu.memref_slice %arg14[%dma_start3A_159, %dma_start3A_160] : memref<10240x16xf32, #tpu.memory_space<vmem_shared>> -> memref<10240x16xf32, #tpu.memory_space<vmem_shared>>
      tpu.enqueue_indirect_dma source(%dma_start3A_155 : memref<128x16xf32, #tpu.memory_space<vmem>>) target(%dma_start3A_161 : memref<10240x16xf32, #tpu.memory_space<vmem_shared>>) offsets(%dma_start3A_158 : memref<128xi32, #tpu.memory_space<vmem>>) semaphore(%arg19 : memref<!tpu.dma_semaphore, #tpu.memory_space<semaphore_mem>>) {add = true}
      %mul3A_162 = arith.constant 4 : i32
      %mul3A_163 = arith.muli %scan3A_83, %mul3A_162 : i32
      %add3A_164 = arith.constant 0 : i32
      %add3A_165 = arith.addi %mul3A_163, %add3A_164 : i32
      %mul3A_166 = arith.constant 4 : i32
      %mul3A_167 = arith.muli %add3A_165, %mul3A_166 : i32
      %add3A_168 = arith.constant 1 : i32
      %add3A_169 = arith.addi %mul3A_167, %add3A_168 : i32
      %dma_start3A_170 = arith.constant 128 : i32
      %dma_start3A_171 = arith.constant 0 : i32
      %dma_start3A_172 = tpu.memref_slice %arg9[%dma_start3A_170, %dma_start3A_171] : memref<512x16xf32, #tpu.memory_space<vmem>> -> memref<128x16xf32, #tpu.memory_space<vmem>>
      %dma_start3A_173 = arith.constant 0 : i32
      %dma_start3A_174 = tpu.memref_slice %arg8[%add3A_169, %dma_start3A_173] : memref<80x128xi32, #tpu.memory_space<vmem>> -> memref<1x128xi32, #tpu.memory_space<vmem>>
      %dma_start3A_175 = tpu.memref_squeeze %dma_start3A_174 : memref<1x128xi32, #tpu.memory_space<vmem>> -> memref<128xi32, #tpu.memory_space<vmem>>
      %dma_start3A_176 = arith.constant 0 : i32
      %dma_start3A_177 = arith.constant 0 : i32
      %dma_start3A_178 = tpu.memref_slice %arg14[%dma_start3A_176, %dma_start3A_177] : memref<10240x16xf32, #tpu.memory_space<vmem_shared>> -> memref<10240x16xf32, #tpu.memory_space<vmem_shared>>
      tpu.enqueue_indirect_dma source(%dma_start3A_172 : memref<128x16xf32, #tpu.memory_space<vmem>>) target(%dma_start3A_178 : memref<10240x16xf32, #tpu.memory_space<vmem_shared>>) offsets(%dma_start3A_175 : memref<128xi32, #tpu.memory_space<vmem>>) semaphore(%arg19 : memref<!tpu.dma_semaphore, #tpu.memory_space<semaphore_mem>>) {add = true}
      %mul3A_179 = arith.constant 4 : i32
      %mul3A_180 = arith.muli %scan3A_83, %mul3A_179 : i32
      %add3A_181 = arith.constant 0 : i32
      %add3A_182 = arith.addi %mul3A_180, %add3A_181 : i32
      %mul3A_183 = arith.constant 4 : i32
      %mul3A_184 = arith.muli %add3A_182, %mul3A_183 : i32
      %add3A_185 = arith.constant 2 : i32
      %add3A_186 = arith.addi %mul3A_184, %add3A_185 : i32
      %dma_start3A_187 = arith.constant 256 : i32
      %dma_start3A_188 = arith.constant 0 : i32
      %dma_start3A_189 = tpu.memref_slice %arg9[%dma_start3A_187, %dma_start3A_188] : memref<512x16xf32, #tpu.memory_space<vmem>> -> memref<128x16xf32, #tpu.memory_space<vmem>>
      %dma_start3A_190 = arith.constant 0 : i32
      %dma_start3A_191 = tpu.memref_slice %arg8[%add3A_186, %dma_start3A_190] : memref<80x128xi32, #tpu.memory_space<vmem>> -> memref<1x128xi32, #tpu.memory_space<vmem>>
      %dma_start3A_192 = tpu.memref_squeeze %dma_start3A_191 : memref<1x128xi32, #tpu.memory_space<vmem>> -> memref<128xi32, #tpu.memory_space<vmem>>
      %dma_start3A_193 = arith.constant 0 : i32
      %dma_start3A_194 = arith.constant 0 : i32
      %dma_start3A_195 = tpu.memref_slice %arg14[%dma_start3A_193, %dma_start3A_194] : memref<10240x16xf32, #tpu.memory_space<vmem_shared>> -> memref<10240x16xf32, #tpu.memory_space<vmem_shared>>
      tpu.enqueue_indirect_dma source(%dma_start3A_189 : memref<128x16xf32, #tpu.memory_space<vmem>>) target(%dma_start3A_195 : memref<10240x16xf32, #tpu.memory_space<vmem_shared>>) offsets(%dma_start3A_192 : memref<128xi32, #tpu.memory_space<vmem>>) semaphore(%arg19 : memref<!tpu.dma_semaphore, #tpu.memory_space<semaphore_mem>>) {add = true}
      %mul3A_196 = arith.constant 4 : i32
      %mul3A_197 = arith.muli %scan3A_83, %mul3A_196 : i32
      %add3A_198 = arith.constant 0 : i32
      %add3A_199 = arith.addi %mul3A_197, %add3A_198 : i32
      %mul3A_200 = arith.constant 4 : i32
      %mul3A_201 = arith.muli %add3A_199, %mul3A_200 : i32
      %add3A_202 = arith.constant 3 : i32
      %add3A_203 = arith.addi %mul3A_201, %add3A_202 : i32
      %dma_start3A_204 = arith.constant 384 : i32
      %dma_start3A_205 = arith.constant 0 : i32
      %dma_start3A_206 = tpu.memref_slice %arg9[%dma_start3A_204, %dma_start3A_205] : memref<512x16xf32, #tpu.memory_space<vmem>> -> memref<128x16xf32, #tpu.memory_space<vmem>>
      %dma_start3A_207 = arith.constant 0 : i32
      %dma_start3A_208 = tpu.memref_slice %arg8[%add3A_203, %dma_start3A_207] : memref<80x128xi32, #tpu.memory_space<vmem>> -> memref<1x128xi32, #tpu.memory_space<vmem>>
      %dma_start3A_209 = tpu.memref_squeeze %dma_start3A_208 : memref<1x128xi32, #tpu.memory_space<vmem>> -> memref<128xi32, #tpu.memory_space<vmem>>
      %dma_start3A_210 = arith.constant 0 : i32
      %dma_start3A_211 = arith.constant 0 : i32
      %dma_start3A_212 = tpu.memref_slice %arg14[%dma_start3A_210, %dma_start3A_211] : memref<10240x16xf32, #tpu.memory_space<vmem_shared>> -> memref<10240x16xf32, #tpu.memory_space<vmem_shared>>
      tpu.enqueue_indirect_dma source(%dma_start3A_206 : memref<128x16xf32, #tpu.memory_space<vmem>>) target(%dma_start3A_212 : memref<10240x16xf32, #tpu.memory_space<vmem_shared>>) offsets(%dma_start3A_209 : memref<128xi32, #tpu.memory_space<vmem>>) semaphore(%arg19 : memref<!tpu.dma_semaphore, #tpu.memory_space<semaphore_mem>>) {add = true}
      %dma_wait3A_213 = tpu.memref_slice %arg7[%mul3A_106] : memref<10240xi32, #tpu.memory_space<vmem>> -> memref<512xi32, #tpu.memory_space<vmem>>
      %dma_wait3A_214 = arith.constant 0 : i32
      %dma_wait3A_215 = arith.constant 0 : i32
      %dma_wait3A_216 = tpu.memref_slice %arg2[%dma_wait3A_214, %dma_wait3A_215] : memref<10000x16xf32, #tpu.memory_space<hbm>> -> memref<10000x16xf32, #tpu.memory_space<hbm>>
      tpu.wait_indirect_dma semaphore(%arg16 : memref<!tpu.dma_semaphore, #tpu.memory_space<semaphore_mem>>) src(%dma_wait3A_216 : memref<10000x16xf32, #tpu.memory_space<hbm>>) dst(%arg10 : memref<512x16xf32, #tpu.memory_space<vmem>>)
      %mul3A_217 = arith.constant 4 : i32
      %mul3A_218 = arith.muli %scan3A_83, %mul3A_217 : i32
      %add3A_219 = arith.constant 1 : i32
      %add3A_220 = arith.addi %mul3A_218, %add3A_219 : i32
      %mul3A_221 = arith.constant 4 : i32
      %mul3A_222 = arith.muli %add3A_220, %mul3A_221 : i32
      %add3A_223 = arith.constant 0 : i32
      %add3A_224 = arith.addi %mul3A_222, %add3A_223 : i32
      %dma_start3A_225 = arith.constant 0 : i32
      %dma_start3A_226 = arith.constant 0 : i32
      %dma_start3A_227 = tpu.memref_slice %arg10[%dma_start3A_225, %dma_start3A_226] : memref<512x16xf32, #tpu.memory_space<vmem>> -> memref<128x16xf32, #tpu.memory_space<vmem>>
      %dma_start3A_228 = arith.constant 0 : i32
      %dma_start3A_229 = tpu.memref_slice %arg8[%add3A_224, %dma_start3A_228] : memref<80x128xi32, #tpu.memory_space<vmem>> -> memref<1x128xi32, #tpu.memory_space<vmem>>
      %dma_start3A_230 = tpu.memref_squeeze %dma_start3A_229 : memref<1x128xi32, #tpu.memory_space<vmem>> -> memref<128xi32, #tpu.memory_space<vmem>>
      %dma_start3A_231 = arith.constant 0 : i32
      %dma_start3A_232 = arith.constant 0 : i32
      %dma_start3A_233 = tpu.memref_slice %arg14[%dma_start3A_231, %dma_start3A_232] : memref<10240x16xf32, #tpu.memory_space<vmem_shared>> -> memref<10240x16xf32, #tpu.memory_space<vmem_shared>>
      tpu.enqueue_indirect_dma source(%dma_start3A_227 : memref<128x16xf32, #tpu.memory_space<vmem>>) target(%dma_start3A_233 : memref<10240x16xf32, #tpu.memory_space<vmem_shared>>) offsets(%dma_start3A_230 : memref<128xi32, #tpu.memory_space<vmem>>) semaphore(%arg20 : memref<!tpu.dma_semaphore, #tpu.memory_space<semaphore_mem>>) {add = true}
      %mul3A_234 = arith.constant 4 : i32
      %mul3A_235 = arith.muli %scan3A_83, %mul3A_234 : i32
      %add3A_236 = arith.constant 1 : i32
      %add3A_237 = arith.addi %mul3A_235, %add3A_236 : i32
      %mul3A_238 = arith.constant 4 : i32
      %mul3A_239 = arith.muli %add3A_237, %mul3A_238 : i32
      %add3A_240 = arith.constant 1 : i32
      %add3A_241 = arith.addi %mul3A_239, %add3A_240 : i32
      %dma_start3A_242 = arith.constant 128 : i32
      %dma_start3A_243 = arith.constant 0 : i32
      %dma_start3A_244 = tpu.memref_slice %arg10[%dma_start3A_242, %dma_start3A_243] : memref<512x16xf32, #tpu.memory_space<vmem>> -> memref<128x16xf32, #tpu.memory_space<vmem>>
      %dma_start3A_245 = arith.constant 0 : i32
      %dma_start3A_246 = tpu.memref_slice %arg8[%add3A_241, %dma_start3A_245] : memref<80x128xi32, #tpu.memory_space<vmem>> -> memref<1x128xi32, #tpu.memory_space<vmem>>
      %dma_start3A_247 = tpu.memref_squeeze %dma_start3A_246 : memref<1x128xi32, #tpu.memory_space<vmem>> -> memref<128xi32, #tpu.memory_space<vmem>>
      %dma_start3A_248 = arith.constant 0 : i32
      %dma_start3A_249 = arith.constant 0 : i32
      %dma_start3A_250 = tpu.memref_slice %arg14[%dma_start3A_248, %dma_start3A_249] : memref<10240x16xf32, #tpu.memory_space<vmem_shared>> -> memref<10240x16xf32, #tpu.memory_space<vmem_shared>>
      tpu.enqueue_indirect_dma source(%dma_start3A_244 : memref<128x16xf32, #tpu.memory_space<vmem>>) target(%dma_start3A_250 : memref<10240x16xf32, #tpu.memory_space<vmem_shared>>) offsets(%dma_start3A_247 : memref<128xi32, #tpu.memory_space<vmem>>) semaphore(%arg20 : memref<!tpu.dma_semaphore, #tpu.memory_space<semaphore_mem>>) {add = true}
      %mul3A_251 = arith.constant 4 : i32
      %mul3A_252 = arith.muli %scan3A_83, %mul3A_251 : i32
      %add3A_253 = arith.constant 1 : i32
      %add3A_254 = arith.addi %mul3A_252, %add3A_253 : i32
      %mul3A_255 = arith.constant 4 : i32
      %mul3A_256 = arith.muli %add3A_254, %mul3A_255 : i32
      %add3A_257 = arith.constant 2 : i32
      %add3A_258 = arith.addi %mul3A_256, %add3A_257 : i32
      %dma_start3A_259 = arith.constant 256 : i32
      %dma_start3A_260 = arith.constant 0 : i32
      %dma_start3A_261 = tpu.memref_slice %arg10[%dma_start3A_259, %dma_start3A_260] : memref<512x16xf32, #tpu.memory_space<vmem>> -> memref<128x16xf32, #tpu.memory_space<vmem>>
      %dma_start3A_262 = arith.constant 0 : i32
      %dma_start3A_263 = tpu.memref_slice %arg8[%add3A_258, %dma_start3A_262] : memref<80x128xi32, #tpu.memory_space<vmem>> -> memref<1x128xi32, #tpu.memory_space<vmem>>
      %dma_start3A_264 = tpu.memref_squeeze %dma_start3A_263 : memref<1x128xi32, #tpu.memory_space<vmem>> -> memref<128xi32, #tpu.memory_space<vmem>>
      %dma_start3A_265 = arith.constant 0 : i32
      %dma_start3A_266 = arith.constant 0 : i32
      %dma_start3A_267 = tpu.memref_slice %arg14[%dma_start3A_265, %dma_start3A_266] : memref<10240x16xf32, #tpu.memory_space<vmem_shared>> -> memref<10240x16xf32, #tpu.memory_space<vmem_shared>>
      tpu.enqueue_indirect_dma source(%dma_start3A_261 : memref<128x16xf32, #tpu.memory_space<vmem>>) target(%dma_start3A_267 : memref<10240x16xf32, #tpu.memory_space<vmem_shared>>) offsets(%dma_start3A_264 : memref<128xi32, #tpu.memory_space<vmem>>) semaphore(%arg20 : memref<!tpu.dma_semaphore, #tpu.memory_space<semaphore_mem>>) {add = true}
      %mul3A_268 = arith.constant 4 : i32
      %mul3A_269 = arith.muli %scan3A_83, %mul3A_268 : i32
      %add3A_270 = arith.constant 1 : i32
      %add3A_271 = arith.addi %mul3A_269, %add3A_270 : i32
      %mul3A_272 = arith.constant 4 : i32
      %mul3A_273 = arith.muli %add3A_271, %mul3A_272 : i32
      %add3A_274 = arith.constant 3 : i32
      %add3A_275 = arith.addi %mul3A_273, %add3A_274 : i32
      %dma_start3A_276 = arith.constant 384 : i32
      %dma_start3A_277 = arith.constant 0 : i32
      %dma_start3A_278 = tpu.memref_slice %arg10[%dma_start3A_276, %dma_start3A_277] : memref<512x16xf32, #tpu.memory_space<vmem>> -> memref<128x16xf32, #tpu.memory_space<vmem>>
      %dma_start3A_279 = arith.constant 0 : i32
      %dma_start3A_280 = tpu.memref_slice %arg8[%add3A_275, %dma_start3A_279] : memref<80x128xi32, #tpu.memory_space<vmem>> -> memref<1x128xi32, #tpu.memory_space<vmem>>
      %dma_start3A_281 = tpu.memref_squeeze %dma_start3A_280 : memref<1x128xi32, #tpu.memory_space<vmem>> -> memref<128xi32, #tpu.memory_space<vmem>>
      %dma_start3A_282 = arith.constant 0 : i32
      %dma_start3A_283 = arith.constant 0 : i32
      %dma_start3A_284 = tpu.memref_slice %arg14[%dma_start3A_282, %dma_start3A_283] : memref<10240x16xf32, #tpu.memory_space<vmem_shared>> -> memref<10240x16xf32, #tpu.memory_space<vmem_shared>>
      tpu.enqueue_indirect_dma source(%dma_start3A_278 : memref<128x16xf32, #tpu.memory_space<vmem>>) target(%dma_start3A_284 : memref<10240x16xf32, #tpu.memory_space<vmem_shared>>) offsets(%dma_start3A_281 : memref<128xi32, #tpu.memory_space<vmem>>) semaphore(%arg20 : memref<!tpu.dma_semaphore, #tpu.memory_space<semaphore_mem>>) {add = true}
      %dma_wait3A_285 = tpu.memref_slice %arg7[%mul3A_121] : memref<10240xi32, #tpu.memory_space<vmem>> -> memref<512xi32, #tpu.memory_space<vmem>>
      %dma_wait3A_286 = arith.constant 0 : i32
      %dma_wait3A_287 = arith.constant 0 : i32
      %dma_wait3A_288 = tpu.memref_slice %arg2[%dma_wait3A_286, %dma_wait3A_287] : memref<10000x16xf32, #tpu.memory_space<hbm>> -> memref<10000x16xf32, #tpu.memory_space<hbm>>
      tpu.wait_indirect_dma semaphore(%arg17 : memref<!tpu.dma_semaphore, #tpu.memory_space<semaphore_mem>>) src(%dma_wait3A_288 : memref<10000x16xf32, #tpu.memory_space<hbm>>) dst(%arg11 : memref<512x16xf32, #tpu.memory_space<vmem>>)
      %mul3A_289 = arith.constant 4 : i32
      %mul3A_290 = arith.muli %scan3A_83, %mul3A_289 : i32
      %add3A_291 = arith.constant 2 : i32
      %add3A_292 = arith.addi %mul3A_290, %add3A_291 : i32
      %mul3A_293 = arith.constant 4 : i32
      %mul3A_294 = arith.muli %add3A_292, %mul3A_293 : i32
      %add3A_295 = arith.constant 0 : i32
      %add3A_296 = arith.addi %mul3A_294, %add3A_295 : i32
      %dma_start3A_297 = arith.constant 0 : i32
      %dma_start3A_298 = arith.constant 0 : i32
      %dma_start3A_299 = tpu.memref_slice %arg11[%dma_start3A_297, %dma_start3A_298] : memref<512x16xf32, #tpu.memory_space<vmem>> -> memref<128x16xf32, #tpu.memory_space<vmem>>
      %dma_start3A_300 = arith.constant 0 : i32
      %dma_start3A_301 = tpu.memref_slice %arg8[%add3A_296, %dma_start3A_300] : memref<80x128xi32, #tpu.memory_space<vmem>> -> memref<1x128xi32, #tpu.memory_space<vmem>>
      %dma_start3A_302 = tpu.memref_squeeze %dma_start3A_301 : memref<1x128xi32, #tpu.memory_space<vmem>> -> memref<128xi32, #tpu.memory_space<vmem>>
      %dma_start3A_303 = arith.constant 0 : i32
      %dma_start3A_304 = arith.constant 0 : i32
      %dma_start3A_305 = tpu.memref_slice %arg14[%dma_start3A_303, %dma_start3A_304] : memref<10240x16xf32, #tpu.memory_space<vmem_shared>> -> memref<10240x16xf32, #tpu.memory_space<vmem_shared>>
      tpu.enqueue_indirect_dma source(%dma_start3A_299 : memref<128x16xf32, #tpu.memory_space<vmem>>) target(%dma_start3A_305 : memref<10240x16xf32, #tpu.memory_space<vmem_shared>>) offsets(%dma_start3A_302 : memref<128xi32, #tpu.memory_space<vmem>>) semaphore(%arg21 : memref<!tpu.dma_semaphore, #tpu.memory_space<semaphore_mem>>) {add = true}
      %mul3A_306 = arith.constant 4 : i32
      %mul3A_307 = arith.muli %scan3A_83, %mul3A_306 : i32
      %add3A_308 = arith.constant 2 : i32
      %add3A_309 = arith.addi %mul3A_307, %add3A_308 : i32
      %mul3A_310 = arith.constant 4 : i32
      %mul3A_311 = arith.muli %add3A_309, %mul3A_310 : i32
      %add3A_312 = arith.constant 1 : i32
      %add3A_313 = arith.addi %mul3A_311, %add3A_312 : i32
      %dma_start3A_314 = arith.constant 128 : i32
      %dma_start3A_315 = arith.constant 0 : i32
      %dma_start3A_316 = tpu.memref_slice %arg11[%dma_start3A_314, %dma_start3A_315] : memref<512x16xf32, #tpu.memory_space<vmem>> -> memref<128x16xf32, #tpu.memory_space<vmem>>
      %dma_start3A_317 = arith.constant 0 : i32
      %dma_start3A_318 = tpu.memref_slice %arg8[%add3A_313, %dma_start3A_317] : memref<80x128xi32, #tpu.memory_space<vmem>> -> memref<1x128xi32, #tpu.memory_space<vmem>>
      %dma_start3A_319 = tpu.memref_squeeze %dma_start3A_318 : memref<1x128xi32, #tpu.memory_space<vmem>> -> memref<128xi32, #tpu.memory_space<vmem>>
      %dma_start3A_320 = arith.constant 0 : i32
      %dma_start3A_321 = arith.constant 0 : i32
      %dma_start3A_322 = tpu.memref_slice %arg14[%dma_start3A_320, %dma_start3A_321] : memref<10240x16xf32, #tpu.memory_space<vmem_shared>> -> memref<10240x16xf32, #tpu.memory_space<vmem_shared>>
      tpu.enqueue_indirect_dma source(%dma_start3A_316 : memref<128x16xf32, #tpu.memory_space<vmem>>) target(%dma_start3A_322 : memref<10240x16xf32, #tpu.memory_space<vmem_shared>>) offsets(%dma_start3A_319 : memref<128xi32, #tpu.memory_space<vmem>>) semaphore(%arg21 : memref<!tpu.dma_semaphore, #tpu.memory_space<semaphore_mem>>) {add = true}
      %mul3A_323 = arith.constant 4 : i32
      %mul3A_324 = arith.muli %scan3A_83, %mul3A_323 : i32
      %add3A_325 = arith.constant 2 : i32
      %add3A_326 = arith.addi %mul3A_324, %add3A_325 : i32
      %mul3A_327 = arith.constant 4 : i32
      %mul3A_328 = arith.muli %add3A_326, %mul3A_327 : i32
      %add3A_329 = arith.constant 2 : i32
      %add3A_330 = arith.addi %mul3A_328, %add3A_329 : i32
      %dma_start3A_331 = arith.constant 256 : i32
      %dma_start3A_332 = arith.constant 0 : i32
      %dma_start3A_333 = tpu.memref_slice %arg11[%dma_start3A_331, %dma_start3A_332] : memref<512x16xf32, #tpu.memory_space<vmem>> -> memref<128x16xf32, #tpu.memory_space<vmem>>
      %dma_start3A_334 = arith.constant 0 : i32
      %dma_start3A_335 = tpu.memref_slice %arg8[%add3A_330, %dma_start3A_334] : memref<80x128xi32, #tpu.memory_space<vmem>> -> memref<1x128xi32, #tpu.memory_space<vmem>>
      %dma_start3A_336 = tpu.memref_squeeze %dma_start3A_335 : memref<1x128xi32, #tpu.memory_space<vmem>> -> memref<128xi32, #tpu.memory_space<vmem>>
      %dma_start3A_337 = arith.constant 0 : i32
      %dma_start3A_338 = arith.constant 0 : i32
      %dma_start3A_339 = tpu.memref_slice %arg14[%dma_start3A_337, %dma_start3A_338] : memref<10240x16xf32, #tpu.memory_space<vmem_shared>> -> memref<10240x16xf32, #tpu.memory_space<vmem_shared>>
      tpu.enqueue_indirect_dma source(%dma_start3A_333 : memref<128x16xf32, #tpu.memory_space<vmem>>) target(%dma_start3A_339 : memref<10240x16xf32, #tpu.memory_space<vmem_shared>>) offsets(%dma_start3A_336 : memref<128xi32, #tpu.memory_space<vmem>>) semaphore(%arg21 : memref<!tpu.dma_semaphore, #tpu.memory_space<semaphore_mem>>) {add = true}
      %mul3A_340 = arith.constant 4 : i32
      %mul3A_341 = arith.muli %scan3A_83, %mul3A_340 : i32
      %add3A_342 = arith.constant 2 : i32
      %add3A_343 = arith.addi %mul3A_341, %add3A_342 : i32
      %mul3A_344 = arith.constant 4 : i32
      %mul3A_345 = arith.muli %add3A_343, %mul3A_344 : i32
      %add3A_346 = arith.constant 3 : i32
      %add3A_347 = arith.addi %mul3A_345, %add3A_346 : i32
      %dma_start3A_348 = arith.constant 384 : i32
      %dma_start3A_349 = arith.constant 0 : i32
      %dma_start3A_350 = tpu.memref_slice %arg11[%dma_start3A_348, %dma_start3A_349] : memref<512x16xf32, #tpu.memory_space<vmem>> -> memref<128x16xf32, #tpu.memory_space<vmem>>
      %dma_start3A_351 = arith.constant 0 : i32
      %dma_start3A_352 = tpu.memref_slice %arg8[%add3A_347, %dma_start3A_351] : memref<80x128xi32, #tpu.memory_space<vmem>> -> memref<1x128xi32, #tpu.memory_space<vmem>>
      %dma_start3A_353 = tpu.memref_squeeze %dma_start3A_352 : memref<1x128xi32, #tpu.memory_space<vmem>> -> memref<128xi32, #tpu.memory_space<vmem>>
      %dma_start3A_354 = arith.constant 0 : i32
      %dma_start3A_355 = arith.constant 0 : i32
      %dma_start3A_356 = tpu.memref_slice %arg14[%dma_start3A_354, %dma_start3A_355] : memref<10240x16xf32, #tpu.memory_space<vmem_shared>> -> memref<10240x16xf32, #tpu.memory_space<vmem_shared>>
      tpu.enqueue_indirect_dma source(%dma_start3A_350 : memref<128x16xf32, #tpu.memory_space<vmem>>) target(%dma_start3A_356 : memref<10240x16xf32, #tpu.memory_space<vmem_shared>>) offsets(%dma_start3A_353 : memref<128xi32, #tpu.memory_space<vmem>>) semaphore(%arg21 : memref<!tpu.dma_semaphore, #tpu.memory_space<semaphore_mem>>) {add = true}
      %dma_wait3A_357 = tpu.memref_slice %arg7[%mul3A_136] : memref<10240xi32, #tpu.memory_space<vmem>> -> memref<512xi32, #tpu.memory_space<vmem>>
      %dma_wait3A_358 = arith.constant 0 : i32
      %dma_wait3A_359 = arith.constant 0 : i32
      %dma_wait3A_360 = tpu.memref_slice %arg2[%dma_wait3A_358, %dma_wait3A_359] : memref<10000x16xf32, #tpu.memory_space<hbm>> -> memref<10000x16xf32, #tpu.memory_space<hbm>>
      tpu.wait_indirect_dma semaphore(%arg18 : memref<!tpu.dma_semaphore, #tpu.memory_space<semaphore_mem>>) src(%dma_wait3A_360 : memref<10000x16xf32, #tpu.memory_space<hbm>>) dst(%arg12 : memref<512x16xf32, #tpu.memory_space<vmem>>)
      %mul3A_361 = arith.constant 4 : i32
      %mul3A_362 = arith.muli %scan3A_83, %mul3A_361 : i32
      %add3A_363 = arith.constant 3 : i32
      %add3A_364 = arith.addi %mul3A_362, %add3A_363 : i32
      %mul3A_365 = arith.constant 4 : i32
      %mul3A_366 = arith.muli %add3A_364, %mul3A_365 : i32
      %add3A_367 = arith.constant 0 : i32
      %add3A_368 = arith.addi %mul3A_366, %add3A_367 : i32
      %dma_start3A_369 = arith.constant 0 : i32
      %dma_start3A_370 = arith.constant 0 : i32
      %dma_start3A_371 = tpu.memref_slice %arg12[%dma_start3A_369, %dma_start3A_370] : memref<512x16xf32, #tpu.memory_space<vmem>> -> memref<128x16xf32, #tpu.memory_space<vmem>>
      %dma_start3A_372 = arith.constant 0 : i32
      %dma_start3A_373 = tpu.memref_slice %arg8[%add3A_368, %dma_start3A_372] : memref<80x128xi32, #tpu.memory_space<vmem>> -> memref<1x128xi32, #tpu.memory_space<vmem>>
      %dma_start3A_374 = tpu.memref_squeeze %dma_start3A_373 : memref<1x128xi32, #tpu.memory_space<vmem>> -> memref<128xi32, #tpu.memory_space<vmem>>
      %dma_start3A_375 = arith.constant 0 : i32
      %dma_start3A_376 = arith.constant 0 : i32
      %dma_start3A_377 = tpu.memref_slice %arg14[%dma_start3A_375, %dma_start3A_376] : memref<10240x16xf32, #tpu.memory_space<vmem_shared>> -> memref<10240x16xf32, #tpu.memory_space<vmem_shared>>
      tpu.enqueue_indirect_dma source(%dma_start3A_371 : memref<128x16xf32, #tpu.memory_space<vmem>>) target(%dma_start3A_377 : memref<10240x16xf32, #tpu.memory_space<vmem_shared>>) offsets(%dma_start3A_374 : memref<128xi32, #tpu.memory_space<vmem>>) semaphore(%arg22 : memref<!tpu.dma_semaphore, #tpu.memory_space<semaphore_mem>>) {add = true}
      %mul3A_378 = arith.constant 4 : i32
      %mul3A_379 = arith.muli %scan3A_83, %mul3A_378 : i32
      %add3A_380 = arith.constant 3 : i32
      %add3A_381 = arith.addi %mul3A_379, %add3A_380 : i32
      %mul3A_382 = arith.constant 4 : i32
      %mul3A_383 = arith.muli %add3A_381, %mul3A_382 : i32
      %add3A_384 = arith.constant 1 : i32
      %add3A_385 = arith.addi %mul3A_383, %add3A_384 : i32
      %dma_start3A_386 = arith.constant 128 : i32
      %dma_start3A_387 = arith.constant 0 : i32
      %dma_start3A_388 = tpu.memref_slice %arg12[%dma_start3A_386, %dma_start3A_387] : memref<512x16xf32, #tpu.memory_space<vmem>> -> memref<128x16xf32, #tpu.memory_space<vmem>>
      %dma_start3A_389 = arith.constant 0 : i32
      %dma_start3A_390 = tpu.memref_slice %arg8[%add3A_385, %dma_start3A_389] : memref<80x128xi32, #tpu.memory_space<vmem>> -> memref<1x128xi32, #tpu.memory_space<vmem>>
      %dma_start3A_391 = tpu.memref_squeeze %dma_start3A_390 : memref<1x128xi32, #tpu.memory_space<vmem>> -> memref<128xi32, #tpu.memory_space<vmem>>
      %dma_start3A_392 = arith.constant 0 : i32
      %dma_start3A_393 = arith.constant 0 : i32
      %dma_start3A_394 = tpu.memref_slice %arg14[%dma_start3A_392, %dma_start3A_393] : memref<10240x16xf32, #tpu.memory_space<vmem_shared>> -> memref<10240x16xf32, #tpu.memory_space<vmem_shared>>
      tpu.enqueue_indirect_dma source(%dma_start3A_388 : memref<128x16xf32, #tpu.memory_space<vmem>>) target(%dma_start3A_394 : memref<10240x16xf32, #tpu.memory_space<vmem_shared>>) offsets(%dma_start3A_391 : memref<128xi32, #tpu.memory_space<vmem>>) semaphore(%arg22 : memref<!tpu.dma_semaphore, #tpu.memory_space<semaphore_mem>>) {add = true}
      %mul3A_395 = arith.constant 4 : i32
      %mul3A_396 = arith.muli %scan3A_83, %mul3A_395 : i32
      %add3A_397 = arith.constant 3 : i32
      %add3A_398 = arith.addi %mul3A_396, %add3A_397 : i32
      %mul3A_399 = arith.constant 4 : i32
      %mul3A_400 = arith.muli %add3A_398, %mul3A_399 : i32
      %add3A_401 = arith.constant 2 : i32
      %add3A_402 = arith.addi %mul3A_400, %add3A_401 : i32
      %dma_start3A_403 = arith.constant 256 : i32
      %dma_start3A_404 = arith.constant 0 : i32
      %dma_start3A_405 = tpu.memref_slice %arg12[%dma_start3A_403, %dma_start3A_404] : memref<512x16xf32, #tpu.memory_space<vmem>> -> memref<128x16xf32, #tpu.memory_space<vmem>>
      %dma_start3A_406 = arith.constant 0 : i32
      %dma_start3A_407 = tpu.memref_slice %arg8[%add3A_402, %dma_start3A_406] : memref<80x128xi32, #tpu.memory_space<vmem>> -> memref<1x128xi32, #tpu.memory_space<vmem>>
      %dma_start3A_408 = tpu.memref_squeeze %dma_start3A_407 : memref<1x128xi32, #tpu.memory_space<vmem>> -> memref<128xi32, #tpu.memory_space<vmem>>
      %dma_start3A_409 = arith.constant 0 : i32
      %dma_start3A_410 = arith.constant 0 : i32
      %dma_start3A_411 = tpu.memref_slice %arg14[%dma_start3A_409, %dma_start3A_410] : memref<10240x16xf32, #tpu.memory_space<vmem_shared>> -> memref<10240x16xf32, #tpu.memory_space<vmem_shared>>
      tpu.enqueue_indirect_dma source(%dma_start3A_405 : memref<128x16xf32, #tpu.memory_space<vmem>>) target(%dma_start3A_411 : memref<10240x16xf32, #tpu.memory_space<vmem_shared>>) offsets(%dma_start3A_408 : memref<128xi32, #tpu.memory_space<vmem>>) semaphore(%arg22 : memref<!tpu.dma_semaphore, #tpu.memory_space<semaphore_mem>>) {add = true}
      %mul3A_412 = arith.constant 4 : i32
      %mul3A_413 = arith.muli %scan3A_83, %mul3A_412 : i32
      %add3A_414 = arith.constant 3 : i32
      %add3A_415 = arith.addi %mul3A_413, %add3A_414 : i32
      %mul3A_416 = arith.constant 4 : i32
      %mul3A_417 = arith.muli %add3A_415, %mul3A_416 : i32
      %add3A_418 = arith.constant 3 : i32
      %add3A_419 = arith.addi %mul3A_417, %add3A_418 : i32
      %dma_start3A_420 = arith.constant 384 : i32
      %dma_start3A_421 = arith.constant 0 : i32
      %dma_start3A_422 = tpu.memref_slice %arg12[%dma_start3A_420, %dma_start3A_421] : memref<512x16xf32, #tpu.memory_space<vmem>> -> memref<128x16xf32, #tpu.memory_space<vmem>>
      %dma_start3A_423 = arith.constant 0 : i32
      %dma_start3A_424 = tpu.memref_slice %arg8[%add3A_419, %dma_start3A_423] : memref<80x128xi32, #tpu.memory_space<vmem>> -> memref<1x128xi32, #tpu.memory_space<vmem>>
      %dma_start3A_425 = tpu.memref_squeeze %dma_start3A_424 : memref<1x128xi32, #tpu.memory_space<vmem>> -> memref<128xi32, #tpu.memory_space<vmem>>
      %dma_start3A_426 = arith.constant 0 : i32
      %dma_start3A_427 = arith.constant 0 : i32
      %dma_start3A_428 = tpu.memref_slice %arg14[%dma_start3A_426, %dma_start3A_427] : memref<10240x16xf32, #tpu.memory_space<vmem_shared>> -> memref<10240x16xf32, #tpu.memory_space<vmem_shared>>
      tpu.enqueue_indirect_dma source(%dma_start3A_422 : memref<128x16xf32, #tpu.memory_space<vmem>>) target(%dma_start3A_428 : memref<10240x16xf32, #tpu.memory_space<vmem_shared>>) offsets(%dma_start3A_425 : memref<128xi32, #tpu.memory_space<vmem>>) semaphore(%arg22 : memref<!tpu.dma_semaphore, #tpu.memory_space<semaphore_mem>>) {add = true}
    }
    %scan3A_53 = arith.constant 5 : i32
    %dma_wait3A_54 = arith.constant 0 : i32
    %dma_wait3A_55 = arith.constant 0 : i32
    %dma_wait3A_56 = tpu.memref_slice %arg2[%dma_wait3A_54, %dma_wait3A_55] : memref<10000x16xf32, #tpu.memory_space<hbm>> -> memref<512x16xf32, #tpu.memory_space<hbm>>
    %dma_wait3A_57 = arith.constant 0 : i32
    %dma_wait3A_58 = arith.constant 0 : i32
    %dma_wait3A_59 = tpu.memref_slice %arg2[%dma_wait3A_57, %dma_wait3A_58] : memref<10000x16xf32, #tpu.memory_space<hbm>> -> memref<512x16xf32, #tpu.memory_space<hbm>>
    tpu.wait_dma2 semaphore(%arg19 : memref<!tpu.dma_semaphore, #tpu.memory_space<semaphore_mem>>) src(%dma_wait3A_59 : memref<512x16xf32, #tpu.memory_space<hbm>>) dst(%arg9 : memref<512x16xf32, #tpu.memory_space<vmem>>)
    %dma_wait3A_60 = arith.constant 0 : i32
    %dma_wait3A_61 = arith.constant 0 : i32
    %dma_wait3A_62 = tpu.memref_slice %arg2[%dma_wait3A_60, %dma_wait3A_61] : memref<10000x16xf32, #tpu.memory_space<hbm>> -> memref<512x16xf32, #tpu.memory_space<hbm>>
    %dma_wait3A_63 = arith.constant 0 : i32
    %dma_wait3A_64 = arith.constant 0 : i32
    %dma_wait3A_65 = tpu.memref_slice %arg2[%dma_wait3A_63, %dma_wait3A_64] : memref<10000x16xf32, #tpu.memory_space<hbm>> -> memref<512x16xf32, #tpu.memory_space<hbm>>
    tpu.wait_dma2 semaphore(%arg20 : memref<!tpu.dma_semaphore, #tpu.memory_space<semaphore_mem>>) src(%dma_wait3A_65 : memref<512x16xf32, #tpu.memory_space<hbm>>) dst(%arg10 : memref<512x16xf32, #tpu.memory_space<vmem>>)
    %dma_wait3A_66 = arith.constant 0 : i32
    %dma_wait3A_67 = arith.constant 0 : i32
    %dma_wait3A_68 = tpu.memref_slice %arg2[%dma_wait3A_66, %dma_wait3A_67] : memref<10000x16xf32, #tpu.memory_space<hbm>> -> memref<512x16xf32, #tpu.memory_space<hbm>>
    %dma_wait3A_69 = arith.constant 0 : i32
    %dma_wait3A_70 = arith.constant 0 : i32
    %dma_wait3A_71 = tpu.memref_slice %arg2[%dma_wait3A_69, %dma_wait3A_70] : memref<10000x16xf32, #tpu.memory_space<hbm>> -> memref<512x16xf32, #tpu.memory_space<hbm>>
    tpu.wait_dma2 semaphore(%arg21 : memref<!tpu.dma_semaphore, #tpu.memory_space<semaphore_mem>>) src(%dma_wait3A_71 : memref<512x16xf32, #tpu.memory_space<hbm>>) dst(%arg11 : memref<512x16xf32, #tpu.memory_space<vmem>>)
    %dma_wait3A_72 = arith.constant 0 : i32
    %dma_wait3A_73 = arith.constant 0 : i32
    %dma_wait3A_74 = tpu.memref_slice %arg2[%dma_wait3A_72, %dma_wait3A_73] : memref<10000x16xf32, #tpu.memory_space<hbm>> -> memref<512x16xf32, #tpu.memory_space<hbm>>
    %dma_wait3A_75 = arith.constant 0 : i32
    %dma_wait3A_76 = arith.constant 0 : i32
    %dma_wait3A_77 = tpu.memref_slice %arg2[%dma_wait3A_75, %dma_wait3A_76] : memref<10000x16xf32, #tpu.memory_space<hbm>> -> memref<512x16xf32, #tpu.memory_space<hbm>>
    tpu.wait_dma2 semaphore(%arg22 : memref<!tpu.dma_semaphore, #tpu.memory_space<semaphore_mem>>) src(%dma_wait3A_77 : memref<512x16xf32, #tpu.memory_space<hbm>>) dst(%arg12 : memref<512x16xf32, #tpu.memory_space<vmem>>)
    %barrier3A_78 = arith.constant 0 : index
    tpu.barrier barrier_id(%barrier3A_78)
    %mul3A_79 = arith.constant 640 : i32
    %mul3A_80 = arith.muli %arg1, %mul3A_79 : i32
    "tpu.region"() ({
      %run_scoped3A = tpu.sem_alloc : memref<!tpu.dma_semaphore, #tpu.memory_space<semaphore_mem>>
      %dma_start3A_83 = arith.constant 0 : i32
      %dma_start3A_84 = tpu.memref_slice %arg14[%mul3A_80, %dma_start3A_83] : memref<10240x16xf32, #tpu.memory_space<vmem_shared>> -> memref<640x16xf32, #tpu.memory_space<vmem_shared>>
      %dma_start3A_85 = arith.constant 0 : i32
      %dma_start3A_86 = tpu.memref_slice %arg14[%mul3A_80, %dma_start3A_85] : memref<10240x16xf32, #tpu.memory_space<vmem_shared>> -> memref<640x16xf32, #tpu.memory_space<vmem_shared>>
      tpu.enqueue_dma source(%dma_start3A_86 : memref<640x16xf32, #tpu.memory_space<vmem_shared>>) target(%arg13 : memref<640x16xf32, #tpu.memory_space<vmem>>) target_semaphore(%run_scoped3A : memref<!tpu.dma_semaphore, #tpu.memory_space<semaphore_mem>>)
      %dma_wait3A_87 = arith.constant 0 : i32
      %dma_wait3A_88 = tpu.memref_slice %arg14[%mul3A_80, %dma_wait3A_87] : memref<10240x16xf32, #tpu.memory_space<vmem_shared>> -> memref<640x16xf32, #tpu.memory_space<vmem_shared>>
      %dma_wait3A_89 = arith.constant 0 : i32
      %dma_wait3A_90 = tpu.memref_slice %arg14[%mul3A_80, %dma_wait3A_89] : memref<10240x16xf32, #tpu.memory_space<vmem_shared>> -> memref<640x16xf32, #tpu.memory_space<vmem_shared>>
      tpu.wait_dma2 semaphore(%run_scoped3A : memref<!tpu.dma_semaphore, #tpu.memory_space<semaphore_mem>>) src(%dma_wait3A_90 : memref<640x16xf32, #tpu.memory_space<vmem_shared>>) dst(%arg13 : memref<640x16xf32, #tpu.memory_space<vmem>>)
      tpu.yield
    }) : () -> ()
    %mul3A_81 = arith.constant 640 : i32
    %mul3A_82 = arith.muli %arg1, %mul3A_81 : i32
    "tpu.region"() ({
      %run_scoped3A = tpu.sem_alloc : memref<!tpu.dma_semaphore, #tpu.memory_space<semaphore_mem>>
      %dma_start3A_83 = arith.constant 0 : i32
      %dma_start3A_84 = tpu.memref_slice %arg6[%arg0, %mul3A_82, %dma_start3A_83] : memref<2x10240x16xf32, #tpu.memory_space<hbm>> -> memref<1x640x16xf32, #tpu.memory_space<hbm>>
      %dma_start3A_85 = tpu.memref_squeeze %dma_start3A_84 : memref<1x640x16xf32, #tpu.memory_space<hbm>> -> memref<640x16xf32, #tpu.memory_space<hbm>>
      %dma_start3A_86 = arith.constant 0 : i32
      %dma_start3A_87 = tpu.memref_slice %arg6[%arg0, %mul3A_82, %dma_start3A_86] : memref<2x10240x16xf32, #tpu.memory_space<hbm>> -> memref<1x640x16xf32, #tpu.memory_space<hbm>>
      %dma_start3A_88 = tpu.memref_squeeze %dma_start3A_87 : memref<1x640x16xf32, #tpu.memory_space<hbm>> -> memref<640x16xf32, #tpu.memory_space<hbm>>
      tpu.enqueue_dma source(%arg13 : memref<640x16xf32, #tpu.memory_space<vmem>>) target(%dma_start3A_88 : memref<640x16xf32, #tpu.memory_space<hbm>>) target_semaphore(%run_scoped3A : memref<!tpu.dma_semaphore, #tpu.memory_space<semaphore_mem>>)
      %dma_wait3A_89 = arith.constant 0 : i32
      %dma_wait3A_90 = tpu.memref_slice %arg6[%arg0, %mul3A_82, %dma_wait3A_89] : memref<2x10240x16xf32, #tpu.memory_space<hbm>> -> memref<1x640x16xf32, #tpu.memory_space<hbm>>
      %dma_wait3A_91 = tpu.memref_squeeze %dma_wait3A_90 : memref<1x640x16xf32, #tpu.memory_space<hbm>> -> memref<640x16xf32, #tpu.memory_space<hbm>>
      %dma_wait3A_92 = arith.constant 0 : i32
      %dma_wait3A_93 = tpu.memref_slice %arg6[%arg0, %mul3A_82, %dma_wait3A_92] : memref<2x10240x16xf32, #tpu.memory_space<hbm>> -> memref<1x640x16xf32, #tpu.memory_space<hbm>>
      %dma_wait3A_94 = tpu.memref_squeeze %dma_wait3A_93 : memref<1x640x16xf32, #tpu.memory_space<hbm>> -> memref<640x16xf32, #tpu.memory_space<hbm>>
      tpu.wait_dma2 semaphore(%run_scoped3A : memref<!tpu.dma_semaphore, #tpu.memory_space<semaphore_mem>>) src(%arg13 : memref<640x16xf32, #tpu.memory_space<vmem>>) dst(%dma_wait3A_94 : memref<640x16xf32, #tpu.memory_space<hbm>>)
      tpu.yield
    }) : () -> ()
    return
  }
}

#map = affine_map<(d0, d1) -> (0, 0)>
#map1 = affine_map<(d0, d1) -> (0, 0, 0)>
module attributes {stable_mosaic.version = 14 : i64} {
  func.func @k(%arg0: i32, %arg1: i32, %arg2: memref<10000x8xf32, #tpu.memory_space<hbm>>, %arg3: memref<32x10240xi32, #tpu.memory_space<hbm>>, %arg4: memref<32x80x128xi32, #tpu.memory_space<hbm>>, %arg5: memref<10240x8xf32, #tpu.memory_space<hbm>>, %arg6: memref<2x10240x8xf32, #tpu.memory_space<hbm>>, %arg7: memref<10240xi32, #tpu.memory_space<vmem>>, %arg8: memref<80x128xi32, #tpu.memory_space<vmem>>, %arg9: memref<512x8xf32, #tpu.memory_space<vmem>>, %arg10: memref<512x8xf32, #tpu.memory_space<vmem>>, %arg11: memref<512x8xf32, #tpu.memory_space<vmem>>, %arg12: memref<512x8xf32, #tpu.memory_space<vmem>>, %arg13: memref<640x8xf32, #tpu.memory_space<vmem>>, %arg14: memref<10240x8xf32, #tpu.memory_space<vmem_shared>>, %arg15: memref<!tpu.dma_semaphore, #tpu.memory_space<semaphore_mem>>, %arg16: memref<!tpu.dma_semaphore, #tpu.memory_space<semaphore_mem>>, %arg17: memref<!tpu.dma_semaphore, #tpu.memory_space<semaphore_mem>>, %arg18: memref<!tpu.dma_semaphore, #tpu.memory_space<semaphore_mem>>, %arg19: memref<!tpu.dma_semaphore, #tpu.memory_space<semaphore_mem>>, %arg20: memref<!tpu.dma_semaphore, #tpu.memory_space<semaphore_mem>>, %arg21: memref<!tpu.dma_semaphore, #tpu.memory_space<semaphore_mem>>, %arg22: memref<!tpu.dma_semaphore, #tpu.memory_space<semaphore_mem>>) attributes {dimension_semantics = [#tpu.dimension_semantics<core_parallel>, #tpu.dimension_semantics<subcore_parallel>], iteration_bounds = array<i64: 2, 16>, scalar_prefetch = 0 : i64, scratch_operands = 16 : i64, tpu.core_type = #tpu.core_type<sc_vector_subcore>, window_params = [{transform_indices = #map}, {transform_indices = #map}, {transform_indices = #map1}, {transform_indices = #map}, {transform_indices = #map1}]} {
    %mul3A = arith.constant 16 : i32
    %mul3A_0 = arith.muli %arg0, %mul3A : i32
    %add3A = arith.addi %mul3A_0, %arg1 : i32
    %dma_start3A = arith.constant 0 : i32
    %dma_start3A_1 = tpu.memref_slice %arg3[%add3A, %dma_start3A] : memref<32x10240xi32, #tpu.memory_space<hbm>> -> memref<1x10240xi32, #tpu.memory_space<hbm>>
    %dma_start3A_2 = tpu.memref_squeeze %dma_start3A_1 : memref<1x10240xi32, #tpu.memory_space<hbm>> -> memref<10240xi32, #tpu.memory_space<hbm>>
    %dma_start3A_3 = arith.constant 0 : i32
    %dma_start3A_4 = tpu.memref_slice %arg3[%add3A, %dma_start3A_3] : memref<32x10240xi32, #tpu.memory_space<hbm>> -> memref<1x10240xi32, #tpu.memory_space<hbm>>
    %dma_start3A_5 = tpu.memref_squeeze %dma_start3A_4 : memref<1x10240xi32, #tpu.memory_space<hbm>> -> memref<10240xi32, #tpu.memory_space<hbm>>
    tpu.enqueue_dma source(%dma_start3A_5 : memref<10240xi32, #tpu.memory_space<hbm>>) target(%arg7 : memref<10240xi32, #tpu.memory_space<vmem>>) target_semaphore(%arg15 : memref<!tpu.dma_semaphore, #tpu.memory_space<semaphore_mem>>)
    %dma_start3A_6 = arith.constant 0 : i32
    %dma_start3A_7 = arith.constant 0 : i32
    %dma_start3A_8 = tpu.memref_slice %arg4[%add3A, %dma_start3A_6, %dma_start3A_7] : memref<32x80x128xi32, #tpu.memory_space<hbm>> -> memref<1x80x128xi32, #tpu.memory_space<hbm>>
    %dma_start3A_9 = tpu.memref_squeeze %dma_start3A_8 : memref<1x80x128xi32, #tpu.memory_space<hbm>> -> memref<80x128xi32, #tpu.memory_space<hbm>>
    %dma_start3A_10 = arith.constant 0 : i32
    %dma_start3A_11 = arith.constant 0 : i32
    %dma_start3A_12 = tpu.memref_slice %arg4[%add3A, %dma_start3A_10, %dma_start3A_11] : memref<32x80x128xi32, #tpu.memory_space<hbm>> -> memref<1x80x128xi32, #tpu.memory_space<hbm>>
    %dma_start3A_13 = tpu.memref_squeeze %dma_start3A_12 : memref<1x80x128xi32, #tpu.memory_space<hbm>> -> memref<80x128xi32, #tpu.memory_space<hbm>>
    tpu.enqueue_dma source(%dma_start3A_13 : memref<80x128xi32, #tpu.memory_space<hbm>>) target(%arg8 : memref<80x128xi32, #tpu.memory_space<vmem>>) target_semaphore(%arg16 : memref<!tpu.dma_semaphore, #tpu.memory_space<semaphore_mem>>)
    %dma_start3A_14 = arith.constant 0 : i32
    %dma_start3A_15 = arith.constant 0 : i32
    %dma_start3A_16 = tpu.memref_slice %arg5[%dma_start3A_14, %dma_start3A_15] : memref<10240x8xf32, #tpu.memory_space<hbm>> -> memref<640x8xf32, #tpu.memory_space<hbm>>
    %dma_start3A_17 = arith.constant 0 : i32
    %dma_start3A_18 = arith.constant 0 : i32
    %dma_start3A_19 = tpu.memref_slice %arg5[%dma_start3A_17, %dma_start3A_18] : memref<10240x8xf32, #tpu.memory_space<hbm>> -> memref<640x8xf32, #tpu.memory_space<hbm>>
    tpu.enqueue_dma source(%dma_start3A_19 : memref<640x8xf32, #tpu.memory_space<hbm>>) target(%arg13 : memref<640x8xf32, #tpu.memory_space<vmem>>) target_semaphore(%arg17 : memref<!tpu.dma_semaphore, #tpu.memory_space<semaphore_mem>>)
    %dma_wait3A = arith.constant 0 : i32
    %dma_wait3A_20 = arith.constant 0 : i32
    %dma_wait3A_21 = tpu.memref_slice %arg5[%dma_wait3A, %dma_wait3A_20] : memref<10240x8xf32, #tpu.memory_space<hbm>> -> memref<640x8xf32, #tpu.memory_space<hbm>>
    %dma_wait3A_22 = arith.constant 0 : i32
    %dma_wait3A_23 = arith.constant 0 : i32
    %dma_wait3A_24 = tpu.memref_slice %arg5[%dma_wait3A_22, %dma_wait3A_23] : memref<10240x8xf32, #tpu.memory_space<hbm>> -> memref<640x8xf32, #tpu.memory_space<hbm>>
    tpu.wait_dma2 semaphore(%arg17 : memref<!tpu.dma_semaphore, #tpu.memory_space<semaphore_mem>>) src(%dma_wait3A_24 : memref<640x8xf32, #tpu.memory_space<hbm>>) dst(%arg13 : memref<640x8xf32, #tpu.memory_space<vmem>>)
    %mul3A_25 = arith.constant 640 : i32
    %mul3A_26 = arith.muli %arg1, %mul3A_25 : i32
    %dma_start3A_27 = arith.constant 0 : i32
    %dma_start3A_28 = tpu.memref_slice %arg14[%mul3A_26, %dma_start3A_27] : memref<10240x8xf32, #tpu.memory_space<vmem_shared>> -> memref<640x8xf32, #tpu.memory_space<vmem_shared>>
    %dma_start3A_29 = arith.constant 0 : i32
    %dma_start3A_30 = tpu.memref_slice %arg14[%mul3A_26, %dma_start3A_29] : memref<10240x8xf32, #tpu.memory_space<vmem_shared>> -> memref<640x8xf32, #tpu.memory_space<vmem_shared>>
    tpu.enqueue_dma source(%arg13 : memref<640x8xf32, #tpu.memory_space<vmem>>) target(%dma_start3A_30 : memref<640x8xf32, #tpu.memory_space<vmem_shared>>) target_semaphore(%arg18 : memref<!tpu.dma_semaphore, #tpu.memory_space<semaphore_mem>>)
    %dma_wait3A_31 = arith.constant 0 : i32
    %dma_wait3A_32 = tpu.memref_slice %arg3[%add3A, %dma_wait3A_31] : memref<32x10240xi32, #tpu.memory_space<hbm>> -> memref<1x10240xi32, #tpu.memory_space<hbm>>
    %dma_wait3A_33 = tpu.memref_squeeze %dma_wait3A_32 : memref<1x10240xi32, #tpu.memory_space<hbm>> -> memref<10240xi32, #tpu.memory_space<hbm>>
    %dma_wait3A_34 = arith.constant 0 : i32
    %dma_wait3A_35 = tpu.memref_slice %arg3[%add3A, %dma_wait3A_34] : memref<32x10240xi32, #tpu.memory_space<hbm>> -> memref<1x10240xi32, #tpu.memory_space<hbm>>
    %dma_wait3A_36 = tpu.memref_squeeze %dma_wait3A_35 : memref<1x10240xi32, #tpu.memory_space<hbm>> -> memref<10240xi32, #tpu.memory_space<hbm>>
    tpu.wait_dma2 semaphore(%arg15 : memref<!tpu.dma_semaphore, #tpu.memory_space<semaphore_mem>>) src(%dma_wait3A_36 : memref<10240xi32, #tpu.memory_space<hbm>>) dst(%arg7 : memref<10240xi32, #tpu.memory_space<vmem>>)
    %dma_wait3A_37 = arith.constant 0 : i32
    %dma_wait3A_38 = arith.constant 0 : i32
    %dma_wait3A_39 = tpu.memref_slice %arg4[%add3A, %dma_wait3A_37, %dma_wait3A_38] : memref<32x80x128xi32, #tpu.memory_space<hbm>> -> memref<1x80x128xi32, #tpu.memory_space<hbm>>
    %dma_wait3A_40 = tpu.memref_squeeze %dma_wait3A_39 : memref<1x80x128xi32, #tpu.memory_space<hbm>> -> memref<80x128xi32, #tpu.memory_space<hbm>>
    %dma_wait3A_41 = arith.constant 0 : i32
    %dma_wait3A_42 = arith.constant 0 : i32
    %dma_wait3A_43 = tpu.memref_slice %arg4[%add3A, %dma_wait3A_41, %dma_wait3A_42] : memref<32x80x128xi32, #tpu.memory_space<hbm>> -> memref<1x80x128xi32, #tpu.memory_space<hbm>>
    %dma_wait3A_44 = tpu.memref_squeeze %dma_wait3A_43 : memref<1x80x128xi32, #tpu.memory_space<hbm>> -> memref<80x128xi32, #tpu.memory_space<hbm>>
    tpu.wait_dma2 semaphore(%arg16 : memref<!tpu.dma_semaphore, #tpu.memory_space<semaphore_mem>>) src(%dma_wait3A_44 : memref<80x128xi32, #tpu.memory_space<hbm>>) dst(%arg8 : memref<80x128xi32, #tpu.memory_space<vmem>>)
    %dma_wait3A_45 = arith.constant 0 : i32
    %dma_wait3A_46 = tpu.memref_slice %arg14[%mul3A_26, %dma_wait3A_45] : memref<10240x8xf32, #tpu.memory_space<vmem_shared>> -> memref<640x8xf32, #tpu.memory_space<vmem_shared>>
    %dma_wait3A_47 = arith.constant 0 : i32
    %dma_wait3A_48 = tpu.memref_slice %arg14[%mul3A_26, %dma_wait3A_47] : memref<10240x8xf32, #tpu.memory_space<vmem_shared>> -> memref<640x8xf32, #tpu.memory_space<vmem_shared>>
    tpu.wait_dma2 semaphore(%arg18 : memref<!tpu.dma_semaphore, #tpu.memory_space<semaphore_mem>>) src(%arg13 : memref<640x8xf32, #tpu.memory_space<vmem>>) dst(%dma_wait3A_48 : memref<640x8xf32, #tpu.memory_space<vmem_shared>>)
    %barrier3A = arith.constant 0 : index
    tpu.barrier barrier_id(%barrier3A)
    %scan3A = arith.constant 0 : i32
    %scan3A_49 = arith.constant 0 : i32
    %scan3A_50 = arith.constant 5 : i32
    %scan3A_51 = arith.addi %scan3A_49, %scan3A_50 : i32
    %scan3A_52 = arith.constant 1 : i32
    scf.for %scan3A_83 = %scan3A_49 to %scan3A_51 step %scan3A_52  : i32 {
      %gt3A = arith.constant 0 : i32
      %gt3A_84 = arith.cmpi sgt, %scan3A_83, %gt3A : i32
      %convert_element_type3A = arith.extui %gt3A_84 : i1 to i32
      %cond3A = arith.constant 0 : i32
      %cond3A_85 = arith.cmpi ne, %convert_element_type3A, %cond3A : i32
      scf.if %cond3A_85 {
        %dma_wait3A_429 = arith.constant 0 : i32
        %dma_wait3A_430 = arith.constant 0 : i32
        %dma_wait3A_431 = tpu.memref_slice %arg2[%dma_wait3A_429, %dma_wait3A_430] : memref<10000x8xf32, #tpu.memory_space<hbm>> -> memref<512x8xf32, #tpu.memory_space<hbm>>
        %dma_wait3A_432 = arith.constant 0 : i32
        %dma_wait3A_433 = arith.constant 0 : i32
        %dma_wait3A_434 = tpu.memref_slice %arg2[%dma_wait3A_432, %dma_wait3A_433] : memref<10000x8xf32, #tpu.memory_space<hbm>> -> memref<512x8xf32, #tpu.memory_space<hbm>>
        tpu.wait_dma2 semaphore(%arg19 : memref<!tpu.dma_semaphore, #tpu.memory_space<semaphore_mem>>) src(%dma_wait3A_434 : memref<512x8xf32, #tpu.memory_space<hbm>>) dst(%arg9 : memref<512x8xf32, #tpu.memory_space<vmem>>)
      } else {
      }
      %mul3A_86 = arith.constant 4 : i32
      %mul3A_87 = arith.muli %scan3A_83, %mul3A_86 : i32
      %add3A_88 = arith.constant 0 : i32
      %add3A_89 = arith.addi %mul3A_87, %add3A_88 : i32
      %mul3A_90 = arith.constant 512 : i32
      %mul3A_91 = arith.muli %add3A_89, %mul3A_90 : i32
      %dma_start3A_92 = tpu.memref_slice %arg7[%mul3A_91] : memref<10240xi32, #tpu.memory_space<vmem>> -> memref<512xi32, #tpu.memory_space<vmem>>
      %dma_start3A_93 = arith.constant 0 : i32
      %dma_start3A_94 = arith.constant 0 : i32
      %dma_start3A_95 = tpu.memref_slice %arg2[%dma_start3A_93, %dma_start3A_94] : memref<10000x8xf32, #tpu.memory_space<hbm>> -> memref<10000x8xf32, #tpu.memory_space<hbm>>
      tpu.enqueue_indirect_dma source(%dma_start3A_95 : memref<10000x8xf32, #tpu.memory_space<hbm>>) target(%arg9 : memref<512x8xf32, #tpu.memory_space<vmem>>) offsets(%dma_start3A_92 : memref<512xi32, #tpu.memory_space<vmem>>) semaphore(%arg15 : memref<!tpu.dma_semaphore, #tpu.memory_space<semaphore_mem>>)
      %gt3A_96 = arith.constant 0 : i32
      %gt3A_97 = arith.cmpi sgt, %scan3A_83, %gt3A_96 : i32
      %convert_element_type3A_98 = arith.extui %gt3A_97 : i1 to i32
      %cond3A_99 = arith.constant 0 : i32
      %cond3A_100 = arith.cmpi ne, %convert_element_type3A_98, %cond3A_99 : i32
      scf.if %cond3A_100 {
        %dma_wait3A_429 = arith.constant 0 : i32
        %dma_wait3A_430 = arith.constant 0 : i32
        %dma_wait3A_431 = tpu.memref_slice %arg2[%dma_wait3A_429, %dma_wait3A_430] : memref<10000x8xf32, #tpu.memory_space<hbm>> -> memref<512x8xf32, #tpu.memory_space<hbm>>
        %dma_wait3A_432 = arith.constant 0 : i32
        %dma_wait3A_433 = arith.constant 0 : i32
        %dma_wait3A_434 = tpu.memref_slice %arg2[%dma_wait3A_432, %dma_wait3A_433] : memref<10000x8xf32, #tpu.memory_space<hbm>> -> memref<512x8xf32, #tpu.memory_space<hbm>>
        tpu.wait_dma2 semaphore(%arg20 : memref<!tpu.dma_semaphore, #tpu.memory_space<semaphore_mem>>) src(%dma_wait3A_434 : memref<512x8xf32, #tpu.memory_space<hbm>>) dst(%arg10 : memref<512x8xf32, #tpu.memory_space<vmem>>)
      } else {
      }
      %mul3A_101 = arith.constant 4 : i32
      %mul3A_102 = arith.muli %scan3A_83, %mul3A_101 : i32
      %add3A_103 = arith.constant 1 : i32
      %add3A_104 = arith.addi %mul3A_102, %add3A_103 : i32
      %mul3A_105 = arith.constant 512 : i32
      %mul3A_106 = arith.muli %add3A_104, %mul3A_105 : i32
      %dma_start3A_107 = tpu.memref_slice %arg7[%mul3A_106] : memref<10240xi32, #tpu.memory_space<vmem>> -> memref<512xi32, #tpu.memory_space<vmem>>
      %dma_start3A_108 = arith.constant 0 : i32
      %dma_start3A_109 = arith.constant 0 : i32
      %dma_start3A_110 = tpu.memref_slice %arg2[%dma_start3A_108, %dma_start3A_109] : memref<10000x8xf32, #tpu.memory_space<hbm>> -> memref<10000x8xf32, #tpu.memory_space<hbm>>
      tpu.enqueue_indirect_dma source(%dma_start3A_110 : memref<10000x8xf32, #tpu.memory_space<hbm>>) target(%arg10 : memref<512x8xf32, #tpu.memory_space<vmem>>) offsets(%dma_start3A_107 : memref<512xi32, #tpu.memory_space<vmem>>) semaphore(%arg16 : memref<!tpu.dma_semaphore, #tpu.memory_space<semaphore_mem>>)
      %gt3A_111 = arith.constant 0 : i32
      %gt3A_112 = arith.cmpi sgt, %scan3A_83, %gt3A_111 : i32
      %convert_element_type3A_113 = arith.extui %gt3A_112 : i1 to i32
      %cond3A_114 = arith.constant 0 : i32
      %cond3A_115 = arith.cmpi ne, %convert_element_type3A_113, %cond3A_114 : i32
      scf.if %cond3A_115 {
        %dma_wait3A_429 = arith.constant 0 : i32
        %dma_wait3A_430 = arith.constant 0 : i32
        %dma_wait3A_431 = tpu.memref_slice %arg2[%dma_wait3A_429, %dma_wait3A_430] : memref<10000x8xf32, #tpu.memory_space<hbm>> -> memref<512x8xf32, #tpu.memory_space<hbm>>
        %dma_wait3A_432 = arith.constant 0 : i32
        %dma_wait3A_433 = arith.constant 0 : i32
        %dma_wait3A_434 = tpu.memref_slice %arg2[%dma_wait3A_432, %dma_wait3A_433] : memref<10000x8xf32, #tpu.memory_space<hbm>> -> memref<512x8xf32, #tpu.memory_space<hbm>>
        tpu.wait_dma2 semaphore(%arg21 : memref<!tpu.dma_semaphore, #tpu.memory_space<semaphore_mem>>) src(%dma_wait3A_434 : memref<512x8xf32, #tpu.memory_space<hbm>>) dst(%arg11 : memref<512x8xf32, #tpu.memory_space<vmem>>)
      } else {
      }
      %mul3A_116 = arith.constant 4 : i32
      %mul3A_117 = arith.muli %scan3A_83, %mul3A_116 : i32
      %add3A_118 = arith.constant 2 : i32
      %add3A_119 = arith.addi %mul3A_117, %add3A_118 : i32
      %mul3A_120 = arith.constant 512 : i32
      %mul3A_121 = arith.muli %add3A_119, %mul3A_120 : i32
      %dma_start3A_122 = tpu.memref_slice %arg7[%mul3A_121] : memref<10240xi32, #tpu.memory_space<vmem>> -> memref<512xi32, #tpu.memory_space<vmem>>
      %dma_start3A_123 = arith.constant 0 : i32
      %dma_start3A_124 = arith.constant 0 : i32
      %dma_start3A_125 = tpu.memref_slice %arg2[%dma_start3A_123, %dma_start3A_124] : memref<10000x8xf32, #tpu.memory_space<hbm>> -> memref<10000x8xf32, #tpu.memory_space<hbm>>
      tpu.enqueue_indirect_dma source(%dma_start3A_125 : memref<10000x8xf32, #tpu.memory_space<hbm>>) target(%arg11 : memref<512x8xf32, #tpu.memory_space<vmem>>) offsets(%dma_start3A_122 : memref<512xi32, #tpu.memory_space<vmem>>) semaphore(%arg17 : memref<!tpu.dma_semaphore, #tpu.memory_space<semaphore_mem>>)
      %gt3A_126 = arith.constant 0 : i32
      %gt3A_127 = arith.cmpi sgt, %scan3A_83, %gt3A_126 : i32
      %convert_element_type3A_128 = arith.extui %gt3A_127 : i1 to i32
      %cond3A_129 = arith.constant 0 : i32
      %cond3A_130 = arith.cmpi ne, %convert_element_type3A_128, %cond3A_129 : i32
      scf.if %cond3A_130 {
        %dma_wait3A_429 = arith.constant 0 : i32
        %dma_wait3A_430 = arith.constant 0 : i32
        %dma_wait3A_431 = tpu.memref_slice %arg2[%dma_wait3A_429, %dma_wait3A_430] : memref<10000x8xf32, #tpu.memory_space<hbm>> -> memref<512x8xf32, #tpu.memory_space<hbm>>
        %dma_wait3A_432 = arith.constant 0 : i32
        %dma_wait3A_433 = arith.constant 0 : i32
        %dma_wait3A_434 = tpu.memref_slice %arg2[%dma_wait3A_432, %dma_wait3A_433] : memref<10000x8xf32, #tpu.memory_space<hbm>> -> memref<512x8xf32, #tpu.memory_space<hbm>>
        tpu.wait_dma2 semaphore(%arg22 : memref<!tpu.dma_semaphore, #tpu.memory_space<semaphore_mem>>) src(%dma_wait3A_434 : memref<512x8xf32, #tpu.memory_space<hbm>>) dst(%arg12 : memref<512x8xf32, #tpu.memory_space<vmem>>)
      } else {
      }
      %mul3A_131 = arith.constant 4 : i32
      %mul3A_132 = arith.muli %scan3A_83, %mul3A_131 : i32
      %add3A_133 = arith.constant 3 : i32
      %add3A_134 = arith.addi %mul3A_132, %add3A_133 : i32
      %mul3A_135 = arith.constant 512 : i32
      %mul3A_136 = arith.muli %add3A_134, %mul3A_135 : i32
      %dma_start3A_137 = tpu.memref_slice %arg7[%mul3A_136] : memref<10240xi32, #tpu.memory_space<vmem>> -> memref<512xi32, #tpu.memory_space<vmem>>
      %dma_start3A_138 = arith.constant 0 : i32
      %dma_start3A_139 = arith.constant 0 : i32
      %dma_start3A_140 = tpu.memref_slice %arg2[%dma_start3A_138, %dma_start3A_139] : memref<10000x8xf32, #tpu.memory_space<hbm>> -> memref<10000x8xf32, #tpu.memory_space<hbm>>
      tpu.enqueue_indirect_dma source(%dma_start3A_140 : memref<10000x8xf32, #tpu.memory_space<hbm>>) target(%arg12 : memref<512x8xf32, #tpu.memory_space<vmem>>) offsets(%dma_start3A_137 : memref<512xi32, #tpu.memory_space<vmem>>) semaphore(%arg18 : memref<!tpu.dma_semaphore, #tpu.memory_space<semaphore_mem>>)
      %dma_wait3A_141 = tpu.memref_slice %arg7[%mul3A_91] : memref<10240xi32, #tpu.memory_space<vmem>> -> memref<512xi32, #tpu.memory_space<vmem>>
      %dma_wait3A_142 = arith.constant 0 : i32
      %dma_wait3A_143 = arith.constant 0 : i32
      %dma_wait3A_144 = tpu.memref_slice %arg2[%dma_wait3A_142, %dma_wait3A_143] : memref<10000x8xf32, #tpu.memory_space<hbm>> -> memref<10000x8xf32, #tpu.memory_space<hbm>>
      tpu.wait_indirect_dma semaphore(%arg15 : memref<!tpu.dma_semaphore, #tpu.memory_space<semaphore_mem>>) src(%dma_wait3A_144 : memref<10000x8xf32, #tpu.memory_space<hbm>>) dst(%arg9 : memref<512x8xf32, #tpu.memory_space<vmem>>)
      %mul3A_145 = arith.constant 4 : i32
      %mul3A_146 = arith.muli %scan3A_83, %mul3A_145 : i32
      %add3A_147 = arith.constant 0 : i32
      %add3A_148 = arith.addi %mul3A_146, %add3A_147 : i32
      %mul3A_149 = arith.constant 4 : i32
      %mul3A_150 = arith.muli %add3A_148, %mul3A_149 : i32
      %add3A_151 = arith.constant 0 : i32
      %add3A_152 = arith.addi %mul3A_150, %add3A_151 : i32
      %dma_start3A_153 = arith.constant 0 : i32
      %dma_start3A_154 = arith.constant 0 : i32
      %dma_start3A_155 = tpu.memref_slice %arg9[%dma_start3A_153, %dma_start3A_154] : memref<512x8xf32, #tpu.memory_space<vmem>> -> memref<128x8xf32, #tpu.memory_space<vmem>>
      %dma_start3A_156 = arith.constant 0 : i32
      %dma_start3A_157 = tpu.memref_slice %arg8[%add3A_152, %dma_start3A_156] : memref<80x128xi32, #tpu.memory_space<vmem>> -> memref<1x128xi32, #tpu.memory_space<vmem>>
      %dma_start3A_158 = tpu.memref_squeeze %dma_start3A_157 : memref<1x128xi32, #tpu.memory_space<vmem>> -> memref<128xi32, #tpu.memory_space<vmem>>
      %dma_start3A_159 = arith.constant 0 : i32
      %dma_start3A_160 = arith.constant 0 : i32
      %dma_start3A_161 = tpu.memref_slice %arg14[%dma_start3A_159, %dma_start3A_160] : memref<10240x8xf32, #tpu.memory_space<vmem_shared>> -> memref<10240x8xf32, #tpu.memory_space<vmem_shared>>
      tpu.enqueue_indirect_dma source(%dma_start3A_155 : memref<128x8xf32, #tpu.memory_space<vmem>>) target(%dma_start3A_161 : memref<10240x8xf32, #tpu.memory_space<vmem_shared>>) offsets(%dma_start3A_158 : memref<128xi32, #tpu.memory_space<vmem>>) semaphore(%arg19 : memref<!tpu.dma_semaphore, #tpu.memory_space<semaphore_mem>>) {add = true}
      %mul3A_162 = arith.constant 4 : i32
      %mul3A_163 = arith.muli %scan3A_83, %mul3A_162 : i32
      %add3A_164 = arith.constant 0 : i32
      %add3A_165 = arith.addi %mul3A_163, %add3A_164 : i32
      %mul3A_166 = arith.constant 4 : i32
      %mul3A_167 = arith.muli %add3A_165, %mul3A_166 : i32
      %add3A_168 = arith.constant 1 : i32
      %add3A_169 = arith.addi %mul3A_167, %add3A_168 : i32
      %dma_start3A_170 = arith.constant 128 : i32
      %dma_start3A_171 = arith.constant 0 : i32
      %dma_start3A_172 = tpu.memref_slice %arg9[%dma_start3A_170, %dma_start3A_171] : memref<512x8xf32, #tpu.memory_space<vmem>> -> memref<128x8xf32, #tpu.memory_space<vmem>>
      %dma_start3A_173 = arith.constant 0 : i32
      %dma_start3A_174 = tpu.memref_slice %arg8[%add3A_169, %dma_start3A_173] : memref<80x128xi32, #tpu.memory_space<vmem>> -> memref<1x128xi32, #tpu.memory_space<vmem>>
      %dma_start3A_175 = tpu.memref_squeeze %dma_start3A_174 : memref<1x128xi32, #tpu.memory_space<vmem>> -> memref<128xi32, #tpu.memory_space<vmem>>
      %dma_start3A_176 = arith.constant 0 : i32
      %dma_start3A_177 = arith.constant 0 : i32
      %dma_start3A_178 = tpu.memref_slice %arg14[%dma_start3A_176, %dma_start3A_177] : memref<10240x8xf32, #tpu.memory_space<vmem_shared>> -> memref<10240x8xf32, #tpu.memory_space<vmem_shared>>
      tpu.enqueue_indirect_dma source(%dma_start3A_172 : memref<128x8xf32, #tpu.memory_space<vmem>>) target(%dma_start3A_178 : memref<10240x8xf32, #tpu.memory_space<vmem_shared>>) offsets(%dma_start3A_175 : memref<128xi32, #tpu.memory_space<vmem>>) semaphore(%arg19 : memref<!tpu.dma_semaphore, #tpu.memory_space<semaphore_mem>>) {add = true}
      %mul3A_179 = arith.constant 4 : i32
      %mul3A_180 = arith.muli %scan3A_83, %mul3A_179 : i32
      %add3A_181 = arith.constant 0 : i32
      %add3A_182 = arith.addi %mul3A_180, %add3A_181 : i32
      %mul3A_183 = arith.constant 4 : i32
      %mul3A_184 = arith.muli %add3A_182, %mul3A_183 : i32
      %add3A_185 = arith.constant 2 : i32
      %add3A_186 = arith.addi %mul3A_184, %add3A_185 : i32
      %dma_start3A_187 = arith.constant 256 : i32
      %dma_start3A_188 = arith.constant 0 : i32
      %dma_start3A_189 = tpu.memref_slice %arg9[%dma_start3A_187, %dma_start3A_188] : memref<512x8xf32, #tpu.memory_space<vmem>> -> memref<128x8xf32, #tpu.memory_space<vmem>>
      %dma_start3A_190 = arith.constant 0 : i32
      %dma_start3A_191 = tpu.memref_slice %arg8[%add3A_186, %dma_start3A_190] : memref<80x128xi32, #tpu.memory_space<vmem>> -> memref<1x128xi32, #tpu.memory_space<vmem>>
      %dma_start3A_192 = tpu.memref_squeeze %dma_start3A_191 : memref<1x128xi32, #tpu.memory_space<vmem>> -> memref<128xi32, #tpu.memory_space<vmem>>
      %dma_start3A_193 = arith.constant 0 : i32
      %dma_start3A_194 = arith.constant 0 : i32
      %dma_start3A_195 = tpu.memref_slice %arg14[%dma_start3A_193, %dma_start3A_194] : memref<10240x8xf32, #tpu.memory_space<vmem_shared>> -> memref<10240x8xf32, #tpu.memory_space<vmem_shared>>
      tpu.enqueue_indirect_dma source(%dma_start3A_189 : memref<128x8xf32, #tpu.memory_space<vmem>>) target(%dma_start3A_195 : memref<10240x8xf32, #tpu.memory_space<vmem_shared>>) offsets(%dma_start3A_192 : memref<128xi32, #tpu.memory_space<vmem>>) semaphore(%arg19 : memref<!tpu.dma_semaphore, #tpu.memory_space<semaphore_mem>>) {add = true}
      %mul3A_196 = arith.constant 4 : i32
      %mul3A_197 = arith.muli %scan3A_83, %mul3A_196 : i32
      %add3A_198 = arith.constant 0 : i32
      %add3A_199 = arith.addi %mul3A_197, %add3A_198 : i32
      %mul3A_200 = arith.constant 4 : i32
      %mul3A_201 = arith.muli %add3A_199, %mul3A_200 : i32
      %add3A_202 = arith.constant 3 : i32
      %add3A_203 = arith.addi %mul3A_201, %add3A_202 : i32
      %dma_start3A_204 = arith.constant 384 : i32
      %dma_start3A_205 = arith.constant 0 : i32
      %dma_start3A_206 = tpu.memref_slice %arg9[%dma_start3A_204, %dma_start3A_205] : memref<512x8xf32, #tpu.memory_space<vmem>> -> memref<128x8xf32, #tpu.memory_space<vmem>>
      %dma_start3A_207 = arith.constant 0 : i32
      %dma_start3A_208 = tpu.memref_slice %arg8[%add3A_203, %dma_start3A_207] : memref<80x128xi32, #tpu.memory_space<vmem>> -> memref<1x128xi32, #tpu.memory_space<vmem>>
      %dma_start3A_209 = tpu.memref_squeeze %dma_start3A_208 : memref<1x128xi32, #tpu.memory_space<vmem>> -> memref<128xi32, #tpu.memory_space<vmem>>
      %dma_start3A_210 = arith.constant 0 : i32
      %dma_start3A_211 = arith.constant 0 : i32
      %dma_start3A_212 = tpu.memref_slice %arg14[%dma_start3A_210, %dma_start3A_211] : memref<10240x8xf32, #tpu.memory_space<vmem_shared>> -> memref<10240x8xf32, #tpu.memory_space<vmem_shared>>
      tpu.enqueue_indirect_dma source(%dma_start3A_206 : memref<128x8xf32, #tpu.memory_space<vmem>>) target(%dma_start3A_212 : memref<10240x8xf32, #tpu.memory_space<vmem_shared>>) offsets(%dma_start3A_209 : memref<128xi32, #tpu.memory_space<vmem>>) semaphore(%arg19 : memref<!tpu.dma_semaphore, #tpu.memory_space<semaphore_mem>>) {add = true}
      %dma_wait3A_213 = tpu.memref_slice %arg7[%mul3A_106] : memref<10240xi32, #tpu.memory_space<vmem>> -> memref<512xi32, #tpu.memory_space<vmem>>
      %dma_wait3A_214 = arith.constant 0 : i32
      %dma_wait3A_215 = arith.constant 0 : i32
      %dma_wait3A_216 = tpu.memref_slice %arg2[%dma_wait3A_214, %dma_wait3A_215] : memref<10000x8xf32, #tpu.memory_space<hbm>> -> memref<10000x8xf32, #tpu.memory_space<hbm>>
      tpu.wait_indirect_dma semaphore(%arg16 : memref<!tpu.dma_semaphore, #tpu.memory_space<semaphore_mem>>) src(%dma_wait3A_216 : memref<10000x8xf32, #tpu.memory_space<hbm>>) dst(%arg10 : memref<512x8xf32, #tpu.memory_space<vmem>>)
      %mul3A_217 = arith.constant 4 : i32
      %mul3A_218 = arith.muli %scan3A_83, %mul3A_217 : i32
      %add3A_219 = arith.constant 1 : i32
      %add3A_220 = arith.addi %mul3A_218, %add3A_219 : i32
      %mul3A_221 = arith.constant 4 : i32
      %mul3A_222 = arith.muli %add3A_220, %mul3A_221 : i32
      %add3A_223 = arith.constant 0 : i32
      %add3A_224 = arith.addi %mul3A_222, %add3A_223 : i32
      %dma_start3A_225 = arith.constant 0 : i32
      %dma_start3A_226 = arith.constant 0 : i32
      %dma_start3A_227 = tpu.memref_slice %arg10[%dma_start3A_225, %dma_start3A_226] : memref<512x8xf32, #tpu.memory_space<vmem>> -> memref<128x8xf32, #tpu.memory_space<vmem>>
      %dma_start3A_228 = arith.constant 0 : i32
      %dma_start3A_229 = tpu.memref_slice %arg8[%add3A_224, %dma_start3A_228] : memref<80x128xi32, #tpu.memory_space<vmem>> -> memref<1x128xi32, #tpu.memory_space<vmem>>
      %dma_start3A_230 = tpu.memref_squeeze %dma_start3A_229 : memref<1x128xi32, #tpu.memory_space<vmem>> -> memref<128xi32, #tpu.memory_space<vmem>>
      %dma_start3A_231 = arith.constant 0 : i32
      %dma_start3A_232 = arith.constant 0 : i32
      %dma_start3A_233 = tpu.memref_slice %arg14[%dma_start3A_231, %dma_start3A_232] : memref<10240x8xf32, #tpu.memory_space<vmem_shared>> -> memref<10240x8xf32, #tpu.memory_space<vmem_shared>>
      tpu.enqueue_indirect_dma source(%dma_start3A_227 : memref<128x8xf32, #tpu.memory_space<vmem>>) target(%dma_start3A_233 : memref<10240x8xf32, #tpu.memory_space<vmem_shared>>) offsets(%dma_start3A_230 : memref<128xi32, #tpu.memory_space<vmem>>) semaphore(%arg20 : memref<!tpu.dma_semaphore, #tpu.memory_space<semaphore_mem>>) {add = true}
      %mul3A_234 = arith.constant 4 : i32
      %mul3A_235 = arith.muli %scan3A_83, %mul3A_234 : i32
      %add3A_236 = arith.constant 1 : i32
      %add3A_237 = arith.addi %mul3A_235, %add3A_236 : i32
      %mul3A_238 = arith.constant 4 : i32
      %mul3A_239 = arith.muli %add3A_237, %mul3A_238 : i32
      %add3A_240 = arith.constant 1 : i32
      %add3A_241 = arith.addi %mul3A_239, %add3A_240 : i32
      %dma_start3A_242 = arith.constant 128 : i32
      %dma_start3A_243 = arith.constant 0 : i32
      %dma_start3A_244 = tpu.memref_slice %arg10[%dma_start3A_242, %dma_start3A_243] : memref<512x8xf32, #tpu.memory_space<vmem>> -> memref<128x8xf32, #tpu.memory_space<vmem>>
      %dma_start3A_245 = arith.constant 0 : i32
      %dma_start3A_246 = tpu.memref_slice %arg8[%add3A_241, %dma_start3A_245] : memref<80x128xi32, #tpu.memory_space<vmem>> -> memref<1x128xi32, #tpu.memory_space<vmem>>
      %dma_start3A_247 = tpu.memref_squeeze %dma_start3A_246 : memref<1x128xi32, #tpu.memory_space<vmem>> -> memref<128xi32, #tpu.memory_space<vmem>>
      %dma_start3A_248 = arith.constant 0 : i32
      %dma_start3A_249 = arith.constant 0 : i32
      %dma_start3A_250 = tpu.memref_slice %arg14[%dma_start3A_248, %dma_start3A_249] : memref<10240x8xf32, #tpu.memory_space<vmem_shared>> -> memref<10240x8xf32, #tpu.memory_space<vmem_shared>>
      tpu.enqueue_indirect_dma source(%dma_start3A_244 : memref<128x8xf32, #tpu.memory_space<vmem>>) target(%dma_start3A_250 : memref<10240x8xf32, #tpu.memory_space<vmem_shared>>) offsets(%dma_start3A_247 : memref<128xi32, #tpu.memory_space<vmem>>) semaphore(%arg20 : memref<!tpu.dma_semaphore, #tpu.memory_space<semaphore_mem>>) {add = true}
      %mul3A_251 = arith.constant 4 : i32
      %mul3A_252 = arith.muli %scan3A_83, %mul3A_251 : i32
      %add3A_253 = arith.constant 1 : i32
      %add3A_254 = arith.addi %mul3A_252, %add3A_253 : i32
      %mul3A_255 = arith.constant 4 : i32
      %mul3A_256 = arith.muli %add3A_254, %mul3A_255 : i32
      %add3A_257 = arith.constant 2 : i32
      %add3A_258 = arith.addi %mul3A_256, %add3A_257 : i32
      %dma_start3A_259 = arith.constant 256 : i32
      %dma_start3A_260 = arith.constant 0 : i32
      %dma_start3A_261 = tpu.memref_slice %arg10[%dma_start3A_259, %dma_start3A_260] : memref<512x8xf32, #tpu.memory_space<vmem>> -> memref<128x8xf32, #tpu.memory_space<vmem>>
      %dma_start3A_262 = arith.constant 0 : i32
      %dma_start3A_263 = tpu.memref_slice %arg8[%add3A_258, %dma_start3A_262] : memref<80x128xi32, #tpu.memory_space<vmem>> -> memref<1x128xi32, #tpu.memory_space<vmem>>
      %dma_start3A_264 = tpu.memref_squeeze %dma_start3A_263 : memref<1x128xi32, #tpu.memory_space<vmem>> -> memref<128xi32, #tpu.memory_space<vmem>>
      %dma_start3A_265 = arith.constant 0 : i32
      %dma_start3A_266 = arith.constant 0 : i32
      %dma_start3A_267 = tpu.memref_slice %arg14[%dma_start3A_265, %dma_start3A_266] : memref<10240x8xf32, #tpu.memory_space<vmem_shared>> -> memref<10240x8xf32, #tpu.memory_space<vmem_shared>>
      tpu.enqueue_indirect_dma source(%dma_start3A_261 : memref<128x8xf32, #tpu.memory_space<vmem>>) target(%dma_start3A_267 : memref<10240x8xf32, #tpu.memory_space<vmem_shared>>) offsets(%dma_start3A_264 : memref<128xi32, #tpu.memory_space<vmem>>) semaphore(%arg20 : memref<!tpu.dma_semaphore, #tpu.memory_space<semaphore_mem>>) {add = true}
      %mul3A_268 = arith.constant 4 : i32
      %mul3A_269 = arith.muli %scan3A_83, %mul3A_268 : i32
      %add3A_270 = arith.constant 1 : i32
      %add3A_271 = arith.addi %mul3A_269, %add3A_270 : i32
      %mul3A_272 = arith.constant 4 : i32
      %mul3A_273 = arith.muli %add3A_271, %mul3A_272 : i32
      %add3A_274 = arith.constant 3 : i32
      %add3A_275 = arith.addi %mul3A_273, %add3A_274 : i32
      %dma_start3A_276 = arith.constant 384 : i32
      %dma_start3A_277 = arith.constant 0 : i32
      %dma_start3A_278 = tpu.memref_slice %arg10[%dma_start3A_276, %dma_start3A_277] : memref<512x8xf32, #tpu.memory_space<vmem>> -> memref<128x8xf32, #tpu.memory_space<vmem>>
      %dma_start3A_279 = arith.constant 0 : i32
      %dma_start3A_280 = tpu.memref_slice %arg8[%add3A_275, %dma_start3A_279] : memref<80x128xi32, #tpu.memory_space<vmem>> -> memref<1x128xi32, #tpu.memory_space<vmem>>
      %dma_start3A_281 = tpu.memref_squeeze %dma_start3A_280 : memref<1x128xi32, #tpu.memory_space<vmem>> -> memref<128xi32, #tpu.memory_space<vmem>>
      %dma_start3A_282 = arith.constant 0 : i32
      %dma_start3A_283 = arith.constant 0 : i32
      %dma_start3A_284 = tpu.memref_slice %arg14[%dma_start3A_282, %dma_start3A_283] : memref<10240x8xf32, #tpu.memory_space<vmem_shared>> -> memref<10240x8xf32, #tpu.memory_space<vmem_shared>>
      tpu.enqueue_indirect_dma source(%dma_start3A_278 : memref<128x8xf32, #tpu.memory_space<vmem>>) target(%dma_start3A_284 : memref<10240x8xf32, #tpu.memory_space<vmem_shared>>) offsets(%dma_start3A_281 : memref<128xi32, #tpu.memory_space<vmem>>) semaphore(%arg20 : memref<!tpu.dma_semaphore, #tpu.memory_space<semaphore_mem>>) {add = true}
      %dma_wait3A_285 = tpu.memref_slice %arg7[%mul3A_121] : memref<10240xi32, #tpu.memory_space<vmem>> -> memref<512xi32, #tpu.memory_space<vmem>>
      %dma_wait3A_286 = arith.constant 0 : i32
      %dma_wait3A_287 = arith.constant 0 : i32
      %dma_wait3A_288 = tpu.memref_slice %arg2[%dma_wait3A_286, %dma_wait3A_287] : memref<10000x8xf32, #tpu.memory_space<hbm>> -> memref<10000x8xf32, #tpu.memory_space<hbm>>
      tpu.wait_indirect_dma semaphore(%arg17 : memref<!tpu.dma_semaphore, #tpu.memory_space<semaphore_mem>>) src(%dma_wait3A_288 : memref<10000x8xf32, #tpu.memory_space<hbm>>) dst(%arg11 : memref<512x8xf32, #tpu.memory_space<vmem>>)
      %mul3A_289 = arith.constant 4 : i32
      %mul3A_290 = arith.muli %scan3A_83, %mul3A_289 : i32
      %add3A_291 = arith.constant 2 : i32
      %add3A_292 = arith.addi %mul3A_290, %add3A_291 : i32
      %mul3A_293 = arith.constant 4 : i32
      %mul3A_294 = arith.muli %add3A_292, %mul3A_293 : i32
      %add3A_295 = arith.constant 0 : i32
      %add3A_296 = arith.addi %mul3A_294, %add3A_295 : i32
      %dma_start3A_297 = arith.constant 0 : i32
      %dma_start3A_298 = arith.constant 0 : i32
      %dma_start3A_299 = tpu.memref_slice %arg11[%dma_start3A_297, %dma_start3A_298] : memref<512x8xf32, #tpu.memory_space<vmem>> -> memref<128x8xf32, #tpu.memory_space<vmem>>
      %dma_start3A_300 = arith.constant 0 : i32
      %dma_start3A_301 = tpu.memref_slice %arg8[%add3A_296, %dma_start3A_300] : memref<80x128xi32, #tpu.memory_space<vmem>> -> memref<1x128xi32, #tpu.memory_space<vmem>>
      %dma_start3A_302 = tpu.memref_squeeze %dma_start3A_301 : memref<1x128xi32, #tpu.memory_space<vmem>> -> memref<128xi32, #tpu.memory_space<vmem>>
      %dma_start3A_303 = arith.constant 0 : i32
      %dma_start3A_304 = arith.constant 0 : i32
      %dma_start3A_305 = tpu.memref_slice %arg14[%dma_start3A_303, %dma_start3A_304] : memref<10240x8xf32, #tpu.memory_space<vmem_shared>> -> memref<10240x8xf32, #tpu.memory_space<vmem_shared>>
      tpu.enqueue_indirect_dma source(%dma_start3A_299 : memref<128x8xf32, #tpu.memory_space<vmem>>) target(%dma_start3A_305 : memref<10240x8xf32, #tpu.memory_space<vmem_shared>>) offsets(%dma_start3A_302 : memref<128xi32, #tpu.memory_space<vmem>>) semaphore(%arg21 : memref<!tpu.dma_semaphore, #tpu.memory_space<semaphore_mem>>) {add = true}
      %mul3A_306 = arith.constant 4 : i32
      %mul3A_307 = arith.muli %scan3A_83, %mul3A_306 : i32
      %add3A_308 = arith.constant 2 : i32
      %add3A_309 = arith.addi %mul3A_307, %add3A_308 : i32
      %mul3A_310 = arith.constant 4 : i32
      %mul3A_311 = arith.muli %add3A_309, %mul3A_310 : i32
      %add3A_312 = arith.constant 1 : i32
      %add3A_313 = arith.addi %mul3A_311, %add3A_312 : i32
      %dma_start3A_314 = arith.constant 128 : i32
      %dma_start3A_315 = arith.constant 0 : i32
      %dma_start3A_316 = tpu.memref_slice %arg11[%dma_start3A_314, %dma_start3A_315] : memref<512x8xf32, #tpu.memory_space<vmem>> -> memref<128x8xf32, #tpu.memory_space<vmem>>
      %dma_start3A_317 = arith.constant 0 : i32
      %dma_start3A_318 = tpu.memref_slice %arg8[%add3A_313, %dma_start3A_317] : memref<80x128xi32, #tpu.memory_space<vmem>> -> memref<1x128xi32, #tpu.memory_space<vmem>>
      %dma_start3A_319 = tpu.memref_squeeze %dma_start3A_318 : memref<1x128xi32, #tpu.memory_space<vmem>> -> memref<128xi32, #tpu.memory_space<vmem>>
      %dma_start3A_320 = arith.constant 0 : i32
      %dma_start3A_321 = arith.constant 0 : i32
      %dma_start3A_322 = tpu.memref_slice %arg14[%dma_start3A_320, %dma_start3A_321] : memref<10240x8xf32, #tpu.memory_space<vmem_shared>> -> memref<10240x8xf32, #tpu.memory_space<vmem_shared>>
      tpu.enqueue_indirect_dma source(%dma_start3A_316 : memref<128x8xf32, #tpu.memory_space<vmem>>) target(%dma_start3A_322 : memref<10240x8xf32, #tpu.memory_space<vmem_shared>>) offsets(%dma_start3A_319 : memref<128xi32, #tpu.memory_space<vmem>>) semaphore(%arg21 : memref<!tpu.dma_semaphore, #tpu.memory_space<semaphore_mem>>) {add = true}
      %mul3A_323 = arith.constant 4 : i32
      %mul3A_324 = arith.muli %scan3A_83, %mul3A_323 : i32
      %add3A_325 = arith.constant 2 : i32
      %add3A_326 = arith.addi %mul3A_324, %add3A_325 : i32
      %mul3A_327 = arith.constant 4 : i32
      %mul3A_328 = arith.muli %add3A_326, %mul3A_327 : i32
      %add3A_329 = arith.constant 2 : i32
      %add3A_330 = arith.addi %mul3A_328, %add3A_329 : i32
      %dma_start3A_331 = arith.constant 256 : i32
      %dma_start3A_332 = arith.constant 0 : i32
      %dma_start3A_333 = tpu.memref_slice %arg11[%dma_start3A_331, %dma_start3A_332] : memref<512x8xf32, #tpu.memory_space<vmem>> -> memref<128x8xf32, #tpu.memory_space<vmem>>
      %dma_start3A_334 = arith.constant 0 : i32
      %dma_start3A_335 = tpu.memref_slice %arg8[%add3A_330, %dma_start3A_334] : memref<80x128xi32, #tpu.memory_space<vmem>> -> memref<1x128xi32, #tpu.memory_space<vmem>>
      %dma_start3A_336 = tpu.memref_squeeze %dma_start3A_335 : memref<1x128xi32, #tpu.memory_space<vmem>> -> memref<128xi32, #tpu.memory_space<vmem>>
      %dma_start3A_337 = arith.constant 0 : i32
      %dma_start3A_338 = arith.constant 0 : i32
      %dma_start3A_339 = tpu.memref_slice %arg14[%dma_start3A_337, %dma_start3A_338] : memref<10240x8xf32, #tpu.memory_space<vmem_shared>> -> memref<10240x8xf32, #tpu.memory_space<vmem_shared>>
      tpu.enqueue_indirect_dma source(%dma_start3A_333 : memref<128x8xf32, #tpu.memory_space<vmem>>) target(%dma_start3A_339 : memref<10240x8xf32, #tpu.memory_space<vmem_shared>>) offsets(%dma_start3A_336 : memref<128xi32, #tpu.memory_space<vmem>>) semaphore(%arg21 : memref<!tpu.dma_semaphore, #tpu.memory_space<semaphore_mem>>) {add = true}
      %mul3A_340 = arith.constant 4 : i32
      %mul3A_341 = arith.muli %scan3A_83, %mul3A_340 : i32
      %add3A_342 = arith.constant 2 : i32
      %add3A_343 = arith.addi %mul3A_341, %add3A_342 : i32
      %mul3A_344 = arith.constant 4 : i32
      %mul3A_345 = arith.muli %add3A_343, %mul3A_344 : i32
      %add3A_346 = arith.constant 3 : i32
      %add3A_347 = arith.addi %mul3A_345, %add3A_346 : i32
      %dma_start3A_348 = arith.constant 384 : i32
      %dma_start3A_349 = arith.constant 0 : i32
      %dma_start3A_350 = tpu.memref_slice %arg11[%dma_start3A_348, %dma_start3A_349] : memref<512x8xf32, #tpu.memory_space<vmem>> -> memref<128x8xf32, #tpu.memory_space<vmem>>
      %dma_start3A_351 = arith.constant 0 : i32
      %dma_start3A_352 = tpu.memref_slice %arg8[%add3A_347, %dma_start3A_351] : memref<80x128xi32, #tpu.memory_space<vmem>> -> memref<1x128xi32, #tpu.memory_space<vmem>>
      %dma_start3A_353 = tpu.memref_squeeze %dma_start3A_352 : memref<1x128xi32, #tpu.memory_space<vmem>> -> memref<128xi32, #tpu.memory_space<vmem>>
      %dma_start3A_354 = arith.constant 0 : i32
      %dma_start3A_355 = arith.constant 0 : i32
      %dma_start3A_356 = tpu.memref_slice %arg14[%dma_start3A_354, %dma_start3A_355] : memref<10240x8xf32, #tpu.memory_space<vmem_shared>> -> memref<10240x8xf32, #tpu.memory_space<vmem_shared>>
      tpu.enqueue_indirect_dma source(%dma_start3A_350 : memref<128x8xf32, #tpu.memory_space<vmem>>) target(%dma_start3A_356 : memref<10240x8xf32, #tpu.memory_space<vmem_shared>>) offsets(%dma_start3A_353 : memref<128xi32, #tpu.memory_space<vmem>>) semaphore(%arg21 : memref<!tpu.dma_semaphore, #tpu.memory_space<semaphore_mem>>) {add = true}
      %dma_wait3A_357 = tpu.memref_slice %arg7[%mul3A_136] : memref<10240xi32, #tpu.memory_space<vmem>> -> memref<512xi32, #tpu.memory_space<vmem>>
      %dma_wait3A_358 = arith.constant 0 : i32
      %dma_wait3A_359 = arith.constant 0 : i32
      %dma_wait3A_360 = tpu.memref_slice %arg2[%dma_wait3A_358, %dma_wait3A_359] : memref<10000x8xf32, #tpu.memory_space<hbm>> -> memref<10000x8xf32, #tpu.memory_space<hbm>>
      tpu.wait_indirect_dma semaphore(%arg18 : memref<!tpu.dma_semaphore, #tpu.memory_space<semaphore_mem>>) src(%dma_wait3A_360 : memref<10000x8xf32, #tpu.memory_space<hbm>>) dst(%arg12 : memref<512x8xf32, #tpu.memory_space<vmem>>)
      %mul3A_361 = arith.constant 4 : i32
      %mul3A_362 = arith.muli %scan3A_83, %mul3A_361 : i32
      %add3A_363 = arith.constant 3 : i32
      %add3A_364 = arith.addi %mul3A_362, %add3A_363 : i32
      %mul3A_365 = arith.constant 4 : i32
      %mul3A_366 = arith.muli %add3A_364, %mul3A_365 : i32
      %add3A_367 = arith.constant 0 : i32
      %add3A_368 = arith.addi %mul3A_366, %add3A_367 : i32
      %dma_start3A_369 = arith.constant 0 : i32
      %dma_start3A_370 = arith.constant 0 : i32
      %dma_start3A_371 = tpu.memref_slice %arg12[%dma_start3A_369, %dma_start3A_370] : memref<512x8xf32, #tpu.memory_space<vmem>> -> memref<128x8xf32, #tpu.memory_space<vmem>>
      %dma_start3A_372 = arith.constant 0 : i32
      %dma_start3A_373 = tpu.memref_slice %arg8[%add3A_368, %dma_start3A_372] : memref<80x128xi32, #tpu.memory_space<vmem>> -> memref<1x128xi32, #tpu.memory_space<vmem>>
      %dma_start3A_374 = tpu.memref_squeeze %dma_start3A_373 : memref<1x128xi32, #tpu.memory_space<vmem>> -> memref<128xi32, #tpu.memory_space<vmem>>
      %dma_start3A_375 = arith.constant 0 : i32
      %dma_start3A_376 = arith.constant 0 : i32
      %dma_start3A_377 = tpu.memref_slice %arg14[%dma_start3A_375, %dma_start3A_376] : memref<10240x8xf32, #tpu.memory_space<vmem_shared>> -> memref<10240x8xf32, #tpu.memory_space<vmem_shared>>
      tpu.enqueue_indirect_dma source(%dma_start3A_371 : memref<128x8xf32, #tpu.memory_space<vmem>>) target(%dma_start3A_377 : memref<10240x8xf32, #tpu.memory_space<vmem_shared>>) offsets(%dma_start3A_374 : memref<128xi32, #tpu.memory_space<vmem>>) semaphore(%arg22 : memref<!tpu.dma_semaphore, #tpu.memory_space<semaphore_mem>>) {add = true}
      %mul3A_378 = arith.constant 4 : i32
      %mul3A_379 = arith.muli %scan3A_83, %mul3A_378 : i32
      %add3A_380 = arith.constant 3 : i32
      %add3A_381 = arith.addi %mul3A_379, %add3A_380 : i32
      %mul3A_382 = arith.constant 4 : i32
      %mul3A_383 = arith.muli %add3A_381, %mul3A_382 : i32
      %add3A_384 = arith.constant 1 : i32
      %add3A_385 = arith.addi %mul3A_383, %add3A_384 : i32
      %dma_start3A_386 = arith.constant 128 : i32
      %dma_start3A_387 = arith.constant 0 : i32
      %dma_start3A_388 = tpu.memref_slice %arg12[%dma_start3A_386, %dma_start3A_387] : memref<512x8xf32, #tpu.memory_space<vmem>> -> memref<128x8xf32, #tpu.memory_space<vmem>>
      %dma_start3A_389 = arith.constant 0 : i32
      %dma_start3A_390 = tpu.memref_slice %arg8[%add3A_385, %dma_start3A_389] : memref<80x128xi32, #tpu.memory_space<vmem>> -> memref<1x128xi32, #tpu.memory_space<vmem>>
      %dma_start3A_391 = tpu.memref_squeeze %dma_start3A_390 : memref<1x128xi32, #tpu.memory_space<vmem>> -> memref<128xi32, #tpu.memory_space<vmem>>
      %dma_start3A_392 = arith.constant 0 : i32
      %dma_start3A_393 = arith.constant 0 : i32
      %dma_start3A_394 = tpu.memref_slice %arg14[%dma_start3A_392, %dma_start3A_393] : memref<10240x8xf32, #tpu.memory_space<vmem_shared>> -> memref<10240x8xf32, #tpu.memory_space<vmem_shared>>
      tpu.enqueue_indirect_dma source(%dma_start3A_388 : memref<128x8xf32, #tpu.memory_space<vmem>>) target(%dma_start3A_394 : memref<10240x8xf32, #tpu.memory_space<vmem_shared>>) offsets(%dma_start3A_391 : memref<128xi32, #tpu.memory_space<vmem>>) semaphore(%arg22 : memref<!tpu.dma_semaphore, #tpu.memory_space<semaphore_mem>>) {add = true}
      %mul3A_395 = arith.constant 4 : i32
      %mul3A_396 = arith.muli %scan3A_83, %mul3A_395 : i32
      %add3A_397 = arith.constant 3 : i32
      %add3A_398 = arith.addi %mul3A_396, %add3A_397 : i32
      %mul3A_399 = arith.constant 4 : i32
      %mul3A_400 = arith.muli %add3A_398, %mul3A_399 : i32
      %add3A_401 = arith.constant 2 : i32
      %add3A_402 = arith.addi %mul3A_400, %add3A_401 : i32
      %dma_start3A_403 = arith.constant 256 : i32
      %dma_start3A_404 = arith.constant 0 : i32
      %dma_start3A_405 = tpu.memref_slice %arg12[%dma_start3A_403, %dma_start3A_404] : memref<512x8xf32, #tpu.memory_space<vmem>> -> memref<128x8xf32, #tpu.memory_space<vmem>>
      %dma_start3A_406 = arith.constant 0 : i32
      %dma_start3A_407 = tpu.memref_slice %arg8[%add3A_402, %dma_start3A_406] : memref<80x128xi32, #tpu.memory_space<vmem>> -> memref<1x128xi32, #tpu.memory_space<vmem>>
      %dma_start3A_408 = tpu.memref_squeeze %dma_start3A_407 : memref<1x128xi32, #tpu.memory_space<vmem>> -> memref<128xi32, #tpu.memory_space<vmem>>
      %dma_start3A_409 = arith.constant 0 : i32
      %dma_start3A_410 = arith.constant 0 : i32
      %dma_start3A_411 = tpu.memref_slice %arg14[%dma_start3A_409, %dma_start3A_410] : memref<10240x8xf32, #tpu.memory_space<vmem_shared>> -> memref<10240x8xf32, #tpu.memory_space<vmem_shared>>
      tpu.enqueue_indirect_dma source(%dma_start3A_405 : memref<128x8xf32, #tpu.memory_space<vmem>>) target(%dma_start3A_411 : memref<10240x8xf32, #tpu.memory_space<vmem_shared>>) offsets(%dma_start3A_408 : memref<128xi32, #tpu.memory_space<vmem>>) semaphore(%arg22 : memref<!tpu.dma_semaphore, #tpu.memory_space<semaphore_mem>>) {add = true}
      %mul3A_412 = arith.constant 4 : i32
      %mul3A_413 = arith.muli %scan3A_83, %mul3A_412 : i32
      %add3A_414 = arith.constant 3 : i32
      %add3A_415 = arith.addi %mul3A_413, %add3A_414 : i32
      %mul3A_416 = arith.constant 4 : i32
      %mul3A_417 = arith.muli %add3A_415, %mul3A_416 : i32
      %add3A_418 = arith.constant 3 : i32
      %add3A_419 = arith.addi %mul3A_417, %add3A_418 : i32
      %dma_start3A_420 = arith.constant 384 : i32
      %dma_start3A_421 = arith.constant 0 : i32
      %dma_start3A_422 = tpu.memref_slice %arg12[%dma_start3A_420, %dma_start3A_421] : memref<512x8xf32, #tpu.memory_space<vmem>> -> memref<128x8xf32, #tpu.memory_space<vmem>>
      %dma_start3A_423 = arith.constant 0 : i32
      %dma_start3A_424 = tpu.memref_slice %arg8[%add3A_419, %dma_start3A_423] : memref<80x128xi32, #tpu.memory_space<vmem>> -> memref<1x128xi32, #tpu.memory_space<vmem>>
      %dma_start3A_425 = tpu.memref_squeeze %dma_start3A_424 : memref<1x128xi32, #tpu.memory_space<vmem>> -> memref<128xi32, #tpu.memory_space<vmem>>
      %dma_start3A_426 = arith.constant 0 : i32
      %dma_start3A_427 = arith.constant 0 : i32
      %dma_start3A_428 = tpu.memref_slice %arg14[%dma_start3A_426, %dma_start3A_427] : memref<10240x8xf32, #tpu.memory_space<vmem_shared>> -> memref<10240x8xf32, #tpu.memory_space<vmem_shared>>
      tpu.enqueue_indirect_dma source(%dma_start3A_422 : memref<128x8xf32, #tpu.memory_space<vmem>>) target(%dma_start3A_428 : memref<10240x8xf32, #tpu.memory_space<vmem_shared>>) offsets(%dma_start3A_425 : memref<128xi32, #tpu.memory_space<vmem>>) semaphore(%arg22 : memref<!tpu.dma_semaphore, #tpu.memory_space<semaphore_mem>>) {add = true}
    }
    %scan3A_53 = arith.constant 5 : i32
    %dma_wait3A_54 = arith.constant 0 : i32
    %dma_wait3A_55 = arith.constant 0 : i32
    %dma_wait3A_56 = tpu.memref_slice %arg2[%dma_wait3A_54, %dma_wait3A_55] : memref<10000x8xf32, #tpu.memory_space<hbm>> -> memref<512x8xf32, #tpu.memory_space<hbm>>
    %dma_wait3A_57 = arith.constant 0 : i32
    %dma_wait3A_58 = arith.constant 0 : i32
    %dma_wait3A_59 = tpu.memref_slice %arg2[%dma_wait3A_57, %dma_wait3A_58] : memref<10000x8xf32, #tpu.memory_space<hbm>> -> memref<512x8xf32, #tpu.memory_space<hbm>>
    tpu.wait_dma2 semaphore(%arg19 : memref<!tpu.dma_semaphore, #tpu.memory_space<semaphore_mem>>) src(%dma_wait3A_59 : memref<512x8xf32, #tpu.memory_space<hbm>>) dst(%arg9 : memref<512x8xf32, #tpu.memory_space<vmem>>)
    %dma_wait3A_60 = arith.constant 0 : i32
    %dma_wait3A_61 = arith.constant 0 : i32
    %dma_wait3A_62 = tpu.memref_slice %arg2[%dma_wait3A_60, %dma_wait3A_61] : memref<10000x8xf32, #tpu.memory_space<hbm>> -> memref<512x8xf32, #tpu.memory_space<hbm>>
    %dma_wait3A_63 = arith.constant 0 : i32
    %dma_wait3A_64 = arith.constant 0 : i32
    %dma_wait3A_65 = tpu.memref_slice %arg2[%dma_wait3A_63, %dma_wait3A_64] : memref<10000x8xf32, #tpu.memory_space<hbm>> -> memref<512x8xf32, #tpu.memory_space<hbm>>
    tpu.wait_dma2 semaphore(%arg20 : memref<!tpu.dma_semaphore, #tpu.memory_space<semaphore_mem>>) src(%dma_wait3A_65 : memref<512x8xf32, #tpu.memory_space<hbm>>) dst(%arg10 : memref<512x8xf32, #tpu.memory_space<vmem>>)
    %dma_wait3A_66 = arith.constant 0 : i32
    %dma_wait3A_67 = arith.constant 0 : i32
    %dma_wait3A_68 = tpu.memref_slice %arg2[%dma_wait3A_66, %dma_wait3A_67] : memref<10000x8xf32, #tpu.memory_space<hbm>> -> memref<512x8xf32, #tpu.memory_space<hbm>>
    %dma_wait3A_69 = arith.constant 0 : i32
    %dma_wait3A_70 = arith.constant 0 : i32
    %dma_wait3A_71 = tpu.memref_slice %arg2[%dma_wait3A_69, %dma_wait3A_70] : memref<10000x8xf32, #tpu.memory_space<hbm>> -> memref<512x8xf32, #tpu.memory_space<hbm>>
    tpu.wait_dma2 semaphore(%arg21 : memref<!tpu.dma_semaphore, #tpu.memory_space<semaphore_mem>>) src(%dma_wait3A_71 : memref<512x8xf32, #tpu.memory_space<hbm>>) dst(%arg11 : memref<512x8xf32, #tpu.memory_space<vmem>>)
    %dma_wait3A_72 = arith.constant 0 : i32
    %dma_wait3A_73 = arith.constant 0 : i32
    %dma_wait3A_74 = tpu.memref_slice %arg2[%dma_wait3A_72, %dma_wait3A_73] : memref<10000x8xf32, #tpu.memory_space<hbm>> -> memref<512x8xf32, #tpu.memory_space<hbm>>
    %dma_wait3A_75 = arith.constant 0 : i32
    %dma_wait3A_76 = arith.constant 0 : i32
    %dma_wait3A_77 = tpu.memref_slice %arg2[%dma_wait3A_75, %dma_wait3A_76] : memref<10000x8xf32, #tpu.memory_space<hbm>> -> memref<512x8xf32, #tpu.memory_space<hbm>>
    tpu.wait_dma2 semaphore(%arg22 : memref<!tpu.dma_semaphore, #tpu.memory_space<semaphore_mem>>) src(%dma_wait3A_77 : memref<512x8xf32, #tpu.memory_space<hbm>>) dst(%arg12 : memref<512x8xf32, #tpu.memory_space<vmem>>)
    %barrier3A_78 = arith.constant 0 : index
    tpu.barrier barrier_id(%barrier3A_78)
    %mul3A_79 = arith.constant 640 : i32
    %mul3A_80 = arith.muli %arg1, %mul3A_79 : i32
    "tpu.region"() ({
      %run_scoped3A = tpu.sem_alloc : memref<!tpu.dma_semaphore, #tpu.memory_space<semaphore_mem>>
      %dma_start3A_83 = arith.constant 0 : i32
      %dma_start3A_84 = tpu.memref_slice %arg14[%mul3A_80, %dma_start3A_83] : memref<10240x8xf32, #tpu.memory_space<vmem_shared>> -> memref<640x8xf32, #tpu.memory_space<vmem_shared>>
      %dma_start3A_85 = arith.constant 0 : i32
      %dma_start3A_86 = tpu.memref_slice %arg14[%mul3A_80, %dma_start3A_85] : memref<10240x8xf32, #tpu.memory_space<vmem_shared>> -> memref<640x8xf32, #tpu.memory_space<vmem_shared>>
      tpu.enqueue_dma source(%dma_start3A_86 : memref<640x8xf32, #tpu.memory_space<vmem_shared>>) target(%arg13 : memref<640x8xf32, #tpu.memory_space<vmem>>) target_semaphore(%run_scoped3A : memref<!tpu.dma_semaphore, #tpu.memory_space<semaphore_mem>>)
      %dma_wait3A_87 = arith.constant 0 : i32
      %dma_wait3A_88 = tpu.memref_slice %arg14[%mul3A_80, %dma_wait3A_87] : memref<10240x8xf32, #tpu.memory_space<vmem_shared>> -> memref<640x8xf32, #tpu.memory_space<vmem_shared>>
      %dma_wait3A_89 = arith.constant 0 : i32
      %dma_wait3A_90 = tpu.memref_slice %arg14[%mul3A_80, %dma_wait3A_89] : memref<10240x8xf32, #tpu.memory_space<vmem_shared>> -> memref<640x8xf32, #tpu.memory_space<vmem_shared>>
      tpu.wait_dma2 semaphore(%run_scoped3A : memref<!tpu.dma_semaphore, #tpu.memory_space<semaphore_mem>>) src(%dma_wait3A_90 : memref<640x8xf32, #tpu.memory_space<vmem_shared>>) dst(%arg13 : memref<640x8xf32, #tpu.memory_space<vmem>>)
      tpu.yield
    }) : () -> ()
    %mul3A_81 = arith.constant 640 : i32
    %mul3A_82 = arith.muli %arg1, %mul3A_81 : i32
    "tpu.region"() ({
      %run_scoped3A = tpu.sem_alloc : memref<!tpu.dma_semaphore, #tpu.memory_space<semaphore_mem>>
      %dma_start3A_83 = arith.constant 0 : i32
      %dma_start3A_84 = tpu.memref_slice %arg6[%arg0, %mul3A_82, %dma_start3A_83] : memref<2x10240x8xf32, #tpu.memory_space<hbm>> -> memref<1x640x8xf32, #tpu.memory_space<hbm>>
      %dma_start3A_85 = tpu.memref_squeeze %dma_start3A_84 : memref<1x640x8xf32, #tpu.memory_space<hbm>> -> memref<640x8xf32, #tpu.memory_space<hbm>>
      %dma_start3A_86 = arith.constant 0 : i32
      %dma_start3A_87 = tpu.memref_slice %arg6[%arg0, %mul3A_82, %dma_start3A_86] : memref<2x10240x8xf32, #tpu.memory_space<hbm>> -> memref<1x640x8xf32, #tpu.memory_space<hbm>>
      %dma_start3A_88 = tpu.memref_squeeze %dma_start3A_87 : memref<1x640x8xf32, #tpu.memory_space<hbm>> -> memref<640x8xf32, #tpu.memory_space<hbm>>
      tpu.enqueue_dma source(%arg13 : memref<640x8xf32, #tpu.memory_space<vmem>>) target(%dma_start3A_88 : memref<640x8xf32, #tpu.memory_space<hbm>>) target_semaphore(%run_scoped3A : memref<!tpu.dma_semaphore, #tpu.memory_space<semaphore_mem>>)
      %dma_wait3A_89 = arith.constant 0 : i32
      %dma_wait3A_90 = tpu.memref_slice %arg6[%arg0, %mul3A_82, %dma_wait3A_89] : memref<2x10240x8xf32, #tpu.memory_space<hbm>> -> memref<1x640x8xf32, #tpu.memory_space<hbm>>
      %dma_wait3A_91 = tpu.memref_squeeze %dma_wait3A_90 : memref<1x640x8xf32, #tpu.memory_space<hbm>> -> memref<640x8xf32, #tpu.memory_space<hbm>>
      %dma_wait3A_92 = arith.constant 0 : i32
      %dma_wait3A_93 = tpu.memref_slice %arg6[%arg0, %mul3A_82, %dma_wait3A_92] : memref<2x10240x8xf32, #tpu.memory_space<hbm>> -> memref<1x640x8xf32, #tpu.memory_space<hbm>>
      %dma_wait3A_94 = tpu.memref_squeeze %dma_wait3A_93 : memref<1x640x8xf32, #tpu.memory_space<hbm>> -> memref<640x8xf32, #tpu.memory_space<hbm>>
      tpu.wait_dma2 semaphore(%run_scoped3A : memref<!tpu.dma_semaphore, #tpu.memory_space<semaphore_mem>>) src(%arg13 : memref<640x8xf32, #tpu.memory_space<vmem>>) dst(%dma_wait3A_94 : memref<640x8xf32, #tpu.memory_space<hbm>>)
      tpu.yield
    }) : () -> ()
    return
  }
}

#map = affine_map<(d0, d1) -> (0, 0, 0)>
#map1 = affine_map<(d0, d1) -> (0)>
module attributes {stable_mosaic.version = 14 : i64} {
  func.func @k(%arg0: i32, %arg1: i32, %arg2: memref<32x80x128xi32, #tpu.memory_space<hbm>>, %arg3: memref<10240xf32, #tpu.memory_space<hbm>>, %arg4: memref<20480xf32, #tpu.memory_space<hbm>>, %arg5: memref<80x128xi32, #tpu.memory_space<vmem>>, %arg6: memref<128xf32, #tpu.memory_space<vmem>>, %arg7: memref<640xf32, #tpu.memory_space<vmem>>, %arg8: memref<10240xf32, #tpu.memory_space<vmem_shared>>, %arg9: memref<!tpu.dma_semaphore, #tpu.memory_space<semaphore_mem>>, %arg10: memref<!tpu.dma_semaphore, #tpu.memory_space<semaphore_mem>>) attributes {dimension_semantics = [#tpu.dimension_semantics<core_parallel>, #tpu.dimension_semantics<subcore_parallel>], iteration_bounds = array<i64: 2, 16>, scalar_prefetch = 0 : i64, scratch_operands = 6 : i64, tpu.core_type = #tpu.core_type<sc_vector_subcore>, window_params = [{transform_indices = #map}, {transform_indices = #map1}, {transform_indices = #map1}]} {
    %mul3A = arith.constant 16 : i32
    %mul3A_0 = arith.muli %arg0, %mul3A : i32
    %add3A = arith.addi %mul3A_0, %arg1 : i32
    %broadcast_in_dim3A = arith.constant 1.000000e+00 : f32
    %broadcast_in_dim3A_1 = vector.broadcast %broadcast_in_dim3A : f32 to vector<16xf32>
    %swap3A = arith.constant 0 : index
    %swap3A_2 = tpu.vector_load %arg6[%swap3A] {strides = array<i32>} : memref<128xf32, #tpu.memory_space<vmem>>, vector<16xf32>,
    %swap3A_3 = vector.shape_cast %swap3A_2 : vector<16xf32> to vector<16xf32>
    %swap3A_4 = vector.shape_cast %broadcast_in_dim3A_1 : vector<16xf32> to vector<16xf32>
    tpu.vector_store %arg6[%swap3A], %swap3A_4 {strides = array<i32>} : memref<128xf32, #tpu.memory_space<vmem>>, vector<16xf32>,
    %broadcast_in_dim3A_5 = arith.constant 1.000000e+00 : f32
    %broadcast_in_dim3A_6 = vector.broadcast %broadcast_in_dim3A_5 : f32 to vector<16xf32>
    %swap3A_7 = arith.constant 16 : index
    %swap3A_8 = tpu.vector_load %arg6[%swap3A_7] {strides = array<i32>} : memref<128xf32, #tpu.memory_space<vmem>>, vector<16xf32>,
    %swap3A_9 = vector.shape_cast %swap3A_8 : vector<16xf32> to vector<16xf32>
    %swap3A_10 = vector.shape_cast %broadcast_in_dim3A_6 : vector<16xf32> to vector<16xf32>
    tpu.vector_store %arg6[%swap3A_7], %swap3A_10 {strides = array<i32>} : memref<128xf32, #tpu.memory_space<vmem>>, vector<16xf32>,
    %broadcast_in_dim3A_11 = arith.constant 1.000000e+00 : f32
    %broadcast_in_dim3A_12 = vector.broadcast %broadcast_in_dim3A_11 : f32 to vector<16xf32>
    %swap3A_13 = arith.constant 32 : index
    %swap3A_14 = tpu.vector_load %arg6[%swap3A_13] {strides = array<i32>} : memref<128xf32, #tpu.memory_space<vmem>>, vector<16xf32>,
    %swap3A_15 = vector.shape_cast %swap3A_14 : vector<16xf32> to vector<16xf32>
    %swap3A_16 = vector.shape_cast %broadcast_in_dim3A_12 : vector<16xf32> to vector<16xf32>
    tpu.vector_store %arg6[%swap3A_13], %swap3A_16 {strides = array<i32>} : memref<128xf32, #tpu.memory_space<vmem>>, vector<16xf32>,
    %broadcast_in_dim3A_17 = arith.constant 1.000000e+00 : f32
    %broadcast_in_dim3A_18 = vector.broadcast %broadcast_in_dim3A_17 : f32 to vector<16xf32>
    %swap3A_19 = arith.constant 48 : index
    %swap3A_20 = tpu.vector_load %arg6[%swap3A_19] {strides = array<i32>} : memref<128xf32, #tpu.memory_space<vmem>>, vector<16xf32>,
    %swap3A_21 = vector.shape_cast %swap3A_20 : vector<16xf32> to vector<16xf32>
    %swap3A_22 = vector.shape_cast %broadcast_in_dim3A_18 : vector<16xf32> to vector<16xf32>
    tpu.vector_store %arg6[%swap3A_19], %swap3A_22 {strides = array<i32>} : memref<128xf32, #tpu.memory_space<vmem>>, vector<16xf32>,
    %broadcast_in_dim3A_23 = arith.constant 1.000000e+00 : f32
    %broadcast_in_dim3A_24 = vector.broadcast %broadcast_in_dim3A_23 : f32 to vector<16xf32>
    %swap3A_25 = arith.constant 64 : index
    %swap3A_26 = tpu.vector_load %arg6[%swap3A_25] {strides = array<i32>} : memref<128xf32, #tpu.memory_space<vmem>>, vector<16xf32>,
    %swap3A_27 = vector.shape_cast %swap3A_26 : vector<16xf32> to vector<16xf32>
    %swap3A_28 = vector.shape_cast %broadcast_in_dim3A_24 : vector<16xf32> to vector<16xf32>
    tpu.vector_store %arg6[%swap3A_25], %swap3A_28 {strides = array<i32>} : memref<128xf32, #tpu.memory_space<vmem>>, vector<16xf32>,
    %broadcast_in_dim3A_29 = arith.constant 1.000000e+00 : f32
    %broadcast_in_dim3A_30 = vector.broadcast %broadcast_in_dim3A_29 : f32 to vector<16xf32>
    %swap3A_31 = arith.constant 80 : index
    %swap3A_32 = tpu.vector_load %arg6[%swap3A_31] {strides = array<i32>} : memref<128xf32, #tpu.memory_space<vmem>>, vector<16xf32>,
    %swap3A_33 = vector.shape_cast %swap3A_32 : vector<16xf32> to vector<16xf32>
    %swap3A_34 = vector.shape_cast %broadcast_in_dim3A_30 : vector<16xf32> to vector<16xf32>
    tpu.vector_store %arg6[%swap3A_31], %swap3A_34 {strides = array<i32>} : memref<128xf32, #tpu.memory_space<vmem>>, vector<16xf32>,
    %broadcast_in_dim3A_35 = arith.constant 1.000000e+00 : f32
    %broadcast_in_dim3A_36 = vector.broadcast %broadcast_in_dim3A_35 : f32 to vector<16xf32>
    %swap3A_37 = arith.constant 96 : index
    %swap3A_38 = tpu.vector_load %arg6[%swap3A_37] {strides = array<i32>} : memref<128xf32, #tpu.memory_space<vmem>>, vector<16xf32>,
    %swap3A_39 = vector.shape_cast %swap3A_38 : vector<16xf32> to vector<16xf32>
    %swap3A_40 = vector.shape_cast %broadcast_in_dim3A_36 : vector<16xf32> to vector<16xf32>
    tpu.vector_store %arg6[%swap3A_37], %swap3A_40 {strides = array<i32>} : memref<128xf32, #tpu.memory_space<vmem>>, vector<16xf32>,
    %broadcast_in_dim3A_41 = arith.constant 1.000000e+00 : f32
    %broadcast_in_dim3A_42 = vector.broadcast %broadcast_in_dim3A_41 : f32 to vector<16xf32>
    %swap3A_43 = arith.constant 112 : index
    %swap3A_44 = tpu.vector_load %arg6[%swap3A_43] {strides = array<i32>} : memref<128xf32, #tpu.memory_space<vmem>>, vector<16xf32>,
    %swap3A_45 = vector.shape_cast %swap3A_44 : vector<16xf32> to vector<16xf32>
    %swap3A_46 = vector.shape_cast %broadcast_in_dim3A_42 : vector<16xf32> to vector<16xf32>
    tpu.vector_store %arg6[%swap3A_43], %swap3A_46 {strides = array<i32>} : memref<128xf32, #tpu.memory_space<vmem>>, vector<16xf32>,
    %dma_start3A = arith.constant 0 : i32
    %dma_start3A_47 = arith.constant 0 : i32
    %dma_start3A_48 = tpu.memref_slice %arg2[%add3A, %dma_start3A, %dma_start3A_47] : memref<32x80x128xi32, #tpu.memory_space<hbm>> -> memref<1x80x128xi32, #tpu.memory_space<hbm>>
    %dma_start3A_49 = tpu.memref_squeeze %dma_start3A_48 : memref<1x80x128xi32, #tpu.memory_space<hbm>> -> memref<80x128xi32, #tpu.memory_space<hbm>>
    %dma_start3A_50 = arith.constant 0 : i32
    %dma_start3A_51 = arith.constant 0 : i32
    %dma_start3A_52 = tpu.memref_slice %arg2[%add3A, %dma_start3A_50, %dma_start3A_51] : memref<32x80x128xi32, #tpu.memory_space<hbm>> -> memref<1x80x128xi32, #tpu.memory_space<hbm>>
    %dma_start3A_53 = tpu.memref_squeeze %dma_start3A_52 : memref<1x80x128xi32, #tpu.memory_space<hbm>> -> memref<80x128xi32, #tpu.memory_space<hbm>>
    tpu.enqueue_dma source(%dma_start3A_53 : memref<80x128xi32, #tpu.memory_space<hbm>>) target(%arg5 : memref<80x128xi32, #tpu.memory_space<vmem>>) target_semaphore(%arg10 : memref<!tpu.dma_semaphore, #tpu.memory_space<semaphore_mem>>)
    %dma_start3A_54 = arith.constant 0 : i32
    %dma_start3A_55 = tpu.memref_slice %arg3[%dma_start3A_54] : memref<10240xf32, #tpu.memory_space<hbm>> -> memref<640xf32, #tpu.memory_space<hbm>>
    %dma_start3A_56 = arith.constant 0 : i32
    %dma_start3A_57 = tpu.memref_slice %arg3[%dma_start3A_56] : memref<10240xf32, #tpu.memory_space<hbm>> -> memref<640xf32, #tpu.memory_space<hbm>>
    tpu.enqueue_dma source(%dma_start3A_57 : memref<640xf32, #tpu.memory_space<hbm>>) target(%arg7 : memref<640xf32, #tpu.memory_space<vmem>>) target_semaphore(%arg9 : memref<!tpu.dma_semaphore, #tpu.memory_space<semaphore_mem>>)
    %dma_wait3A = arith.constant 0 : i32
    %dma_wait3A_58 = tpu.memref_slice %arg3[%dma_wait3A] : memref<10240xf32, #tpu.memory_space<hbm>> -> memref<640xf32, #tpu.memory_space<hbm>>
    %dma_wait3A_59 = arith.constant 0 : i32
    %dma_wait3A_60 = tpu.memref_slice %arg3[%dma_wait3A_59] : memref<10240xf32, #tpu.memory_space<hbm>> -> memref<640xf32, #tpu.memory_space<hbm>>
    tpu.wait_dma2 semaphore(%arg9 : memref<!tpu.dma_semaphore, #tpu.memory_space<semaphore_mem>>) src(%dma_wait3A_60 : memref<640xf32, #tpu.memory_space<hbm>>) dst(%arg7 : memref<640xf32, #tpu.memory_space<vmem>>)
    %mul3A_61 = arith.constant 640 : i32
    %mul3A_62 = arith.muli %arg1, %mul3A_61 : i32
    %dma_start3A_63 = tpu.memref_slice %arg8[%mul3A_62] : memref<10240xf32, #tpu.memory_space<vmem_shared>> -> memref<640xf32, #tpu.memory_space<vmem_shared>>
    %dma_start3A_64 = tpu.memref_slice %arg8[%mul3A_62] : memref<10240xf32, #tpu.memory_space<vmem_shared>> -> memref<640xf32, #tpu.memory_space<vmem_shared>>
    tpu.enqueue_dma source(%arg7 : memref<640xf32, #tpu.memory_space<vmem>>) target(%dma_start3A_64 : memref<640xf32, #tpu.memory_space<vmem_shared>>) target_semaphore(%arg9 : memref<!tpu.dma_semaphore, #tpu.memory_space<semaphore_mem>>)
    %dma_wait3A_65 = arith.constant 0 : i32
    %dma_wait3A_66 = arith.constant 0 : i32
    %dma_wait3A_67 = tpu.memref_slice %arg2[%add3A, %dma_wait3A_65, %dma_wait3A_66] : memref<32x80x128xi32, #tpu.memory_space<hbm>> -> memref<1x80x128xi32, #tpu.memory_space<hbm>>
    %dma_wait3A_68 = tpu.memref_squeeze %dma_wait3A_67 : memref<1x80x128xi32, #tpu.memory_space<hbm>> -> memref<80x128xi32, #tpu.memory_space<hbm>>
    %dma_wait3A_69 = arith.constant 0 : i32
    %dma_wait3A_70 = arith.constant 0 : i32
    %dma_wait3A_71 = tpu.memref_slice %arg2[%add3A, %dma_wait3A_69, %dma_wait3A_70] : memref<32x80x128xi32, #tpu.memory_space<hbm>> -> memref<1x80x128xi32, #tpu.memory_space<hbm>>
    %dma_wait3A_72 = tpu.memref_squeeze %dma_wait3A_71 : memref<1x80x128xi32, #tpu.memory_space<hbm>> -> memref<80x128xi32, #tpu.memory_space<hbm>>
    tpu.wait_dma2 semaphore(%arg10 : memref<!tpu.dma_semaphore, #tpu.memory_space<semaphore_mem>>) src(%dma_wait3A_72 : memref<80x128xi32, #tpu.memory_space<hbm>>) dst(%arg5 : memref<80x128xi32, #tpu.memory_space<vmem>>)
    %dma_wait3A_73 = tpu.memref_slice %arg8[%mul3A_62] : memref<10240xf32, #tpu.memory_space<vmem_shared>> -> memref<640xf32, #tpu.memory_space<vmem_shared>>
    %dma_wait3A_74 = tpu.memref_slice %arg8[%mul3A_62] : memref<10240xf32, #tpu.memory_space<vmem_shared>> -> memref<640xf32, #tpu.memory_space<vmem_shared>>
    tpu.wait_dma2 semaphore(%arg9 : memref<!tpu.dma_semaphore, #tpu.memory_space<semaphore_mem>>) src(%arg7 : memref<640xf32, #tpu.memory_space<vmem>>) dst(%dma_wait3A_74 : memref<640xf32, #tpu.memory_space<vmem_shared>>)
    %barrier3A = arith.constant 0 : index
    tpu.barrier barrier_id(%barrier3A)
    %scan3A = arith.constant 0 : i32
    %scan3A_75 = arith.constant 0 : i32
    %scan3A_76 = arith.constant 20 : i32
    %scan3A_77 = arith.addi %scan3A_75, %scan3A_76 : i32
    %scan3A_78 = arith.constant 1 : i32
    scf.for %scan3A_94 = %scan3A_75 to %scan3A_77 step %scan3A_78  : i32 {
      %mul3A_95 = arith.constant 4 : i32
      %mul3A_96 = arith.muli %scan3A_94, %mul3A_95 : i32
      %add3A_97 = arith.constant 0 : i32
      %add3A_98 = arith.addi %mul3A_96, %add3A_97 : i32
      %dma_start3A_99 = arith.constant 0 : i32
      %dma_start3A_100 = tpu.memref_slice %arg5[%add3A_98, %dma_start3A_99] : memref<80x128xi32, #tpu.memory_space<vmem>> -> memref<1x128xi32, #tpu.memory_space<vmem>>
      %dma_start3A_101 = tpu.memref_squeeze %dma_start3A_100 : memref<1x128xi32, #tpu.memory_space<vmem>> -> memref<128xi32, #tpu.memory_space<vmem>>
      %dma_start3A_102 = arith.constant 0 : i32
      %dma_start3A_103 = tpu.memref_slice %arg8[%dma_start3A_102] : memref<10240xf32, #tpu.memory_space<vmem_shared>> -> memref<10240xf32, #tpu.memory_space<vmem_shared>>
      tpu.enqueue_indirect_dma source(%arg6 : memref<128xf32, #tpu.memory_space<vmem>>) target(%dma_start3A_103 : memref<10240xf32, #tpu.memory_space<vmem_shared>>) offsets(%dma_start3A_101 : memref<128xi32, #tpu.memory_space<vmem>>) semaphore(%arg9 : memref<!tpu.dma_semaphore, #tpu.memory_space<semaphore_mem>>) {add = true}
      %mul3A_104 = arith.constant 4 : i32
      %mul3A_105 = arith.muli %scan3A_94, %mul3A_104 : i32
      %add3A_106 = arith.constant 1 : i32
      %add3A_107 = arith.addi %mul3A_105, %add3A_106 : i32
      %dma_start3A_108 = arith.constant 0 : i32
      %dma_start3A_109 = tpu.memref_slice %arg5[%add3A_107, %dma_start3A_108] : memref<80x128xi32, #tpu.memory_space<vmem>> -> memref<1x128xi32, #tpu.memory_space<vmem>>
      %dma_start3A_110 = tpu.memref_squeeze %dma_start3A_109 : memref<1x128xi32, #tpu.memory_space<vmem>> -> memref<128xi32, #tpu.memory_space<vmem>>
      %dma_start3A_111 = arith.constant 0 : i32
      %dma_start3A_112 = tpu.memref_slice %arg8[%dma_start3A_111] : memref<10240xf32, #tpu.memory_space<vmem_shared>> -> memref<10240xf32, #tpu.memory_space<vmem_shared>>
      tpu.enqueue_indirect_dma source(%arg6 : memref<128xf32, #tpu.memory_space<vmem>>) target(%dma_start3A_112 : memref<10240xf32, #tpu.memory_space<vmem_shared>>) offsets(%dma_start3A_110 : memref<128xi32, #tpu.memory_space<vmem>>) semaphore(%arg9 : memref<!tpu.dma_semaphore, #tpu.memory_space<semaphore_mem>>) {add = true}
      %mul3A_113 = arith.constant 4 : i32
      %mul3A_114 = arith.muli %scan3A_94, %mul3A_113 : i32
      %add3A_115 = arith.constant 2 : i32
      %add3A_116 = arith.addi %mul3A_114, %add3A_115 : i32
      %dma_start3A_117 = arith.constant 0 : i32
      %dma_start3A_118 = tpu.memref_slice %arg5[%add3A_116, %dma_start3A_117] : memref<80x128xi32, #tpu.memory_space<vmem>> -> memref<1x128xi32, #tpu.memory_space<vmem>>
      %dma_start3A_119 = tpu.memref_squeeze %dma_start3A_118 : memref<1x128xi32, #tpu.memory_space<vmem>> -> memref<128xi32, #tpu.memory_space<vmem>>
      %dma_start3A_120 = arith.constant 0 : i32
      %dma_start3A_121 = tpu.memref_slice %arg8[%dma_start3A_120] : memref<10240xf32, #tpu.memory_space<vmem_shared>> -> memref<10240xf32, #tpu.memory_space<vmem_shared>>
      tpu.enqueue_indirect_dma source(%arg6 : memref<128xf32, #tpu.memory_space<vmem>>) target(%dma_start3A_121 : memref<10240xf32, #tpu.memory_space<vmem_shared>>) offsets(%dma_start3A_119 : memref<128xi32, #tpu.memory_space<vmem>>) semaphore(%arg9 : memref<!tpu.dma_semaphore, #tpu.memory_space<semaphore_mem>>) {add = true}
      %mul3A_122 = arith.constant 4 : i32
      %mul3A_123 = arith.muli %scan3A_94, %mul3A_122 : i32
      %add3A_124 = arith.constant 3 : i32
      %add3A_125 = arith.addi %mul3A_123, %add3A_124 : i32
      %dma_start3A_126 = arith.constant 0 : i32
      %dma_start3A_127 = tpu.memref_slice %arg5[%add3A_125, %dma_start3A_126] : memref<80x128xi32, #tpu.memory_space<vmem>> -> memref<1x128xi32, #tpu.memory_space<vmem>>
      %dma_start3A_128 = tpu.memref_squeeze %dma_start3A_127 : memref<1x128xi32, #tpu.memory_space<vmem>> -> memref<128xi32, #tpu.memory_space<vmem>>
      %dma_start3A_129 = arith.constant 0 : i32
      %dma_start3A_130 = tpu.memref_slice %arg8[%dma_start3A_129] : memref<10240xf32, #tpu.memory_space<vmem_shared>> -> memref<10240xf32, #tpu.memory_space<vmem_shared>>
      tpu.enqueue_indirect_dma source(%arg6 : memref<128xf32, #tpu.memory_space<vmem>>) target(%dma_start3A_130 : memref<10240xf32, #tpu.memory_space<vmem_shared>>) offsets(%dma_start3A_128 : memref<128xi32, #tpu.memory_space<vmem>>) semaphore(%arg9 : memref<!tpu.dma_semaphore, #tpu.memory_space<semaphore_mem>>) {add = true}
    }
    %scan3A_79 = arith.constant 20 : i32
    %scan3A_80 = arith.constant 0 : i32
    %scan3A_81 = arith.constant 0 : i32
    %scan3A_82 = arith.constant 80 : i32
    %scan3A_83 = arith.addi %scan3A_81, %scan3A_82 : i32
    %scan3A_84 = arith.constant 1 : i32
    scf.for %scan3A_94 = %scan3A_81 to %scan3A_83 step %scan3A_84  : i32 {
      %dma_wait3A_95 = arith.constant 0 : i32
      %dma_wait3A_96 = tpu.memref_slice %arg3[%dma_wait3A_95] : memref<10240xf32, #tpu.memory_space<hbm>> -> memref<128xf32, #tpu.memory_space<hbm>>
      %dma_wait3A_97 = arith.constant 0 : i32
      %dma_wait3A_98 = tpu.memref_slice %arg3[%dma_wait3A_97] : memref<10240xf32, #tpu.memory_space<hbm>> -> memref<128xf32, #tpu.memory_space<hbm>>
      tpu.wait_dma2 semaphore(%arg9 : memref<!tpu.dma_semaphore, #tpu.memory_space<semaphore_mem>>) src(%dma_wait3A_98 : memref<128xf32, #tpu.memory_space<hbm>>) dst(%arg6 : memref<128xf32, #tpu.memory_space<vmem>>)
    }
    %scan3A_85 = arith.constant 80 : i32
    %barrier3A_86 = arith.constant 0 : index
    tpu.barrier barrier_id(%barrier3A_86)
    %mul3A_87 = arith.constant 640 : i32
    %mul3A_88 = arith.muli %arg1, %mul3A_87 : i32
    "tpu.region"() ({
      %run_scoped3A = tpu.sem_alloc : memref<!tpu.dma_semaphore, #tpu.memory_space<semaphore_mem>>
      %dma_start3A_94 = tpu.memref_slice %arg8[%mul3A_88] : memref<10240xf32, #tpu.memory_space<vmem_shared>> -> memref<640xf32, #tpu.memory_space<vmem_shared>>
      %dma_start3A_95 = tpu.memref_slice %arg8[%mul3A_88] : memref<10240xf32, #tpu.memory_space<vmem_shared>> -> memref<640xf32, #tpu.memory_space<vmem_shared>>
      tpu.enqueue_dma source(%dma_start3A_95 : memref<640xf32, #tpu.memory_space<vmem_shared>>) target(%arg7 : memref<640xf32, #tpu.memory_space<vmem>>) target_semaphore(%run_scoped3A : memref<!tpu.dma_semaphore, #tpu.memory_space<semaphore_mem>>)
      %dma_wait3A_96 = tpu.memref_slice %arg8[%mul3A_88] : memref<10240xf32, #tpu.memory_space<vmem_shared>> -> memref<640xf32, #tpu.memory_space<vmem_shared>>
      %dma_wait3A_97 = tpu.memref_slice %arg8[%mul3A_88] : memref<10240xf32, #tpu.memory_space<vmem_shared>> -> memref<640xf32, #tpu.memory_space<vmem_shared>>
      tpu.wait_dma2 semaphore(%run_scoped3A : memref<!tpu.dma_semaphore, #tpu.memory_space<semaphore_mem>>) src(%dma_wait3A_97 : memref<640xf32, #tpu.memory_space<vmem_shared>>) dst(%arg7 : memref<640xf32, #tpu.memory_space<vmem>>)
      tpu.yield
    }) : () -> ()
    %mul3A_89 = arith.constant 10240 : i32
    %mul3A_90 = arith.muli %arg0, %mul3A_89 : i32
    %mul3A_91 = arith.constant 640 : i32
    %mul3A_92 = arith.muli %arg1, %mul3A_91 : i32
    %add3A_93 = arith.addi %mul3A_90, %mul3A_92 : i32
    "tpu.region"() ({
      %run_scoped3A = tpu.sem_alloc : memref<!tpu.dma_semaphore, #tpu.memory_space<semaphore_mem>>
      %dma_start3A_94 = tpu.memref_slice %arg4[%add3A_93] : memref<20480xf32, #tpu.memory_space<hbm>> -> memref<640xf32, #tpu.memory_space<hbm>>
      %dma_start3A_95 = tpu.memref_slice %arg4[%add3A_93] : memref<20480xf32, #tpu.memory_space<hbm>> -> memref<640xf32, #tpu.memory_space<hbm>>
      tpu.enqueue_dma source(%arg7 : memref<640xf32, #tpu.memory_space<vmem>>) target(%dma_start3A_95 : memref<640xf32, #tpu.memory_space<hbm>>) target_semaphore(%run_scoped3A : memref<!tpu.dma_semaphore, #tpu.memory_space<semaphore_mem>>)
      %dma_wait3A_96 = tpu.memref_slice %arg4[%add3A_93] : memref<20480xf32, #tpu.memory_space<hbm>> -> memref<640xf32, #tpu.memory_space<hbm>>
      %dma_wait3A_97 = tpu.memref_slice %arg4[%add3A_93] : memref<20480xf32, #tpu.memory_space<hbm>> -> memref<640xf32, #tpu.memory_space<hbm>>
      tpu.wait_dma2 semaphore(%run_scoped3A : memref<!tpu.dma_semaphore, #tpu.memory_space<semaphore_mem>>) src(%arg7 : memref<640xf32, #tpu.memory_space<vmem>>) dst(%dma_wait3A_97 : memref<640xf32, #tpu.memory_space<hbm>>)
      tpu.yield
    }) : () -> ()
    return
  }
}

module attributes {stable_mosaic.version = 14 : i64} {
  func.func @body(%arg0: i32, %arg1: memref<2000x128xf32, #tpu.memory_space<vmem>>, %arg2: memref<128x16xf32, #tpu.memory_space<vmem>>, %arg3: memref<2000x2xf32, #tpu.memory_space<vmem>>, %arg4: memref<2000x16xf32, #tpu.memory_space<vmem>>) attributes {dimension_semantics = [#tpu.dimension_semantics<arbitrary>], iteration_bounds = array<i64: 5>, scalar_prefetch = 0 : i64, scratch_operands = 0 : i64, tpu.core_type = #tpu.core_type<tc>, window_params = [{transform_indices = @transform_0, window_bounds = array<i64: 2000, 128>}, {pipeline_mode = #tpu.pipeline_mode<synchronous>, transform_indices = @transform_1, window_bounds = array<i64: 128, 16>}, {transform_indices = @transform_2, window_bounds = array<i64: 2000, 2>}, {transform_indices = @transform_3, window_bounds = array<i64: 2000, 16>}]} {
    %get3A = arith.constant 0 : index
    %get3A_0 = arith.constant 0 : index
    %get3A_1 = vector.load %arg3[%get3A, %get3A_0] : memref<2000x2xf32, #tpu.memory_space<vmem>>, vector<2000x2xf32>
    %slice3A = vector.extract_strided_slice %get3A_1 {offsets = [0, 0], sizes = [2000, 1], strides = [1, 1]} : vector<2000x2xf32> to vector<2000x1xf32>
    %squeeze3A = vector.shape_cast %slice3A : vector<2000x1xf32> to vector<2000xf32>
    %add3A = arith.constant 1.000000e+00 : f32
    %add3A_2 = vector.broadcast %add3A : f32 to vector<2000xf32>
    %add3A_3 = arith.addf %add3A_2, %squeeze3A : vector<2000xf32>
    %slice3A_4 = vector.extract_strided_slice %get3A_1 {offsets = [0, 1], sizes = [2000, 1], strides = [1, 1]} : vector<2000x2xf32> to vector<2000x1xf32>
    %squeeze3A_5 = vector.shape_cast %slice3A_4 : vector<2000x1xf32> to vector<2000xf32>
    %add3A_6 = arith.addf %add3A_3, %squeeze3A_5 : vector<2000xf32>
    %rsqrt3A = math.rsqrt %add3A_6 : vector<2000xf32>
    %broadcast_in_dim3A = vector.shape_cast %rsqrt3A : vector<2000xf32> to vector<2000x1xf32>
    %get3A_7 = arith.constant 0 : index
    %get3A_8 = arith.constant 0 : index
    %get3A_9 = vector.load %arg1[%get3A_7, %get3A_8] : memref<2000x128xf32, #tpu.memory_space<vmem>>, vector<2000x128xf32>
    %get3A_10 = arith.constant 0 : index
    %get3A_11 = arith.constant 0 : index
    %get3A_12 = vector.load %arg2[%get3A_10, %get3A_11] : memref<128x16xf32, #tpu.memory_space<vmem>>, vector<128x16xf32>
    %dot_general3A = arith.constant dense<0.000000e+00> : vector<2000x16xf32>
    %dot_general3A_13 = tpu.matmul %get3A_9, %get3A_12, %dot_general3A {dimension_numbers = #tpu.dot_dimension_numbers<[1], [0], [0], [1], [0, 0, 1, 1], [], []>, transpose_lhs_hint = false} : vector<2000x128xf32>, vector<128x16xf32>, vector<2000x16xf32> -> vector<2000x16xf32>
    %mul3A = vector.broadcast %broadcast_in_dim3A : vector<2000x1xf32> to vector<2000x16xf32>
    %mul3A_14 = arith.mulf %dot_general3A_13, %mul3A : vector<2000x16xf32>
    %swap3A = arith.constant 0 : index
    %swap3A_15 = arith.constant 0 : index
    %swap3A_16 = vector.load %arg4[%swap3A, %swap3A_15] : memref<2000x16xf32, #tpu.memory_space<vmem>>, vector<2000x16xf32>
    tpu.vector_store %arg4[%swap3A, %swap3A_15], %mul3A_14 {strides = array<i32>} : memref<2000x16xf32, #tpu.memory_space<vmem>>, vector<2000x16xf32>,
    return
  }
  func.func @transform_0(%arg0: i32) -> (i32, i32) {
    %c0_i32 = arith.constant 0 : i32
    %c0_i32_0 = arith.constant 0 : i32
    return %arg0, %c0_i32 : i32, i32
  }
  func.func @transform_1(%arg0: i32) -> (i32, i32) {
    %c0_i32 = arith.constant 0 : i32
    %c0_i32_0 = arith.constant 0 : i32
    %c0_i32_1 = arith.constant 0 : i32
    return %c0_i32, %c0_i32_0 : i32, i32
  }
  func.func @transform_2(%arg0: i32) -> (i32, i32) {
    %c0_i32 = arith.constant 0 : i32
    %c0_i32_0 = arith.constant 0 : i32
    return %arg0, %c0_i32 : i32, i32
  }
  func.func @transform_3(%arg0: i32) -> (i32, i32) {
    %c0_i32 = arith.constant 0 : i32
    %c0_i32_0 = arith.constant 0 : i32
    return %arg0, %c0_i32 : i32, i32
  }
}

module attributes {stable_mosaic.version = 14 : i64} {
  func.func @body(%arg0: i32, %arg1: memref<2x2000x16xf32, #tpu.memory_space<vmem>>, %arg2: memref<2000x16xf32, #tpu.memory_space<vmem>>, %arg3: memref<2000x2xf32, #tpu.memory_space<vmem>>, %arg4: memref<1x16xf32, #tpu.memory_space<vmem>>, %arg5: memref<16x8xf32, #tpu.memory_space<vmem>>, %arg6: memref<2000x8xf32, #tpu.memory_space<vmem>>) attributes {dimension_semantics = [#tpu.dimension_semantics<arbitrary>], iteration_bounds = array<i64: 5>, scalar_prefetch = 0 : i64, scratch_operands = 0 : i64, tpu.core_type = #tpu.core_type<tc>, window_params = [{transform_indices = @transform_0, window_bounds = array<i64: 2, 2000, 16>}, {transform_indices = @transform_1, window_bounds = array<i64: 2000, 16>}, {transform_indices = @transform_2, window_bounds = array<i64: 2000, 2>}, {pipeline_mode = #tpu.pipeline_mode<synchronous>, transform_indices = @transform_3, window_bounds = array<i64: 1, 16>}, {pipeline_mode = #tpu.pipeline_mode<synchronous>, transform_indices = @transform_4, window_bounds = array<i64: 16, 8>}, {transform_indices = @transform_5, window_bounds = array<i64: 2000, 8>}]} {
    %get3A = arith.constant 0 : index
    %get3A_0 = arith.constant 0 : index
    %get3A_1 = vector.load %arg3[%get3A, %get3A_0] : memref<2000x2xf32, #tpu.memory_space<vmem>>, vector<2000x2xf32>
    %slice3A = vector.extract_strided_slice %get3A_1 {offsets = [0, 0], sizes = [2000, 1], strides = [1, 1]} : vector<2000x2xf32> to vector<2000x1xf32>
    %squeeze3A = vector.shape_cast %slice3A : vector<2000x1xf32> to vector<2000xf32>
    %add3A = arith.constant 1.000000e+00 : f32
    %add3A_2 = vector.broadcast %add3A : f32 to vector<2000xf32>
    %add3A_3 = arith.addf %add3A_2, %squeeze3A : vector<2000xf32>
    %slice3A_4 = vector.extract_strided_slice %get3A_1 {offsets = [0, 1], sizes = [2000, 1], strides = [1, 1]} : vector<2000x2xf32> to vector<2000x1xf32>
    %squeeze3A_5 = vector.shape_cast %slice3A_4 : vector<2000x1xf32> to vector<2000xf32>
    %add3A_6 = arith.addf %add3A_3, %squeeze3A_5 : vector<2000xf32>
    %rsqrt3A = math.rsqrt %add3A_6 : vector<2000xf32>
    %broadcast_in_dim3A = vector.shape_cast %rsqrt3A : vector<2000xf32> to vector<2000x1xf32>
    %get3A_7 = arith.constant 0 : index
    %get3A_8 = arith.constant 0 : index
    %get3A_9 = arith.constant 0 : index
    %get3A_10 = vector.load %arg1[%get3A_7, %get3A_8, %get3A_9] : memref<2x2000x16xf32, #tpu.memory_space<vmem>>, vector<1x2000x16xf32>
    %get3A_11 = vector.shape_cast %get3A_10 : vector<1x2000x16xf32> to vector<2000x16xf32>
    %get3A_12 = arith.constant 1 : index
    %get3A_13 = arith.constant 0 : index
    %get3A_14 = arith.constant 0 : index
    %get3A_15 = vector.load %arg1[%get3A_12, %get3A_13, %get3A_14] : memref<2x2000x16xf32, #tpu.memory_space<vmem>>, vector<1x2000x16xf32>
    %get3A_16 = vector.shape_cast %get3A_15 : vector<1x2000x16xf32> to vector<2000x16xf32>
    %add3A_17 = arith.addf %get3A_11, %get3A_16 : vector<2000x16xf32>
    %get3A_18 = arith.constant 0 : index
    %get3A_19 = arith.constant 0 : index
    %get3A_20 = vector.load %arg2[%get3A_18, %get3A_19] : memref<2000x16xf32, #tpu.memory_space<vmem>>, vector<2000x16xf32>
    %add3A_21 = arith.addf %add3A_17, %get3A_20 : vector<2000x16xf32>
    %mul3A = vector.broadcast %broadcast_in_dim3A : vector<2000x1xf32> to vector<2000x16xf32>
    %mul3A_22 = arith.mulf %add3A_21, %mul3A : vector<2000x16xf32>
    %get3A_23 = arith.constant 0 : index
    %get3A_24 = arith.constant 0 : index
    %get3A_25 = vector.load %arg4[%get3A_23, %get3A_24] : memref<1x16xf32, #tpu.memory_space<vmem>>, vector<1x16xf32>
    %add3A_26 = vector.broadcast %get3A_25 : vector<1x16xf32> to vector<2000x16xf32>
    %add3A_27 = arith.addf %mul3A_22, %add3A_26 : vector<2000x16xf32>
    %max3A = arith.constant 0.000000e+00 : f32
    %max3A_28 = vector.broadcast %max3A : f32 to vector<2000x16xf32>
    %max3A_29 = arith.maximumf %add3A_27, %max3A_28 : vector<2000x16xf32>
    %get3A_30 = arith.constant 0 : index
    %get3A_31 = arith.constant 0 : index
    %get3A_32 = vector.load %arg5[%get3A_30, %get3A_31] : memref<16x8xf32, #tpu.memory_space<vmem>>, vector<16x8xf32>
    %dot_general3A = arith.constant dense<0.000000e+00> : vector<2000x8xf32>
    %dot_general3A_33 = tpu.matmul %max3A_29, %get3A_32, %dot_general3A {dimension_numbers = #tpu.dot_dimension_numbers<[1], [0], [0], [1], [0, 0, 1, 1], [], []>, transpose_lhs_hint = false} : vector<2000x16xf32>, vector<16x8xf32>, vector<2000x8xf32> -> vector<2000x8xf32>
    %mul3A_34 = vector.broadcast %broadcast_in_dim3A : vector<2000x1xf32> to vector<2000x8xf32>
    %mul3A_35 = arith.mulf %dot_general3A_33, %mul3A_34 : vector<2000x8xf32>
    %swap3A = arith.constant 0 : index
    %swap3A_36 = arith.constant 0 : index
    %swap3A_37 = vector.load %arg6[%swap3A, %swap3A_36] : memref<2000x8xf32, #tpu.memory_space<vmem>>, vector<2000x8xf32>
    tpu.vector_store %arg6[%swap3A, %swap3A_36], %mul3A_35 {strides = array<i32>} : memref<2000x8xf32, #tpu.memory_space<vmem>>, vector<2000x8xf32>,
    return
  }
  func.func @transform_0(%arg0: i32) -> (i32, i32, i32) {
    %c0_i32 = arith.constant 0 : i32
    %c0_i32_0 = arith.constant 0 : i32
    %c0_i32_1 = arith.constant 0 : i32
    return %c0_i32, %arg0, %c0_i32_0 : i32, i32, i32
  }
  func.func @transform_1(%arg0: i32) -> (i32, i32) {
    %c0_i32 = arith.constant 0 : i32
    %c0_i32_0 = arith.constant 0 : i32
    return %arg0, %c0_i32 : i32, i32
  }
  func.func @transform_2(%arg0: i32) -> (i32, i32) {
    %c0_i32 = arith.constant 0 : i32
    %c0_i32_0 = arith.constant 0 : i32
    return %arg0, %c0_i32 : i32, i32
  }
  func.func @transform_3(%arg0: i32) -> (i32, i32) {
    %c0_i32 = arith.constant 0 : i32
    %c0_i32_0 = arith.constant 0 : i32
    %c0_i32_1 = arith.constant 0 : i32
    return %c0_i32, %c0_i32_0 : i32, i32
  }
  func.func @transform_4(%arg0: i32) -> (i32, i32) {
    %c0_i32 = arith.constant 0 : i32
    %c0_i32_0 = arith.constant 0 : i32
    %c0_i32_1 = arith.constant 0 : i32
    return %c0_i32, %c0_i32_0 : i32, i32
  }
  func.func @transform_5(%arg0: i32) -> (i32, i32) {
    %c0_i32 = arith.constant 0 : i32
    %c0_i32_0 = arith.constant 0 : i32
    return %arg0, %c0_i32 : i32, i32
  }
}

module attributes {stable_mosaic.version = 14 : i64} {
  func.func @body(%arg0: i32, %arg1: memref<2x2000x8xf32, #tpu.memory_space<vmem>>, %arg2: memref<2000x8xf32, #tpu.memory_space<vmem>>, %arg3: memref<2000x2xf32, #tpu.memory_space<vmem>>, %arg4: memref<1x8xf32, #tpu.memory_space<vmem>>, %arg5: memref<2000x8xf32, #tpu.memory_space<vmem>>) attributes {dimension_semantics = [#tpu.dimension_semantics<arbitrary>], iteration_bounds = array<i64: 5>, scalar_prefetch = 0 : i64, scratch_operands = 0 : i64, tpu.core_type = #tpu.core_type<tc>, window_params = [{transform_indices = @transform_0, window_bounds = array<i64: 2, 2000, 8>}, {transform_indices = @transform_1, window_bounds = array<i64: 2000, 8>}, {transform_indices = @transform_2, window_bounds = array<i64: 2000, 2>}, {pipeline_mode = #tpu.pipeline_mode<synchronous>, transform_indices = @transform_3, window_bounds = array<i64: 1, 8>}, {transform_indices = @transform_4, window_bounds = array<i64: 2000, 8>}]} {
    %get3A = arith.constant 0 : index
    %get3A_0 = arith.constant 0 : index
    %get3A_1 = vector.load %arg3[%get3A, %get3A_0] : memref<2000x2xf32, #tpu.memory_space<vmem>>, vector<2000x2xf32>
    %slice3A = vector.extract_strided_slice %get3A_1 {offsets = [0, 0], sizes = [2000, 1], strides = [1, 1]} : vector<2000x2xf32> to vector<2000x1xf32>
    %squeeze3A = vector.shape_cast %slice3A : vector<2000x1xf32> to vector<2000xf32>
    %add3A = arith.constant 1.000000e+00 : f32
    %add3A_2 = vector.broadcast %add3A : f32 to vector<2000xf32>
    %add3A_3 = arith.addf %add3A_2, %squeeze3A : vector<2000xf32>
    %slice3A_4 = vector.extract_strided_slice %get3A_1 {offsets = [0, 1], sizes = [2000, 1], strides = [1, 1]} : vector<2000x2xf32> to vector<2000x1xf32>
    %squeeze3A_5 = vector.shape_cast %slice3A_4 : vector<2000x1xf32> to vector<2000xf32>
    %add3A_6 = arith.addf %add3A_3, %squeeze3A_5 : vector<2000xf32>
    %rsqrt3A = math.rsqrt %add3A_6 : vector<2000xf32>
    %broadcast_in_dim3A = vector.shape_cast %rsqrt3A : vector<2000xf32> to vector<2000x1xf32>
    %get3A_7 = arith.constant 0 : index
    %get3A_8 = arith.constant 0 : index
    %get3A_9 = arith.constant 0 : index
    %get3A_10 = vector.load %arg1[%get3A_7, %get3A_8, %get3A_9] : memref<2x2000x8xf32, #tpu.memory_space<vmem>>, vector<1x2000x8xf32>
    %get3A_11 = vector.shape_cast %get3A_10 : vector<1x2000x8xf32> to vector<2000x8xf32>
    %get3A_12 = arith.constant 1 : index
    %get3A_13 = arith.constant 0 : index
    %get3A_14 = arith.constant 0 : index
    %get3A_15 = vector.load %arg1[%get3A_12, %get3A_13, %get3A_14] : memref<2x2000x8xf32, #tpu.memory_space<vmem>>, vector<1x2000x8xf32>
    %get3A_16 = vector.shape_cast %get3A_15 : vector<1x2000x8xf32> to vector<2000x8xf32>
    %add3A_17 = arith.addf %get3A_11, %get3A_16 : vector<2000x8xf32>
    %get3A_18 = arith.constant 0 : index
    %get3A_19 = arith.constant 0 : index
    %get3A_20 = vector.load %arg2[%get3A_18, %get3A_19] : memref<2000x8xf32, #tpu.memory_space<vmem>>, vector<2000x8xf32>
    %add3A_21 = arith.addf %add3A_17, %get3A_20 : vector<2000x8xf32>
    %mul3A = vector.broadcast %broadcast_in_dim3A : vector<2000x1xf32> to vector<2000x8xf32>
    %mul3A_22 = arith.mulf %add3A_21, %mul3A : vector<2000x8xf32>
    %get3A_23 = arith.constant 0 : index
    %get3A_24 = arith.constant 0 : index
    %get3A_25 = vector.load %arg4[%get3A_23, %get3A_24] : memref<1x8xf32, #tpu.memory_space<vmem>>, vector<1x8xf32>
    %add3A_26 = vector.broadcast %get3A_25 : vector<1x8xf32> to vector<2000x8xf32>
    %add3A_27 = arith.addf %mul3A_22, %add3A_26 : vector<2000x8xf32>
    %iota3A = tpu.iota {dimensions = array<i32: 1>} : vector<2000x8xi32>
    %lt3A = arith.constant 7 : i32
    %lt3A_28 = vector.broadcast %lt3A : i32 to vector<2000x8xi32>
    %lt3A_29 = arith.cmpi slt, %iota3A, %lt3A_28 : vector<2000x8xi32>
    %jit3A = arith.constant -1.000000e+30 : f32
    %broadcast_in_dim3A_30 = vector.broadcast %jit3A : f32 to vector<2000x8xf32>
    %select_n3A = arith.select %lt3A_29, %add3A_27, %broadcast_in_dim3A_30 : vector<2000x8xi1>, vector<2000x8xf32>
    %reduce_max3A = arith.constant dense<0xFF800000> : vector<2000xf32>
    %reduce_max3A_31 = vector.multi_reduction <maximumf>, %select_n3A, %reduce_max3A [1] : vector<2000x8xf32> to vector<2000xf32>
    %broadcast_in_dim3A_32 = vector.shape_cast %reduce_max3A_31 : vector<2000xf32> to vector<2000x1xf32>
    %sub3A = vector.broadcast %broadcast_in_dim3A_32 : vector<2000x1xf32> to vector<2000x8xf32>
    %sub3A_33 = arith.subf %select_n3A, %sub3A : vector<2000x8xf32>
    %exp3A = math.exp %sub3A_33 : vector<2000x8xf32>
    %reduce_sum3A = arith.constant dense<0.000000e+00> : vector<2000xf32>
    %reduce_sum3A_34 = vector.multi_reduction <add>, %exp3A, %reduce_sum3A [1] : vector<2000x8xf32> to vector<2000xf32>
    %broadcast_in_dim3A_35 = vector.shape_cast %reduce_sum3A_34 : vector<2000xf32> to vector<2000x1xf32>
    %sub3A_36 = vector.broadcast %broadcast_in_dim3A_32 : vector<2000x1xf32> to vector<2000x8xf32>
    %sub3A_37 = arith.subf %select_n3A, %sub3A_36 : vector<2000x8xf32>
    %log3A = math.log %broadcast_in_dim3A_35 : vector<2000x1xf32>
    %sub3A_38 = vector.broadcast %log3A : vector<2000x1xf32> to vector<2000x8xf32>
    %sub3A_39 = arith.subf %sub3A_37, %sub3A_38 : vector<2000x8xf32>
    %swap3A = arith.constant 0 : index
    %swap3A_40 = arith.constant 0 : index
    %swap3A_41 = vector.load %arg5[%swap3A, %swap3A_40] : memref<2000x8xf32, #tpu.memory_space<vmem>>, vector<2000x8xf32>
    tpu.vector_store %arg5[%swap3A, %swap3A_40], %sub3A_39 {strides = array<i32>} : memref<2000x8xf32, #tpu.memory_space<vmem>>, vector<2000x8xf32>,
    return
  }
  func.func @transform_0(%arg0: i32) -> (i32, i32, i32) {
    %c0_i32 = arith.constant 0 : i32
    %c0_i32_0 = arith.constant 0 : i32
    %c0_i32_1 = arith.constant 0 : i32
    return %c0_i32, %arg0, %c0_i32_0 : i32, i32, i32
  }
  func.func @transform_1(%arg0: i32) -> (i32, i32) {
    %c0_i32 = arith.constant 0 : i32
    %c0_i32_0 = arith.constant 0 : i32
    return %arg0, %c0_i32 : i32, i32
  }
  func.func @transform_2(%arg0: i32) -> (i32, i32) {
    %c0_i32 = arith.constant 0 : i32
    %c0_i32_0 = arith.constant 0 : i32
    return %arg0, %c0_i32 : i32, i32
  }
  func.func @transform_3(%arg0: i32) -> (i32, i32) {
    %c0_i32 = arith.constant 0 : i32
    %c0_i32_0 = arith.constant 0 : i32
    %c0_i32_1 = arith.constant 0 : i32
    return %c0_i32, %c0_i32_0 : i32, i32
  }
  func.func @transform_4(%arg0: i32) -> (i32, i32) {
    %c0_i32 = arith.constant 0 : i32
    %c0_i32_0 = arith.constant 0 : i32
    return %arg0, %c0_i32 : i32, i32
  }
}

</mosaic_0001>

<sc_bundles>
// kernel: kernel.11.cloned.1.call-start
scs
__scs_entry_jumppad:
0x0: {  	(pc) =	sbr.rel $0x88, $3  }
0x1: {  	(tag) =	ssettag $0x0;
	lr =	simm.s32 $0x1  }
0x2: {  	[smem:$0x3F9B] =	sst lr;
	_ =	strace $0xD0000000  }
0x3: {  	_ = 	snop  }
0x4: {  	_ = 	snop  }
0x5: {  	_ = 	snop  }
0x6: {  	_ = 	snop  }
0x7: {  	_ = 	snop  }
__scs_overlays_trampoline_lowered:
0x8: {  	[smem:$0x3FAA] =	sst s0  }
0x9: {  	[smem:$0x3FAB] =	sst s1  }
0xa: {  	[smem:$0x3FAC] =	sst s2  }
0xb: {  	[smem:$0x3FAD] =	sst s3  }
0xc: {  	[smem:$0x3FAE] =	sst s4  }
0xd: {  	[smem:$0x3FAF] =	sst s5  }
0xe: {  	[smem:$0x3FB0] =	sst s6  }
0xf: {  	[smem:$0x3FB1] =	sst s7  }
0x10: {  	[smem:$0x3FB2] =	sst s8  }
0x11: {  	[smem:$0x3FB3] =	sst s9;
	s0 =	simm.s32 @!p0 $0x0  }
0x12: {  	s1 =	sld [smem:$0x3F99];
	s0 =	simm.s32 @p0 $0x1  }
0x13: {  	[smem:$0x3FB4] =	sst s0;
	s0 =	simm.s32 @!p1 $0x0  }
0x14: {  	s2 =	sld [smem:$0x3F98];
	s0 =	simm.s32 @p1 $0x1  }
0x15: {  	[smem:$0x3FB5] =	sst s0;
	s0 =	simm.s32 @!p2 $0x0  }
0x16: {  	s3 =	sld [smem:$0x3FDB];
	s0 =	simm.s32 @p2 $0x1  }
0x17: {  	s4 =	simm.s32 $0x1BF5;
	[smem:$0x3FB7] =	sst s0  }
0x18: {  	s0 =	sld [smem:$0x3F9A];
	_ =	swait.ge [sflag:s4], $0x0  }
0x19: {  	s7 =	sld [smem:$0x3F9B]  }
0x1a: {  	s8 =	sadd.s32 $0xFFFFE003, lr  }
0x1b: {  	s9 =	sadd.s32 $0xFFFFFEF7, lr;
	s5 =	simm.s32 $0xFFFFFFFF;
	p2 =	slt.u32 s8, $0xFFFFF086  }
0x1c: {  	p1 =	slt.u32 s9, $0xF7A;
	s5 =	simm.s32 @!p2 $0x0  }
0x1d: {  	s5 =	simm.s32 @p1 $0x1;
	p0 =	seq.s32 s7, s2  }
0x1e: {  	s7 =	smul.u32 @!p0 $0xF7A, s2;
	p2 =	seq.s32 @!p0 s5, $0x0  }
0x1f: {  	s9 =	smul.u32 $0xF7A, s1;
	s8 =	simm.s32 @!p0 $0x1BF5;
	p2 =	por !p2, p0  }
0x20: {  	[sflag:s8] =	ssyncset.s32 @!p0 $0xFFFFF086;
	s6 =	sadd.s32 @!p0 s3, s7;
	s7 =	simm.s32 @!p0 $0x108  }
0x21: {  	s3 =	sadd.s32 s3, s9;
	s6 =	sadd.s32 @!p0 $0x88, s6;
	s7 =	simm.s32 @p2 $0x1082  }
0x22: {  	[simem:s7], [sflag:s8] =	dma.local @!p0 [hbm:s6], $0xF7A  }
0x23: {  	s9 =	sor.u32 $0xD0000000, s2;
	s6 =	simm.s32 $0x108;
	_ =	swait.ge @!p0 [sflag:s8], $0x0  }
0x24: {  	s3 =	sadd.s32 $0x88, s3;
	s6 =	simm.s32 @!p1 $0x1082;
	[sflag:s4] =	ssyncset.s32 $0xFFFFF086  }
0x25: {  	[simem:s6], [sflag:s4] =	dma.local [hbm:s3], $0xF7A  }
0x26: {  	[smem:$0x3F9B] =	sst s1;
	(tag) =	ssettag s2;
	_ =	strace s9  }
0x27: {  	s1 =	sld [smem:$0x3FAB]  }
0x28: {  	s2 =	sld [smem:$0x3FAC]  }
0x29: {  	s4 =	sld [smem:$0x3FAE]  }
0x2a: {  	p0 =	seq.s32 s5, $0x0;
	s5 =	sld [smem:$0x3FAF]  }
0x2b: {  	s6 =	sld [smem:$0x3FB0]  }
0x2c: {  	s7 =	sld [smem:$0x3FB1]  }
0x2d: {  	s3 =	simm.s32 $0x108;
	s8 =	sld [smem:$0x3FB2]  }
0x2e: {  	s3 =	simm.s32 @!p0 $0x1082;
	s9 =	sld [smem:$0x3FB3]  }
0x2f: {  	lr =	sadd.s32 s0, s3;
	s0 =	sld [smem:$0x3FAA]  }
0x30: {  	s3 =	sld [smem:$0x3FAD]  }
0x31: {  	[smem:$0x3FB6] =	sst s10  }
0x32: {  	s10 =	sld [smem:$0x3FB4];
	_ =	sdelay $0x3  }
0x33: {  	p0 =	seq.s32 s10, $0x1;
	s10 =	sld [smem:$0x3FB6];
	_ =	sdelay $0x3  }
0x34: {  	[smem:$0x3FB6] =	sst s10  }
0x35: {  	s10 =	sld [smem:$0x3FB5];
	_ =	sdelay $0x3  }
0x36: {  	p1 =	seq.s32 s10, $0x1;
	s10 =	sld [smem:$0x3FB6];
	_ =	sdelay $0x3  }
0x37: {  	[smem:$0x3FB6] =	sst s10  }
0x38: {  	s10 =	sld [smem:$0x3FB7]  }
0x39: {  	_ = 	snop;
	(pc) =	sbr.ind lr, $3  }
0x3a: {  	_ = 	snop  }
0x3b: {  	_ = 	snop  }
0x3c: {  	p2 =	seq.s32 s10, $0x1;
	s10 =	sld [smem:$0x3FB6]  }
0x3d: {  	_ =	shalt  }
0x3e: {  	_ =	shalt  }
0x3f: {  	_ =	shalt  }
0x40: {  	_ =	shalt  }
0x41: {  	_ =	shalt  }
0x42: {  	_ =	shalt  }
0x43: {  	_ =	shalt  }
0x44: {  	_ =	shalt  }
0x45: {  	_ =	shalt  }
0x46: {  	_ =	shalt  }
0x47: {  	_ =	shalt  }
0x48: {  	_ =	shalt  }
0x49: {  	_ =	shalt  }
0x4a: {  	_ =	shalt  }
0x4b: {  	_ =	shalt  }
0x4c: {  	_ =	shalt  }
0x4d: {  	_ =	shalt  }
0x4e: {  	_ =	shalt  }
0x4f: {  	_ =	shalt  }
0x50: {  	_ =	shalt  }
0x51: {  	_ =	shalt  }
0x52: {  	_ =	shalt  }
0x53: {  	_ =	shalt  }
0x54: {  	_ =	shalt  }
0x55: {  	_ =	shalt  }
0x56: {  	_ =	shalt  }
0x57: {  	_ =	shalt  }
0x58: {  	_ =	shalt  }
0x59: {  	_ =	shalt  }
0x5a: {  	_ =	shalt  }
0x5b: {  	_ =	shalt  }
0x5c: {  	_ =	shalt  }
0x5d: {  	_ =	shalt  }
0x5e: {  	_ =	shalt  }
0x5f: {  	_ =	shalt  }
0x60: {  	_ =	shalt  }
0x61: {  	_ =	shalt  }
0x62: {  	_ =	shalt  }
0x63: {  	_ =	shalt  }
0x64: {  	_ =	shalt  }
0x65: {  	_ =	shalt  }
0x66: {  	_ =	shalt  }
0x67: {  	_ =	shalt  }
0x68: {  	_ =	shalt  }
0x69: {  	_ =	shalt  }
0x6a: {  	_ =	shalt  }
0x6b: {  	_ =	shalt  }
0x6c: {  	_ =	shalt  }
0x6d: {  	_ =	shalt  }
0x6e: {  	_ =	shalt  }
0x6f: {  	_ =	shalt  }
0x70: {  	_ =	shalt  }
0x71: {  	_ =	shalt  }
0x72: {  	_ =	shalt  }
0x73: {  	_ =	shalt  }
0x74: {  	_ =	shalt  }
0x75: {  	_ =	shalt  }
0x76: {  	_ =	shalt  }
0x77: {  	_ =	shalt  }
0x78: {  	_ =	shalt  }
0x79: {  	_ =	shalt  }
0x7a: {  	_ =	shalt  }
0x7b: {  	_ =	shalt  }
0x7c: {  	_ =	shalt  }
0x7d: {  	_ =	shalt  }
0x7e: {  	_ =	shalt  }
0x7f: {  	_ =	shalt  }
0x80: {  	_ =	shalt  }
0x81: {  	_ =	shalt  }
0x82: {  	_ =	shalt  }
0x83: {  	_ =	shalt  }
0x84: {  	_ =	shalt  }
0x85: {  	_ =	shalt  }
0x86: {  	_ =	shalt  }
0x87: {  	_ =	shalt  }
.Lfunc_end0:
.L_simem_size_0:
called_computation.1_lowered:
.L_overlay_start_0:
0x88: {  	s2 =	sld [smem:$0x3FD9]  }
0x89: {  	s3 =	sld [smem:$0x3FFE];
	_ =	sdelay $0x1  }
0x8a: {  	s1 =	srdreg.scid  }
0x8b: {  	s0 =	sand.u32 $0x1, s1  }
0x8c: {  	s16 =	sshll.u32 s0, $0xA;
	s2 =	sadd.s32 s3, s2  }
0x8d: {  	s2 =	sadd.s32 s2, s16  }
0x8e: {  	[smem:$0x3FC2] =	sst s2  }
0x8f: {  	_ = 	snop  }
0x90: {  	(tm) =	ssettm $0x1  }
0x91: {  	s17 =	sld [smem:$0x3FFB];
	_ =	sdelay $0x3  }
0x92: {  	_ =	strace s17  }
0x93: {  	s2 =	sld [smem:$0x3FFC];
	_ =	sdelay $0x3  }
0x94: {  	_ =	strace s2  }
0x95: {  	s2 =	sld [smem:$0x3FFD];
	_ =	sdelay $0x3  }
0x96: {  	_ =	strace s2  }
0x97: {  	_ =	strace $0x8FFFFFFF  }
0x98: {  	s18 =	sld [smem:$0x3FDB];
	_ =	sdelay $0x1  }
0x99: {  	s19 =	simm.s32 $_scs_section_size  }
0x9a: {  	s4 =	simm.s32 $_size__tile_overlayer_lowered;
	s5 =	simm.s32 $_tile_overlayer_lowered  }
0x9b: {  	s22 =	simm.s32 $0x1BFF;
	s21 =	sshll.u32 s5, $0x1;
	s2 =	sadd.s32 s19, s18  }
0x9c: {  	s6 =	simm.s32 $0x0;
	s20 =	sshll.u32 s4, $0x1;
	s4 =	sadd.s32 s21, s2  }
0x9d: {  	[timem:s6], [sflag:s22] =	dma.local [hbm:s4], s20  }
0x9e: {  	_ =	swait.ge [sflag:s22], s20  }
0x9f: {  	s3 =	ssub.s32 $0x0, s20;
	[sflag:s22] =	ssyncset.done $0x0  }
0xa0: {  	[sflag:s22] =	ssyncadd.s32 s3;
	_ =	sdelay $0x1  }
0xa1: {  	s23 =	simm.s32 $0x1B8B  }
0xa2: {  	_ =	swait.ge [sflag:s23], $0x1  }
0xa3: {  	[sflag:s23] =	ssyncset.done $0x0  }
0xa4: {  	s25 =	simm.s32 $0x1B8E;
	s24 =	sld [smem:$0x3FFE];
	[sflag:s23] =	ssyncadd.s32 $0xFFFFFFFF  }
0xa5: {  	s26 =	simm.s32 $execute0_lowered;
	[smem:$0x3FD2] =	sst s25  }
0xa6: {  	s4 =	sshll.u32 s26, $0x1;
	_ =	strace $0x80000049;
	[dreg:$0x1] =	wrdreg $0xFFFFFFFF  }
0xa7: {  	s28 =	simm.s32 $_size_execute0_lowered;
	s2 =	sadd.s32 s2, s4;
	[dreg:$0x0] =	wrdreg $0x0  }
0xa8: {  	s4 =	sshll.u32 s28, $0x1;
	[dreg:$0x2] =	wrdreg s2  }
0xa9: {  	[dreg:$0x3] =	wrdreg s4  }
0xaa: {  	[dreg:$0x4] =	wrdreg $0xC0  }
0xab: {  	_ =	task [dreg:s6], $0x5FFFF  }
0xac: {  	[dreg:$0x1] =	wrdreg $0xFFFFFFFF  }
0xad: {  	[dreg:$0x0] =	wrdreg $0x60  }
0xae: {  	[dreg:$0x2] =	wrdreg s24  }
0xaf: {  	[dreg:$0x3] =	wrdreg $0xF8000  }
0xb0: {  	[dreg:$0x4] =	wrdreg $0x9  }
0xb1: {  	_ =	task.clear_ibuf [dreg:s6], $0x5FFFF;
	_ =	strace $0x90000049  }
0xb2: {  	s29 =	simm.s32 $0x9;
	_ =	strace $0x8000004B  }
0xb3: {  	_ =	swait.ge [sflag:s29], $0x1  }
0xb4: {  	[sflag:s29] =	ssyncadd.s32 $0xFFFFFFFF  }
0xb5: {  	_ =	strace $0x9000004B  }
0xb6: {  	_ =	sfence  }
0xb7: {  	s30 =	sld [smem:$0x0];
	_ =	sdelay $0x2  }
0xb8: {  	s31 =	sshll.u32 s1, $0xD;
	s1 =	sshrl.u32 s1, $0x2  }
0xb9: {  	s3 =	sand.u32 $0x4000, s31;
	s1 =	sadd.s32 s1, s30  }
0xba: {  	s0 =	sor.u32 s3, s0;
	s1 =	sshll.u32 s1, $0x11  }
0xbb: {  	s0 =	sor.u32 s1, s0  }
0xbc: {  	s0 =	sadd.s32 $0x8F2B, s0  }
0xbd: {  	[sflag:s0] =	ssyncadd.remote.s32 $0x1  }
0xbe: {  	_ =	sfence.sel $0xFFFF  }
0xbf: {  	[dreg:$0x0] =	wrdreg $0xFFFFFFFF;
	(pc) =	sbr.abs _section_cstart, $3  }
0xc0: {  	[dreg:$0x1] =	wrdreg $0xFFFFFFFF  }
0xc1: {  	_ =	task.clear_ibuf [dreg:s6], $0x2FFFF;
	_ =	strace $0x9FFFFFFF  }
0xc2: {  	(tm) =	ssettm $0x7FFFFFFF  }
0xc3: {  	_ =	shalt  }
tec
execute0_lowered:
.L_overlay_start_1:
0x0: {  	(tag) =	ssettag $0x1  }
0x1: {  	s0 =	srdreg.scid;
	s3 =	rddreg [dreg:$0x0]  }
0x2: {  	s4 =	stileid.u32;
	s2 =	rddreg [dreg:$0x1]  }
0x3: {  	s8 =	simm.s32 $0x0;
	s13 =	simm.s32 $0x3;
	s14 =	simm.s32 $0x1  }
0x4: {  	s15 =	simm.s32 $0x2;
	s16 =	simm.s32 $0x4;
	s17 =	simm.s32 $0x200  }
0x5: {  	s18 =	simm.s32 $0x5000;
	s19 =	simm.s32 $0x7000;
	s21 =	simm.s32 $0x9000  }
0x6: {  	s23 =	simm.s32 $0xB000;
	s24 =	simm.s32 $0x80;
	s29 =	simm.s32 $0x6000  }
0x7: {  	s31 =	simm.s32 $0x6800;
	s20 =	simm.s32 $0x7800;
	s25 =	simm.s32 $0x8000  }
0x8: {  	s30 =	simm.s32 $0x8800;
	s22 =	simm.s32 $0x9800;
	s28 =	simm.s32 $0xA800  }
0x9: {  	s12 =	simm.s32 $0x0;
	s0 =	sand.u32 $0x1, s0;
	s5 =	smul.u32 $0x2800, s4  }
0xa: {  	[smem:$0x7FF] =	sst s8;
	s7 =	sadd.s32 $0x6600, s3;
	s1 =	sshll.u32 s0, $0x4  }
0xb: {  	s6 =	smul.u32 $0x28000, s0;
	_ =	strace $0x8000004A;
	[dreg:$0x3] =	wrdreg s7  }
0xc: {  	s0 =	ssub.s32 $0x2, s0;
	s7 =	simm.s32 $0x6;
	[dreg:$0x9] =	wrdreg s12  }
0xd: {  	s1 =	sor.u32 s4, s1;
	s4 =	sadd.s32 $0x1600, s3;
	s26 =	sshrl.u32 s0, $0x1  }
0xe: {  	s10 =	sadd.s32 s5, s2;
	s1 =	smul.u32 $0x500, s1;
	s6 =	sadd.s32 s5, s6  }
0xf: {  	s0 =	ssub.s32 s0, s26;
	[dreg:$0x6] =	wrdreg s10;
	s26 =	simm.s32 $0x5800  }
0x10: {  	s5 =	simm.s32 $0xC000;
	s0 =	smax.u32 s0, $0x1;
	s1 =	sadd.s32 s1, s3  }
0x11: {  	s6 =	sshrl.u32 s6, $0x3;
	[dreg:$0x8] =	wrdreg s0;
	s9 =	sadd.s32 $0x15C00, s1  }
0x12: {  	s3 =	sadd.s32 s6, s3;
	s1 =	sadd.s32 $0xBC00, s1;
	[dreg:$0x4] =	wrdreg s9  }
0x13: {  	s10 =	simm.s32 $0x8;
	s11 =	sadd.s32 $0x1FC00, s3;
	[dreg:$0x5] =	wrdreg s1  }
0x14: {  	s0 =	simm.s32 $0xB800;
	s6 =	simm.s32 $0x5;
	[dreg:$0x7] =	wrdreg s11  }
0x15: {  	s1 =	simm.s32 $0xA000;
	s11 =	simm.s32 $0xC800;
	s9 =	simm.s32 $0x7  }
.LBB2_1:
0x16: {  	s3 =	rddreg [dreg:$0x4]  }
0x17: {  	[tilespmem:s8], [sflag:$0x1] =	stream.linear.gather [hbm4b:s3+s8], $0x2800, $0x38;
	[tilespmem:$0x12000] =	vst v63  }
0x18: {  	s12 =	simm.s32 $0x2800;
	s3 =	rddreg [dreg:$0x5]  }
0x19: {  	[tilespmem:s12], [sflag:$0x2] =	stream.linear.gather [hbm4b:s3+s8], $0x2800, $0x38;
	[tilespmem:$0x12000] =	vst v63  }
0x1a: {  	s3 =	rddreg [dreg:$0x3];
	s12 =	simm.s32 $0xD000  }
0x1b: {  	[tilespmem:s12], [sflag:$0x3] =	stream.linear.gather [hbm4b:s3+s8], $0x2800, $0x38;
	[tilespmem:$0x12000] =	vst v63  }
0x1c: {  	_ =	swait.ge [sflag:s13], $0x2800  }
0x1d: {  	[sflag:s13] =	ssyncset.done $0x0  }
0x1e: {  	s12 =	simm.s32 $0xD000;
	s3 =	rddreg [dreg:$0x6];
	[sflag:s13] =	ssyncadd.s32 $0xFFFFD800  }
0x1f: {  	[spmem:s3] =	stream.linear.scatter [tilespmem:s12], [sflag:$0x4], $0x2800, $0x38;
	[tilespmem:$0x12000] =	vst v63  }
0x20: {  	_ =	swait.ge [sflag:s14], $0x2800  }
0x21: {  	[sflag:s14] =	ssyncset.done $0x0  }
0x22: {  	[sflag:s14] =	ssyncadd.s32 $0xFFFFD800  }
0x23: {  	_ =	swait.ge [sflag:s15], $0x2800  }
0x24: {  	[sflag:s15] =	ssyncset.done $0x0  }
0x25: {  	[sflag:s15] =	ssyncadd.s32 $0xFFFFD800  }
0x26: {  	_ =	swait.ge [sflag:s16], $0x2800  }
0x27: {  	[sflag:s16] =	ssyncset.done $0x0  }
0x28: {  	[sflag:s16] =	ssyncadd.s32 $0xFFFFD800  }
0x29: {  	[bflag:$0x0] =	sbarrier.arrive $0xFFFF  }
0x2a: {  	[tilespmem:s18], [sflag:$0x1] =	stream.indirect.gather [hbm4b:s4+s17], $0x10, s8, s17, $0xb8;
	[tilespmem:$0x12000] =	vst v63  }
0x2b: {  	_ = 	snop  }
0x2c: {  	[tilespmem:s19], [sflag:$0x2] =	stream.indirect.gather [hbm4b:s4+s17], $0x10, s17, s17, $0xb8;
	[tilespmem:$0x12000] =	vst v63  }
0x2d: {  	s12 =	simm.s32 $0x400  }
0x2e: {  	[tilespmem:s21], [sflag:$0x3] =	stream.indirect.gather [hbm4b:s4+s17], $0x10, s12, s17, $0xb8;
	[tilespmem:$0x12000] =	vst v63  }
0x2f: {  	s8 =	simm.s32 $0x600  }
0x30: {  	[tilespmem:s23], [sflag:$0x4] =	stream.indirect.gather [hbm4b:s4+s17], $0x10, s8, s17, $0xb8;
	[tilespmem:$0x12000] =	vst v63  }
0x31: {  	_ =	swait.ge [sflag:s14], $0x2000  }
0x32: {  	[sflag:s14] =	ssyncset.done $0x0  }
0x33: {  	s12 =	simm.s32 $0x2800;
	[sflag:s14] =	ssyncadd.s32 $0xFFFFE000  }
0x34: {  	[spmem:s2] =	stream.indirect.scatter.add.f32 [tilespmem:s18], [sflag:$0x5], $0x10, s12, s24, $0xb8;
	[tilespmem:$0x12000] =	vst v63  }
0x35: {  	s8 =	simm.s32 $0x2880  }
0x36: {  	[spmem:s2] =	stream.indirect.scatter.add.f32 [tilespmem:s26], [sflag:$0x5], $0x10, s8, s24, $0xb8;
	[tilespmem:$0x12000] =	vst v63  }
0x37: {  	s12 =	simm.s32 $0x2900  }
0x38: {  	[spmem:s2] =	stream.indirect.scatter.add.f32 [tilespmem:s29], [sflag:$0x5], $0x10, s12, s24, $0xb8;
	[tilespmem:$0x12000] =	vst v63  }
0x39: {  	s8 =	simm.s32 $0x2980  }
0x3a: {  	[spmem:s2] =	stream.indirect.scatter.add.f32 [tilespmem:s31], [sflag:$0x5], $0x10, s8, s24, $0xb8;
	[tilespmem:$0x12000] =	vst v63  }
0x3b: {  	_ =	swait.ge [sflag:s15], $0x2000  }
0x3c: {  	[sflag:s15] =	ssyncset.done $0x0  }
0x3d: {  	s12 =	simm.s32 $0x2A00;
	[sflag:s15] =	ssyncadd.s32 $0xFFFFE000  }
0x3e: {  	[spmem:s2] =	stream.indirect.scatter.add.f32 [tilespmem:s19], [sflag:$0x6], $0x10, s12, s24, $0xb8;
	[tilespmem:$0x12000] =	vst v63  }
0x3f: {  	s8 =	simm.s32 $0x2A80  }
0x40: {  	[spmem:s2] =	stream.indirect.scatter.add.f32 [tilespmem:s20], [sflag:$0x6], $0x10, s8, s24, $0xb8;
	[tilespmem:$0x12000] =	vst v63  }
0x41: {  	s12 =	simm.s32 $0x2B00  }
0x42: {  	[spmem:s2] =	stream.indirect.scatter.add.f32 [tilespmem:s25], [sflag:$0x6], $0x10, s12, s24, $0xb8;
	[tilespmem:$0x12000] =	vst v63  }
0x43: {  	s8 =	simm.s32 $0x2B80  }
0x44: {  	[spmem:s2] =	stream.indirect.scatter.add.f32 [tilespmem:s30], [sflag:$0x6], $0x10, s8, s24, $0xb8;
	[tilespmem:$0x12000] =	vst v63  }
0x45: {  	_ =	swait.ge [sflag:s13], $0x2000  }
0x46: {  	[sflag:s13] =	ssyncset.done $0x0  }
0x47: {  	s12 =	simm.s32 $0x2C00;
	[sflag:s13] =	ssyncadd.s32 $0xFFFFE000  }
0x48: {  	[spmem:s2] =	stream.indirect.scatter.add.f32 [tilespmem:s21], [sflag:$0x7], $0x10, s12, s24, $0xb8;
	[tilespmem:$0x12000] =	vst v63  }
0x49: {  	s8 =	simm.s32 $0x2C80  }
0x4a: {  	[spmem:s2] =	stream.indirect.scatter.add.f32 [tilespmem:s22], [sflag:$0x7], $0x10, s8, s24, $0xb8;
	[tilespmem:$0x12000] =	vst v63  }
0x4b: {  	s12 =	simm.s32 $0x2D00  }
0x4c: {  	[spmem:s2] =	stream.indirect.scatter.add.f32 [tilespmem:s1], [sflag:$0x7], $0x10, s12, s24, $0xb8;
	[tilespmem:$0x12000] =	vst v63  }
0x4d: {  	s8 =	simm.s32 $0x2D80  }
0x4e: {  	[spmem:s2] =	stream.indirect.scatter.add.f32 [tilespmem:s28], [sflag:$0x7], $0x10, s8, s24, $0xb8;
	[tilespmem:$0x12000] =	vst v63  }
0x4f: {  	_ =	swait.ge [sflag:s16], $0x2000  }
0x50: {  	[sflag:s16] =	ssyncset.done $0x0  }
0x51: {  	s12 =	simm.s32 $0x2E00;
	[sflag:s16] =	ssyncadd.s32 $0xFFFFE000  }
0x52: {  	[spmem:s2] =	stream.indirect.scatter.add.f32 [tilespmem:s23], [sflag:$0x8], $0x10, s12, s24, $0xb8;
	[tilespmem:$0x12000] =	vst v63  }
0x53: {  	s8 =	simm.s32 $0x2E80  }
0x54: {  	[spmem:s2] =	stream.indirect.scatter.add.f32 [tilespmem:s0], [sflag:$0x8], $0x10, s8, s24, $0xb8;
	[tilespmem:$0x12000] =	vst v63  }
0x55: {  	s12 =	simm.s32 $0x2F00  }
0x56: {  	[spmem:s2] =	stream.indirect.scatter.add.f32 [tilespmem:s5], [sflag:$0x8], $0x10, s12, s24, $0xb8;
	[tilespmem:$0x12000] =	vst v63  }
0x57: {  	s8 =	simm.s32 $0x2F80  }
0x58: {  	[spmem:s2] =	stream.indirect.scatter.add.f32 [tilespmem:s11], [sflag:$0x8], $0x10, s8, s24, $0xb8;
	[tilespmem:$0x12000] =	vst v63  }
0x59: {  	_ =	swait.ge [sflag:s6], $0x2000  }
0x5a: {  	[sflag:s6] =	ssyncset.done $0x0  }
0x5b: {  	s12 =	simm.s32 $0x800;
	[sflag:s6] =	ssyncadd.s32 $0xFFFFE000  }
0x5c: {  	[tilespmem:s18], [sflag:$0x1] =	stream.indirect.gather [hbm4b:s4+s17], $0x10, s12, s17, $0xb8;
	[tilespmem:$0x12000] =	vst v63  }
0x5d: {  	_ =	swait.ge [sflag:s7], $0x2000  }
0x5e: {  	[sflag:s7] =	ssyncset.done $0x0  }
0x5f: {  	s8 =	simm.s32 $0xA00;
	[sflag:s7] =	ssyncadd.s32 $0xFFFFE000  }
0x60: {  	[tilespmem:s19], [sflag:$0x2] =	stream.indirect.gather [hbm4b:s4+s17], $0x10, s8, s17, $0xb8;
	[tilespmem:$0x12000] =	vst v63  }
0x61: {  	_ =	swait.ge [sflag:s9], $0x2000  }
0x62: {  	[sflag:s9] =	ssyncset.done $0x0  }
0x63: {  	s12 =	simm.s32 $0xC00;
	[sflag:s9] =	ssyncadd.s32 $0xFFFFE000  }
0x64: {  	[tilespmem:s21], [sflag:$0x3] =	stream.indirect.gather [hbm4b:s4+s17], $0x10, s12, s17, $0xb8;
	[tilespmem:$0x12000] =	vst v63  }
0x65: {  	_ =	swait.ge [sflag:s10], $0x2000  }
0x66: {  	[sflag:s10] =	ssyncset.done $0x0  }
0x67: {  	s8 =	simm.s32 $0xE00;
	[sflag:s10] =	ssyncadd.s32 $0xFFFFE000  }
0x68: {  	[tilespmem:s23], [sflag:$0x4] =	stream.indirect.gather [hbm4b:s4+s17], $0x10, s8, s17, $0xb8;
	[tilespmem:$0x12000] =	vst v63  }
0x69: {  	_ =	swait.ge [sflag:s14], $0x2000  }
0x6a: {  	[sflag:s14] =	ssyncset.done $0x0  }
0x6b: {  	s12 =	simm.s32 $0x3000;
	[sflag:s14] =	ssyncadd.s32 $0xFFFFE000  }
0x6c: {  	[spmem:s2] =	stream.indirect.scatter.add.f32 [tilespmem:s18], [sflag:$0x5], $0x10, s12, s24, $0xb8;
	[tilespmem:$0x12000] =	vst v63  }
0x6d: {  	s8 =	simm.s32 $0x3080  }
0x6e: {  	[spmem:s2] =	stream.indirect.scatter.add.f32 [tilespmem:s26], [sflag:$0x5], $0x10, s8, s24, $0xb8;
	[tilespmem:$0x12000] =	vst v63  }
0x6f: {  	s12 =	simm.s32 $0x3100  }
0x70: {  	[spmem:s2] =	stream.indirect.scatter.add.f32 [tilespmem:s29], [sflag:$0x5], $0x10, s12, s24, $0xb8;
	[tilespmem:$0x12000] =	vst v63  }
0x71: {  	s8 =	simm.s32 $0x3180  }
0x72: {  	[spmem:s2] =	stream.indirect.scatter.add.f32 [tilespmem:s31], [sflag:$0x5], $0x10, s8, s24, $0xb8;
	[tilespmem:$0x12000] =	vst v63  }
0x73: {  	_ =	swait.ge [sflag:s15], $0x2000  }
0x74: {  	[sflag:s15] =	ssyncset.done $0x0  }
0x75: {  	s12 =	simm.s32 $0x3200;
	[sflag:s15] =	ssyncadd.s32 $0xFFFFE000  }
0x76: {  	[spmem:s2] =	stream.indirect.scatter.add.f32 [tilespmem:s19], [sflag:$0x6], $0x10, s12, s24, $0xb8;
	[tilespmem:$0x12000] =	vst v63  }
0x77: {  	s8 =	simm.s32 $0x3280  }
0x78: {  	[spmem:s2] =	stream.indirect.scatter.add.f32 [tilespmem:s20], [sflag:$0x6], $0x10, s8, s24, $0xb8;
	[tilespmem:$0x12000] =	vst v63  }
0x79: {  	s12 =	simm.s32 $0x3300  }
0x7a: {  	[spmem:s2] =	stream.indirect.scatter.add.f32 [tilespmem:s25], [sflag:$0x6], $0x10, s12, s24, $0xb8;
	[tilespmem:$0x12000] =	vst v63  }
0x7b: {  	s8 =	simm.s32 $0x3380  }
0x7c: {  	[spmem:s2] =	stream.indirect.scatter.add.f32 [tilespmem:s30], [sflag:$0x6], $0x10, s8, s24, $0xb8;
	[tilespmem:$0x12000] =	vst v63  }
0x7d: {  	_ =	swait.ge [sflag:s13], $0x2000  }
0x7e: {  	[sflag:s13] =	ssyncset.done $0x0  }
0x7f: {  	s12 =	simm.s32 $0x3400;
	[sflag:s13] =	ssyncadd.s32 $0xFFFFE000  }
0x80: {  	[spmem:s2] =	stream.indirect.scatter.add.f32 [tilespmem:s21], [sflag:$0x7], $0x10, s12, s24, $0xb8;
	[tilespmem:$0x12000] =	vst v63  }
0x81: {  	s8 =	simm.s32 $0x3480  }
0x82: {  	[spmem:s2] =	stream.indirect.scatter.add.f32 [tilespmem:s22], [sflag:$0x7], $0x10, s8, s24, $0xb8;
	[tilespmem:$0x12000] =	vst v63  }
0x83: {  	s12 =	simm.s32 $0x3500  }
0x84: {  	[spmem:s2] =	stream.indirect.scatter.add.f32 [tilespmem:s1], [sflag:$0x7], $0x10, s12, s24, $0xb8;
	[tilespmem:$0x12000] =	vst v63  }
0x85: {  	s8 =	simm.s32 $0x3580  }
0x86: {  	[spmem:s2] =	stream.indirect.scatter.add.f32 [tilespmem:s28], [sflag:$0x7], $0x10, s8, s24, $0xb8;
	[tilespmem:$0x12000] =	vst v63  }
0x87: {  	_ =	swait.ge [sflag:s16], $0x2000  }
0x88: {  	[sflag:s16] =	ssyncset.done $0x0  }
0x89: {  	s12 =	simm.s32 $0x3600;
	[sflag:s16] =	ssyncadd.s32 $0xFFFFE000  }
0x8a: {  	[spmem:s2] =	stream.indirect.scatter.add.f32 [tilespmem:s23], [sflag:$0x8], $0x10, s12, s24, $0xb8;
	[tilespmem:$0x12000] =	vst v63  }
0x8b: {  	s8 =	simm.s32 $0x3680  }
0x8c: {  	[spmem:s2] =	stream.indirect.scatter.add.f32 [tilespmem:s0], [sflag:$0x8], $0x10, s8, s24, $0xb8;
	[tilespmem:$0x12000] =	vst v63  }
0x8d: {  	s3 =	simm.s32 $0x2000;
	s12 =	simm.s32 $0x3700;
	s8 =	simm.s32 $0x3780  }
0x8e: {  	[spmem:s2] =	stream.indirect.scatter.add.f32 [tilespmem:s5], [sflag:$0x8], $0x10, s12, s24, $0xb8;
	[tilespmem:$0x12000] =	vst v63  }
.LBB2_2:
0x8f: {  	[spmem:s2] =	stream.indirect.scatter.add.f32 [tilespmem:s11], [sflag:$0x8], $0x10, s8, s24, $0xb8;
	[tilespmem:$0x12000] =	vst v63  }
0x90: {  	s8 =	smov.u32 s3  }
0x91: {  	p0 =	sne.s32 s3, $0x6000;
	s3 =	sadd.s32 $0x2000, s3;
	_ =	swait.ge [sflag:s6], $0x2000  }
0x92: {  	s8 =	sshra.s32 s8, $0x2;
	[sflag:s6] =	ssyncset.done $0x0  }
0x93: {  	s12 =	sadd.s32 $0x800, s8;
	[sflag:s6] =	ssyncadd.s32 $0xFFFFE000  }
0x94: {  	[tilespmem:s18], [sflag:$0x1] =	stream.indirect.gather [hbm4b:s4+s17], $0x10, s12, s17, $0xb8;
	[tilespmem:$0x12000] =	vst v63  }
0x95: {  	_ =	swait.ge [sflag:s7], $0x2000  }
0x96: {  	[sflag:s7] =	ssyncset.done $0x0  }
0x97: {  	s12 =	sadd.s32 $0xA00, s8;
	[sflag:s7] =	ssyncadd.s32 $0xFFFFE000  }
0x98: {  	[tilespmem:s19], [sflag:$0x2] =	stream.indirect.gather [hbm4b:s4+s17], $0x10, s12, s17, $0xb8;
	[tilespmem:$0x12000] =	vst v63  }
0x99: {  	_ =	swait.ge [sflag:s9], $0x2000  }
0x9a: {  	[sflag:s9] =	ssyncset.done $0x0  }
0x9b: {  	s12 =	sadd.s32 $0xC00, s8;
	[sflag:s9] =	ssyncadd.s32 $0xFFFFE000  }
0x9c: {  	[tilespmem:s21], [sflag:$0x3] =	stream.indirect.gather [hbm4b:s4+s17], $0x10, s12, s17, $0xb8;
	[tilespmem:$0x12000] =	vst v63  }
0x9d: {  	_ =	swait.ge [sflag:s10], $0x2000  }
0x9e: {  	[sflag:s10] =	ssyncset.done $0x0  }
0x9f: {  	s12 =	sadd.s32 $0xE00, s8;
	[sflag:s10] =	ssyncadd.s32 $0xFFFFE000  }
0xa0: {  	[tilespmem:s23], [sflag:$0x4] =	stream.indirect.gather [hbm4b:s4+s17], $0x10, s12, s17, $0xb8;
	[tilespmem:$0x12000] =	vst v63  }
0xa1: {  	_ =	swait.ge [sflag:s14], $0x2000  }
0xa2: {  	[sflag:s14] =	ssyncset.done $0x0  }
0xa3: {  	s12 =	sadd.s32 $0x3000, s8;
	[sflag:s14] =	ssyncadd.s32 $0xFFFFE000  }
0xa4: {  	[spmem:s2] =	stream.indirect.scatter.add.f32 [tilespmem:s18], [sflag:$0x5], $0x10, s12, s24, $0xb8;
	[tilespmem:$0x12000] =	vst v63  }
0xa5: {  	s12 =	sadd.s32 $0x3080, s8  }
0xa6: {  	[spmem:s2] =	stream.indirect.scatter.add.f32 [tilespmem:s26], [sflag:$0x5], $0x10, s12, s24, $0xb8;
	[tilespmem:$0x12000] =	vst v63  }
0xa7: {  	s12 =	sadd.s32 $0x3100, s8  }
0xa8: {  	[spmem:s2] =	stream.indirect.scatter.add.f32 [tilespmem:s29], [sflag:$0x5], $0x10, s12, s24, $0xb8;
	[tilespmem:$0x12000] =	vst v63  }
0xa9: {  	s12 =	sadd.s32 $0x3180, s8  }
0xaa: {  	[spmem:s2] =	stream.indirect.scatter.add.f32 [tilespmem:s31], [sflag:$0x5], $0x10, s12, s24, $0xb8;
	[tilespmem:$0x12000] =	vst v63  }
0xab: {  	_ =	swait.ge [sflag:s15], $0x2000  }
0xac: {  	[sflag:s15] =	ssyncset.done $0x0  }
0xad: {  	s12 =	sadd.s32 $0x3200, s8;
	[sflag:s15] =	ssyncadd.s32 $0xFFFFE000  }
0xae: {  	[spmem:s2] =	stream.indirect.scatter.add.f32 [tilespmem:s19], [sflag:$0x6], $0x10, s12, s24, $0xb8;
	[tilespmem:$0x12000] =	vst v63  }
0xaf: {  	s12 =	sadd.s32 $0x3280, s8  }
0xb0: {  	[spmem:s2] =	stream.indirect.scatter.add.f32 [tilespmem:s20], [sflag:$0x6], $0x10, s12, s24, $0xb8;
	[tilespmem:$0x12000] =	vst v63  }
0xb1: {  	s12 =	sadd.s32 $0x3300, s8  }
0xb2: {  	[spmem:s2] =	stream.indirect.scatter.add.f32 [tilespmem:s25], [sflag:$0x6], $0x10, s12, s24, $0xb8;
	[tilespmem:$0x12000] =	vst v63  }
0xb3: {  	s12 =	sadd.s32 $0x3380, s8  }
0xb4: {  	[spmem:s2] =	stream.indirect.scatter.add.f32 [tilespmem:s30], [sflag:$0x6], $0x10, s12, s24, $0xb8;
	[tilespmem:$0x12000] =	vst v63  }
0xb5: {  	_ =	swait.ge [sflag:s13], $0x2000  }
0xb6: {  	[sflag:s13] =	ssyncset.done $0x0  }
0xb7: {  	s12 =	sadd.s32 $0x3400, s8;
	[sflag:s13] =	ssyncadd.s32 $0xFFFFE000  }
0xb8: {  	[spmem:s2] =	stream.indirect.scatter.add.f32 [tilespmem:s21], [sflag:$0x7], $0x10, s12, s24, $0xb8;
	[tilespmem:$0x12000] =	vst v63  }
0xb9: {  	s12 =	sadd.s32 $0x3480, s8  }
0xba: {  	[spmem:s2] =	stream.indirect.scatter.add.f32 [tilespmem:s22], [sflag:$0x7], $0x10, s12, s24, $0xb8;
	[tilespmem:$0x12000] =	vst v63  }
0xbb: {  	s12 =	sadd.s32 $0x3500, s8  }
0xbc: {  	[spmem:s2] =	stream.indirect.scatter.add.f32 [tilespmem:s1], [sflag:$0x7], $0x10, s12, s24, $0xb8;
	[tilespmem:$0x12000] =	vst v63  }
0xbd: {  	s12 =	sadd.s32 $0x3580, s8  }
0xbe: {  	[spmem:s2] =	stream.indirect.scatter.add.f32 [tilespmem:s28], [sflag:$0x7], $0x10, s12, s24, $0xb8;
	[tilespmem:$0x12000] =	vst v63  }
0xbf: {  	_ =	swait.ge [sflag:s16], $0x2000  }
0xc0: {  	[sflag:s16] =	ssyncset.done $0x0  }
0xc1: {  	s12 =	sadd.s32 $0x3600, s8;
	[sflag:s16] =	ssyncadd.s32 $0xFFFFE000  }
0xc2: {  	[spmem:s2] =	stream.indirect.scatter.add.f32 [tilespmem:s23], [sflag:$0x8], $0x10, s12, s24, $0xb8;
	[tilespmem:$0x12000] =	vst v63  }
.Ltmp0:
0xc3: {  	s12 =	sadd.s32 $0x3680, s8;
	(pc) =	sbr.rel @p0 .LBB2_2-.Ltmp0, $4  }
0xc4: {  	[spmem:s2] =	stream.indirect.scatter.add.f32 [tilespmem:s0], [sflag:$0x8], $0x10, s12, s24, $0xb8;
	[tilespmem:$0x12000] =	vst v63  }
0xc5: {  	s12 =	sadd.s32 $0x3700, s8  }
0xc6: {  	[spmem:s2] =	stream.indirect.scatter.add.f32 [tilespmem:s5], [sflag:$0x8], $0x10, s12, s24, $0xb8;
	[tilespmem:$0x12000] =	vst v63  }
0xc7: {  	s8 =	sadd.s32 $0x3780, s8  }
0xc8: {  	[spmem:s2] =	stream.indirect.scatter.add.f32 [tilespmem:s11], [sflag:$0x8], $0x10, s8, s24, $0xb8;
	[tilespmem:$0x12000] =	vst v63  }
0xc9: {  	_ =	swait.ge [sflag:s6], $0x2000  }
0xca: {  	[sflag:s6] =	ssyncset.done $0x0  }
0xcb: {  	[sflag:s6] =	ssyncadd.s32 $0xFFFFE000  }
0xcc: {  	_ =	swait.ge [sflag:s7], $0x2000  }
0xcd: {  	[sflag:s7] =	ssyncset.done $0x0  }
0xce: {  	[sflag:s7] =	ssyncadd.s32 $0xFFFFE000  }
0xcf: {  	_ =	swait.ge [sflag:s9], $0x2000  }
0xd0: {  	[sflag:s9] =	ssyncset.done $0x0  }
0xd1: {  	[sflag:s9] =	ssyncadd.s32 $0xFFFFE000  }
0xd2: {  	_ =	swait.ge [sflag:s10], $0x2000  }
0xd3: {  	[sflag:s10] =	ssyncset.done $0x0  }
0xd4: {  	[sflag:s10] =	ssyncadd.s32 $0xFFFFE000  }
0xd5: {  	[bflag:$0x0] =	sbarrier.arrive $0xFFFF  }
0xd6: {  	s12 =	simm.s32 $0xD000;
	s3 =	rddreg [dreg:$0x6]  }
0xd7: {  	[tilespmem:s12], [sflag:$0x9] =	stream.linear.gather [spmem:s3], $0x2800, $0x38;
	[tilespmem:$0x12000] =	vst v63  }
0xd8: {  	s12 =	simm.s32 $0x9  }
0xd9: {  	_ =	swait.ge [sflag:s12], $0x2800  }
0xda: {  	s8 =	simm.s32 $0xD000;
	[sflag:s12] =	ssyncset.done $0x0  }
0xdb: {  	s3 =	rddreg [dreg:$0x7];
	[sflag:s12] =	ssyncadd.s32 $0xFFFFD800;
	s12 =	simm.s32 $0x0  }
0xdc: {  	[hbm4b:s3+s12] =	stream.linear.scatter [tilespmem:s8], [sflag:$0x9], $0x2800, $0x38;
	[tilespmem:$0x12000] =	vst v63  }
0xdd: {  	s3 =	simm.s32 $0x9  }
0xde: {  	_ =	swait.ge [sflag:s3], $0x2800  }
0xdf: {  	s8 =	rddreg [dreg:$0x9]  }
0xe0: {  	[sflag:s3] =	ssyncset.done $0x0;
	s3 =	rddreg [dreg:$0x8];
	s12 =	sadd.s32 $0x1, s8  }
0xe1: {  	p0 =	sne.s32 s12, s3  }
.Ltmp1:
0xe2: {  	_ = 	snop;
	(pc) =	sbr.rel @p0 .LBB2_1-.Ltmp1, $3  }
0xe3: {  	_ =	sdelay $0x1  }
0xe4: {  	s8 =	simm.s32 $0x9  }
0xe5: {  	[dreg:$0x9] =	wrdreg s12;
	[sflag:s8] =	ssyncadd.s32 $0xFFFFD800;
	s8 =	simm.s32 $0x0  }
0xe6: {  	_ =	sfence.sel $0x180000  }
0xe7: {  	[bflag:$0x0] =	sbarrier.arrive $0xFFFF  }
0xe8: {  	_ =	strace $0x9000004A  }
0xe9: {  	s0 =	stileid.u32;
	[bflag:$0x2] =	sbarrier.arrive $0xFFFF  }
0xea: {  	p0 =	sne.s32 s0, $0x0;
	s0 =	rddreg [dreg:$0x2]  }
0xeb: {  	s0 =	sadd.s32 @!p0 $0x100000, s0  }
0xec: {  	[sflag:s0] =	ssyncadd.tile.s32 @!p0 $0x1;
	_ =	shalt  }
.Lfunc_end2:
_tile_overlayer_lowered:
.L_overlay_start_2:
0xed: {  	(tag) =	ssettag $0x2  }
0xee: {  	s0 =	rddreg [dreg:$0x0];
	s2 =	stileid.u32  }
0xef: {  	s1 =	rddreg [dreg:$0x1];
	p0 =	sne.s32 s2, $0x0  }
0xf0: {  	s3 =	rddreg [dreg:$0x2];
	[bflag:$0x3] =	sbarrier.arrive $0xFFFF;
	s2 =	simm.s32 @!p0 $0x1C09  }
0xf1: {  	[timem:s3], [sflag:s2] =	dma.local @!p0 [hbm:s0], s1  }
0xf2: {  	s0 =	simm.s32 @!p0 $0x9  }
0xf3: {  	_ =	swait.ge @!p0 [sflag:s0], s1  }
0xf4: {  	s1 =	ssub.s32 @!p0 $0x0, s1;
	[sflag:s0] =	ssyncset.done @!p0 $0x0  }
0xf5: {  	[sflag:s0] =	ssyncadd.s32 @!p0 s1  }
0xf6: {  	[bflag:$0x3] =	sbarrier.arrive $0xFFFF  }
0xf7: {  	_ =	shalt  }

// kernel: kernel.14.cloned.1.call-start
scs
__scs_entry_jumppad:
0x0: {  	(pc) =	sbr.rel $0x88, $3  }
0x1: {  	(tag) =	ssettag $0x0;
	lr =	simm.s32 $0x1  }
0x2: {  	[smem:$0x3F9B] =	sst lr;
	_ =	strace $0xD0000000  }
0x3: {  	_ = 	snop  }
0x4: {  	_ = 	snop  }
0x5: {  	_ = 	snop  }
0x6: {  	_ = 	snop  }
0x7: {  	_ = 	snop  }
__scs_overlays_trampoline_lowered:
0x8: {  	[smem:$0x3FAA] =	sst s0  }
0x9: {  	[smem:$0x3FAB] =	sst s1  }
0xa: {  	[smem:$0x3FAC] =	sst s2  }
0xb: {  	[smem:$0x3FAD] =	sst s3  }
0xc: {  	[smem:$0x3FAE] =	sst s4  }
0xd: {  	[smem:$0x3FAF] =	sst s5  }
0xe: {  	[smem:$0x3FB0] =	sst s6  }
0xf: {  	[smem:$0x3FB1] =	sst s7  }
0x10: {  	[smem:$0x3FB2] =	sst s8  }
0x11: {  	[smem:$0x3FB3] =	sst s9;
	s0 =	simm.s32 @!p0 $0x0  }
0x12: {  	s1 =	sld [smem:$0x3F99];
	s0 =	simm.s32 @p0 $0x1  }
0x13: {  	[smem:$0x3FB4] =	sst s0;
	s0 =	simm.s32 @!p1 $0x0  }
0x14: {  	s2 =	sld [smem:$0x3F98];
	s0 =	simm.s32 @p1 $0x1  }
0x15: {  	[smem:$0x3FB5] =	sst s0;
	s0 =	simm.s32 @!p2 $0x0  }
0x16: {  	s3 =	sld [smem:$0x3FDB];
	s0 =	simm.s32 @p2 $0x1  }
0x17: {  	s4 =	simm.s32 $0x1BF5;
	[smem:$0x3FB7] =	sst s0  }
0x18: {  	s0 =	sld [smem:$0x3F9A];
	_ =	swait.ge [sflag:s4], $0x0  }
0x19: {  	s7 =	sld [smem:$0x3F9B]  }
0x1a: {  	s8 =	sadd.s32 $0xFFFFE003, lr  }
0x1b: {  	s9 =	sadd.s32 $0xFFFFFEF7, lr;
	s5 =	simm.s32 $0xFFFFFFFF;
	p2 =	slt.u32 s8, $0xFFFFF086  }
0x1c: {  	p1 =	slt.u32 s9, $0xF7A;
	s5 =	simm.s32 @!p2 $0x0  }
0x1d: {  	s5 =	simm.s32 @p1 $0x1;
	p0 =	seq.s32 s7, s2  }
0x1e: {  	s7 =	smul.u32 @!p0 $0xF7A, s2;
	p2 =	seq.s32 @!p0 s5, $0x0  }
0x1f: {  	s9 =	smul.u32 $0xF7A, s1;
	s8 =	simm.s32 @!p0 $0x1BF5;
	p2 =	por !p2, p0  }
0x20: {  	[sflag:s8] =	ssyncset.s32 @!p0 $0xFFFFF086;
	s6 =	sadd.s32 @!p0 s3, s7;
	s7 =	simm.s32 @!p0 $0x108  }
0x21: {  	s3 =	sadd.s32 s3, s9;
	s6 =	sadd.s32 @!p0 $0x88, s6;
	s7 =	simm.s32 @p2 $0x1082  }
0x22: {  	[simem:s7], [sflag:s8] =	dma.local @!p0 [hbm:s6], $0xF7A  }
0x23: {  	s9 =	sor.u32 $0xD0000000, s2;
	s6 =	simm.s32 $0x108;
	_ =	swait.ge @!p0 [sflag:s8], $0x0  }
0x24: {  	s3 =	sadd.s32 $0x88, s3;
	s6 =	simm.s32 @!p1 $0x1082;
	[sflag:s4] =	ssyncset.s32 $0xFFFFF086  }
0x25: {  	[simem:s6], [sflag:s4] =	dma.local [hbm:s3], $0xF7A  }
0x26: {  	[smem:$0x3F9B] =	sst s1;
	(tag) =	ssettag s2;
	_ =	strace s9  }
0x27: {  	s1 =	sld [smem:$0x3FAB]  }
0x28: {  	s2 =	sld [smem:$0x3FAC]  }
0x29: {  	s4 =	sld [smem:$0x3FAE]  }
0x2a: {  	p0 =	seq.s32 s5, $0x0;
	s5 =	sld [smem:$0x3FAF]  }
0x2b: {  	s6 =	sld [smem:$0x3FB0]  }
0x2c: {  	s7 =	sld [smem:$0x3FB1]  }
0x2d: {  	s3 =	simm.s32 $0x108;
	s8 =	sld [smem:$0x3FB2]  }
0x2e: {  	s3 =	simm.s32 @!p0 $0x1082;
	s9 =	sld [smem:$0x3FB3]  }
0x2f: {  	lr =	sadd.s32 s0, s3;
	s0 =	sld [smem:$0x3FAA]  }
0x30: {  	s3 =	sld [smem:$0x3FAD]  }
0x31: {  	[smem:$0x3FB6] =	sst s10  }
0x32: {  	s10 =	sld [smem:$0x3FB4];
	_ =	sdelay $0x3  }
0x33: {  	p0 =	seq.s32 s10, $0x1;
	s10 =	sld [smem:$0x3FB6];
	_ =	sdelay $0x3  }
0x34: {  	[smem:$0x3FB6] =	sst s10  }
0x35: {  	s10 =	sld [smem:$0x3FB5];
	_ =	sdelay $0x3  }
0x36: {  	p1 =	seq.s32 s10, $0x1;
	s10 =	sld [smem:$0x3FB6];
	_ =	sdelay $0x3  }
0x37: {  	[smem:$0x3FB6] =	sst s10  }
0x38: {  	s10 =	sld [smem:$0x3FB7]  }
0x39: {  	_ = 	snop;
	(pc) =	sbr.ind lr, $3  }
0x3a: {  	_ = 	snop  }
0x3b: {  	_ = 	snop  }
0x3c: {  	p2 =	seq.s32 s10, $0x1;
	s10 =	sld [smem:$0x3FB6]  }
0x3d: {  	_ =	shalt  }
0x3e: {  	_ =	shalt  }
0x3f: {  	_ =	shalt  }
0x40: {  	_ =	shalt  }
0x41: {  	_ =	shalt  }
0x42: {  	_ =	shalt  }
0x43: {  	_ =	shalt  }
0x44: {  	_ =	shalt  }
0x45: {  	_ =	shalt  }
0x46: {  	_ =	shalt  }
0x47: {  	_ =	shalt  }
0x48: {  	_ =	shalt  }
0x49: {  	_ =	shalt  }
0x4a: {  	_ =	shalt  }
0x4b: {  	_ =	shalt  }
0x4c: {  	_ =	shalt  }
0x4d: {  	_ =	shalt  }
0x4e: {  	_ =	shalt  }
0x4f: {  	_ =	shalt  }
0x50: {  	_ =	shalt  }
0x51: {  	_ =	shalt  }
0x52: {  	_ =	shalt  }
0x53: {  	_ =	shalt  }
0x54: {  	_ =	shalt  }
0x55: {  	_ =	shalt  }
0x56: {  	_ =	shalt  }
0x57: {  	_ =	shalt  }
0x58: {  	_ =	shalt  }
0x59: {  	_ =	shalt  }
0x5a: {  	_ =	shalt  }
0x5b: {  	_ =	shalt  }
0x5c: {  	_ =	shalt  }
0x5d: {  	_ =	shalt  }
0x5e: {  	_ =	shalt  }
0x5f: {  	_ =	shalt  }
0x60: {  	_ =	shalt  }
0x61: {  	_ =	shalt  }
0x62: {  	_ =	shalt  }
0x63: {  	_ =	shalt  }
0x64: {  	_ =	shalt  }
0x65: {  	_ =	shalt  }
0x66: {  	_ =	shalt  }
0x67: {  	_ =	shalt  }
0x68: {  	_ =	shalt  }
0x69: {  	_ =	shalt  }
0x6a: {  	_ =	shalt  }
0x6b: {  	_ =	shalt  }
0x6c: {  	_ =	shalt  }
0x6d: {  	_ =	shalt  }
0x6e: {  	_ =	shalt  }
0x6f: {  	_ =	shalt  }
0x70: {  	_ =	shalt  }
0x71: {  	_ =	shalt  }
0x72: {  	_ =	shalt  }
0x73: {  	_ =	shalt  }
0x74: {  	_ =	shalt  }
0x75: {  	_ =	shalt  }
0x76: {  	_ =	shalt  }
0x77: {  	_ =	shalt  }
0x78: {  	_ =	shalt  }
0x79: {  	_ =	shalt  }
0x7a: {  	_ =	shalt  }
0x7b: {  	_ =	shalt  }
0x7c: {  	_ =	shalt  }
0x7d: {  	_ =	shalt  }
0x7e: {  	_ =	shalt  }
0x7f: {  	_ =	shalt  }
0x80: {  	_ =	shalt  }
0x81: {  	_ =	shalt  }
0x82: {  	_ =	shalt  }
0x83: {  	_ =	shalt  }
0x84: {  	_ =	shalt  }
0x85: {  	_ =	shalt  }
0x86: {  	_ =	shalt  }
0x87: {  	_ =	shalt  }
.Lfunc_end0:
.L_simem_size_0:
called_computation.2_lowered:
.L_overlay_start_0:
0x88: {  	s2 =	sld [smem:$0x3FD9]  }
0x89: {  	s3 =	sld [smem:$0x3FFE];
	_ =	sdelay $0x1  }
0x8a: {  	s1 =	srdreg.scid  }
0x8b: {  	s0 =	sand.u32 $0x1, s1  }
0x8c: {  	s17 =	sshll.u32 s0, $0xA;
	s2 =	sadd.s32 s3, s2  }
0x8d: {  	s2 =	sadd.s32 s2, s17  }
0x8e: {  	[smem:$0x3FC2] =	sst s2  }
0x8f: {  	_ = 	snop  }
0x90: {  	s2 =	sld [smem:$0x3FD0];
	(tm) =	ssettm $0x1  }
0x91: {  	s18 =	sld [smem:$0x3FFB];
	_ =	sdelay $0x3  }
0x92: {  	_ =	strace s18  }
0x93: {  	s3 =	sld [smem:$0x3FFC];
	_ =	sdelay $0x3  }
0x94: {  	_ =	strace s3  }
0x95: {  	s3 =	sld [smem:$0x3FFD];
	_ =	sdelay $0x3  }
0x96: {  	_ =	strace s3  }
0x97: {  	_ =	strace $0x8FFFFFFF  }
0x98: {  	s19 =	sld [smem:$0x3FDB];
	_ =	sdelay $0x1  }
0x99: {  	s4 =	simm.s32 $_scs_section_size  }
0x9a: {  	s5 =	simm.s32 $_size__tile_overlayer_lowered;
	s6 =	simm.s32 $_tile_overlayer_lowered  }
0x9b: {  	s22 =	simm.s32 $0x1BFF;
	s21 =	sshll.u32 s6, $0x1;
	s3 =	sadd.s32 s4, s19  }
0x9c: {  	s7 =	simm.s32 $0x0;
	s20 =	sshll.u32 s5, $0x1;
	s5 =	sadd.s32 s21, s3  }
0x9d: {  	[timem:s7], [sflag:s22] =	dma.local [hbm:s5], s20  }
0x9e: {  	_ =	swait.ge [sflag:s22], s20  }
0x9f: {  	s4 =	ssub.s32 $0x0, s20;
	[sflag:s22] =	ssyncset.done $0x0  }
0xa0: {  	[sflag:s22] =	ssyncadd.s32 s4;
	_ =	sdelay $0x1  }
0xa1: {  	s23 =	simm.s32 $0x1B8B  }
0xa2: {  	_ =	swait.ge [sflag:s23], $0x1  }
0xa3: {  	[sflag:s23] =	ssyncset.done $0x0  }
0xa4: {  	s25 =	simm.s32 $0x1B8E;
	s24 =	sld [smem:$0x3FFE];
	[sflag:s23] =	ssyncadd.s32 $0xFFFFFFFF  }
0xa5: {  	s26 =	simm.s32 $execute0_lowered;
	[smem:$0x3FD2] =	sst s25  }
0xa6: {  	s5 =	sshll.u32 s26, $0x1;
	_ =	strace $0x8000004C;
	[dreg:$0x1] =	wrdreg $0xFFFFFFFF  }
0xa7: {  	s28 =	simm.s32 $_size_execute0_lowered;
	s3 =	sadd.s32 s3, s5;
	[dreg:$0x0] =	wrdreg $0x0  }
0xa8: {  	s5 =	sshll.u32 s28, $0x1;
	[dreg:$0x2] =	wrdreg s3  }
0xa9: {  	[dreg:$0x3] =	wrdreg s5  }
0xaa: {  	[dreg:$0x4] =	wrdreg $0xC0  }
0xab: {  	_ =	task [dreg:s7], $0x5FFFF  }
0xac: {  	[dreg:$0x1] =	wrdreg $0xFFFFFFFF  }
0xad: {  	[dreg:$0x0] =	wrdreg $0x60  }
0xae: {  	[dreg:$0x2] =	wrdreg s2  }
0xaf: {  	[dreg:$0x3] =	wrdreg s24  }
0xb0: {  	[dreg:$0x4] =	wrdreg $0xA4000  }
0xb1: {  	[dreg:$0x5] =	wrdreg $0x9  }
0xb2: {  	_ =	task.clear_ibuf [dreg:s7], $0x6FFFF;
	_ =	strace $0x9000004C  }
0xb3: {  	s29 =	simm.s32 $0x9;
	_ =	strace $0x8000004E  }
0xb4: {  	_ =	swait.ge [sflag:s29], $0x1  }
0xb5: {  	[sflag:s29] =	ssyncadd.s32 $0xFFFFFFFF  }
0xb6: {  	_ =	strace $0x9000004E  }
0xb7: {  	_ =	sfence  }
0xb8: {  	s30 =	sld [smem:$0x0];
	_ =	sdelay $0x2  }
0xb9: {  	s31 =	sshll.u32 s1, $0xD;
	s1 =	sshrl.u32 s1, $0x2  }
0xba: {  	s3 =	sand.u32 $0x4000, s31;
	s1 =	sadd.s32 s1, s30  }
0xbb: {  	s0 =	sor.u32 s3, s0;
	s1 =	sshll.u32 s1, $0x11  }
0xbc: {  	s0 =	sor.u32 s1, s0  }
0xbd: {  	s0 =	sadd.s32 $0x8F2B, s0  }
0xbe: {  	[sflag:s0] =	ssyncadd.remote.s32 $0x1  }
0xbf: {  	_ =	sfence.sel $0xFFFF  }
0xc0: {  	[dreg:$0x0] =	wrdreg $0xFFFFFFFF;
	(pc) =	sbr.abs _section_cstart, $3  }
0xc1: {  	[dreg:$0x1] =	wrdreg $0xFFFFFFFF  }
0xc2: {  	_ =	task.clear_ibuf [dreg:s7], $0x2FFFF;
	_ =	strace $0x9FFFFFFF  }
0xc3: {  	(tm) =	ssettm $0x7FFFFFFF  }
tec
execute0_lowered:
.L_overlay_start_1:
0x0: {  	(tag) =	ssettag $0x1  }
0x1: {  	s0 =	srdreg.scid;
	s1 =	rddreg [dreg:$0x0]  }
0x2: {  	s5 =	stileid.u32;
	s4 =	rddreg [dreg:$0x1]  }
0x3: {  	s3 =	rddreg [dreg:$0x2];
	s8 =	simm.s32 $0x0;
	s13 =	simm.s32 $0x3  }
0x4: {  	s14 =	simm.s32 $0x1;
	s15 =	simm.s32 $0x2;
	s16 =	simm.s32 $0x4  }
0x5: {  	s17 =	simm.s32 $0x200;
	s18 =	simm.s32 $0x5000;
	s19 =	simm.s32 $0x6000  }
0x6: {  	s21 =	simm.s32 $0x7000;
	s23 =	simm.s32 $0x8000;
	s24 =	simm.s32 $0x80  }
0x7: {  	s29 =	simm.s32 $0x5800;
	s31 =	simm.s32 $0x5C00;
	s20 =	simm.s32 $0x6400  }
0x8: {  	s25 =	simm.s32 $0x6800;
	s30 =	simm.s32 $0x6C00;
	s22 =	simm.s32 $0x7400  }
0x9: {  	s28 =	simm.s32 $0x7C00;
	s12 =	simm.s32 $0x0;
	s0 =	sand.u32 $0x1, s0  }
0xa: {  	[smem:$0x7FF] =	sst s8;
	s7 =	sadd.s32 $0x1600, s4;
	s2 =	sshll.u32 s0, $0x4  }
0xb: {  	s6 =	smul.u32 $0x14000, s0;
	_ =	strace $0x8000004D;
	[dreg:$0x4] =	wrdreg s7  }
0xc: {  	s0 =	ssub.s32 $0x2, s0;
	s7 =	simm.s32 $0x6;
	[dreg:$0xa] =	wrdreg s12  }
0xd: {  	s2 =	sor.u32 s5, s2;
	s5 =	smul.u32 $0x1400, s5;
	s26 =	sshrl.u32 s0, $0x1  }
0xe: {  	s2 =	smul.u32 $0x500, s2;
	s0 =	ssub.s32 s0, s26;
	s26 =	simm.s32 $0x5400  }
0xf: {  	s6 =	sadd.s32 s5, s6;
	s10 =	sadd.s32 s5, s3;
	s0 =	smax.u32 s0, $0x1  }
0x10: {  	s5 =	simm.s32 $0x8800;
	s2 =	sadd.s32 s2, s4;
	[dreg:$0x7] =	wrdreg s10  }
0x11: {  	s6 =	sshrl.u32 s6, $0x3;
	[dreg:$0x9] =	wrdreg s0;
	s0 =	simm.s32 $0x8400  }
0x12: {  	s10 =	simm.s32 $0x8;
	s4 =	sadd.s32 s6, s4;
	s9 =	sadd.s32 $0x15C00, s2  }
0x13: {  	s2 =	sadd.s32 $0xBC00, s2;
	s6 =	simm.s32 $0x5;
	[dreg:$0x5] =	wrdreg s9  }
0x14: {  	[dreg:$0x6] =	wrdreg s2;
	s11 =	sadd.s32 $0x3E00, s4;
	s2 =	simm.s32 $0x7800  }
0x15: {  	s9 =	simm.s32 $0x7;
	[dreg:$0x8] =	wrdreg s11;
	s11 =	simm.s32 $0x8C00  }
.LBB2_1:
0x16: {  	s4 =	rddreg [dreg:$0x5]  }
0x17: {  	[tilespmem:s8], [sflag:$0x1] =	stream.linear.gather [hbm4b:s4+s8], $0x2800, $0x38;
	[tilespmem:$0xB800] =	vst v63  }
0x18: {  	s12 =	simm.s32 $0x2800;
	s4 =	rddreg [dreg:$0x6]  }
0x19: {  	[tilespmem:s12], [sflag:$0x2] =	stream.linear.gather [hbm4b:s4+s8], $0x2800, $0x38;
	[tilespmem:$0xB800] =	vst v63  }
0x1a: {  	s4 =	rddreg [dreg:$0x4];
	s12 =	simm.s32 $0x9000  }
0x1b: {  	[tilespmem:s12], [sflag:$0x3] =	stream.linear.gather [hbm4b:s4+s8], $0x1400, $0x38;
	[tilespmem:$0xB800] =	vst v63  }
0x1c: {  	_ =	swait.ge [sflag:s13], $0x1400  }
0x1d: {  	[sflag:s13] =	ssyncset.done $0x0  }
0x1e: {  	s12 =	simm.s32 $0x9000;
	s4 =	rddreg [dreg:$0x7];
	[sflag:s13] =	ssyncadd.s32 $0xFFFFEC00  }
0x1f: {  	[spmem:s4] =	stream.linear.scatter [tilespmem:s12], [sflag:$0x4], $0x1400, $0x38;
	[tilespmem:$0xB800] =	vst v63  }
0x20: {  	_ =	swait.ge [sflag:s14], $0x2800  }
0x21: {  	[sflag:s14] =	ssyncset.done $0x0  }
0x22: {  	[sflag:s14] =	ssyncadd.s32 $0xFFFFD800  }
0x23: {  	_ =	swait.ge [sflag:s15], $0x2800  }
0x24: {  	[sflag:s15] =	ssyncset.done $0x0  }
0x25: {  	[sflag:s15] =	ssyncadd.s32 $0xFFFFD800  }
0x26: {  	_ =	swait.ge [sflag:s16], $0x1400  }
0x27: {  	[sflag:s16] =	ssyncset.done $0x0  }
0x28: {  	[sflag:s16] =	ssyncadd.s32 $0xFFFFEC00  }
0x29: {  	[bflag:$0x0] =	sbarrier.arrive $0xFFFF  }
0x2a: {  	[tilespmem:s18], [sflag:$0x1] =	stream.indirect.gather [hbm4b:s1+s17], $0x8, s8, s17, $0xb8;
	[tilespmem:$0xB800] =	vst v63  }
0x2b: {  	_ = 	snop  }
0x2c: {  	[tilespmem:s19], [sflag:$0x2] =	stream.indirect.gather [hbm4b:s1+s17], $0x8, s17, s17, $0xb8;
	[tilespmem:$0xB800] =	vst v63  }
0x2d: {  	s12 =	simm.s32 $0x400  }
0x2e: {  	[tilespmem:s21], [sflag:$0x3] =	stream.indirect.gather [hbm4b:s1+s17], $0x8, s12, s17, $0xb8;
	[tilespmem:$0xB800] =	vst v63  }
0x2f: {  	s8 =	simm.s32 $0x600  }
0x30: {  	[tilespmem:s23], [sflag:$0x4] =	stream.indirect.gather [hbm4b:s1+s17], $0x8, s8, s17, $0xb8;
	[tilespmem:$0xB800] =	vst v63  }
0x31: {  	_ =	swait.ge [sflag:s14], $0x1000  }
0x32: {  	[sflag:s14] =	ssyncset.done $0x0  }
0x33: {  	s12 =	simm.s32 $0x2800;
	[sflag:s14] =	ssyncadd.s32 $0xFFFFF000  }
0x34: {  	[spmem:s3] =	stream.indirect.scatter.add.f32 [tilespmem:s18], [sflag:$0x5], $0x8, s12, s24, $0xb8;
	[tilespmem:$0xB800] =	vst v63  }
0x35: {  	s8 =	simm.s32 $0x2880  }
0x36: {  	[spmem:s3] =	stream.indirect.scatter.add.f32 [tilespmem:s26], [sflag:$0x5], $0x8, s8, s24, $0xb8;
	[tilespmem:$0xB800] =	vst v63  }
0x37: {  	s12 =	simm.s32 $0x2900  }
0x38: {  	[spmem:s3] =	stream.indirect.scatter.add.f32 [tilespmem:s29], [sflag:$0x5], $0x8, s12, s24, $0xb8;
	[tilespmem:$0xB800] =	vst v63  }
0x39: {  	s8 =	simm.s32 $0x2980  }
0x3a: {  	[spmem:s3] =	stream.indirect.scatter.add.f32 [tilespmem:s31], [sflag:$0x5], $0x8, s8, s24, $0xb8;
	[tilespmem:$0xB800] =	vst v63  }
0x3b: {  	_ =	swait.ge [sflag:s15], $0x1000  }
0x3c: {  	[sflag:s15] =	ssyncset.done $0x0  }
0x3d: {  	s12 =	simm.s32 $0x2A00;
	[sflag:s15] =	ssyncadd.s32 $0xFFFFF000  }
0x3e: {  	[spmem:s3] =	stream.indirect.scatter.add.f32 [tilespmem:s19], [sflag:$0x6], $0x8, s12, s24, $0xb8;
	[tilespmem:$0xB800] =	vst v63  }
0x3f: {  	s8 =	simm.s32 $0x2A80  }
0x40: {  	[spmem:s3] =	stream.indirect.scatter.add.f32 [tilespmem:s20], [sflag:$0x6], $0x8, s8, s24, $0xb8;
	[tilespmem:$0xB800] =	vst v63  }
0x41: {  	s12 =	simm.s32 $0x2B00  }
0x42: {  	[spmem:s3] =	stream.indirect.scatter.add.f32 [tilespmem:s25], [sflag:$0x6], $0x8, s12, s24, $0xb8;
	[tilespmem:$0xB800] =	vst v63  }
0x43: {  	s8 =	simm.s32 $0x2B80  }
0x44: {  	[spmem:s3] =	stream.indirect.scatter.add.f32 [tilespmem:s30], [sflag:$0x6], $0x8, s8, s24, $0xb8;
	[tilespmem:$0xB800] =	vst v63  }
0x45: {  	_ =	swait.ge [sflag:s13], $0x1000  }
0x46: {  	[sflag:s13] =	ssyncset.done $0x0  }
0x47: {  	s12 =	simm.s32 $0x2C00;
	[sflag:s13] =	ssyncadd.s32 $0xFFFFF000  }
0x48: {  	[spmem:s3] =	stream.indirect.scatter.add.f32 [tilespmem:s21], [sflag:$0x7], $0x8, s12, s24, $0xb8;
	[tilespmem:$0xB800] =	vst v63  }
0x49: {  	s8 =	simm.s32 $0x2C80  }
0x4a: {  	[spmem:s3] =	stream.indirect.scatter.add.f32 [tilespmem:s22], [sflag:$0x7], $0x8, s8, s24, $0xb8;
	[tilespmem:$0xB800] =	vst v63  }
0x4b: {  	s12 =	simm.s32 $0x2D00  }
0x4c: {  	[spmem:s3] =	stream.indirect.scatter.add.f32 [tilespmem:s2], [sflag:$0x7], $0x8, s12, s24, $0xb8;
	[tilespmem:$0xB800] =	vst v63  }
0x4d: {  	s8 =	simm.s32 $0x2D80  }
0x4e: {  	[spmem:s3] =	stream.indirect.scatter.add.f32 [tilespmem:s28], [sflag:$0x7], $0x8, s8, s24, $0xb8;
	[tilespmem:$0xB800] =	vst v63  }
0x4f: {  	_ =	swait.ge [sflag:s16], $0x1000  }
0x50: {  	[sflag:s16] =	ssyncset.done $0x0  }
0x51: {  	s12 =	simm.s32 $0x2E00;
	[sflag:s16] =	ssyncadd.s32 $0xFFFFF000  }
0x52: {  	[spmem:s3] =	stream.indirect.scatter.add.f32 [tilespmem:s23], [sflag:$0x8], $0x8, s12, s24, $0xb8;
	[tilespmem:$0xB800] =	vst v63  }
0x53: {  	s8 =	simm.s32 $0x2E80  }
0x54: {  	[spmem:s3] =	stream.indirect.scatter.add.f32 [tilespmem:s0], [sflag:$0x8], $0x8, s8, s24, $0xb8;
	[tilespmem:$0xB800] =	vst v63  }
0x55: {  	s12 =	simm.s32 $0x2F00  }
0x56: {  	[spmem:s3] =	stream.indirect.scatter.add.f32 [tilespmem:s5], [sflag:$0x8], $0x8, s12, s24, $0xb8;
	[tilespmem:$0xB800] =	vst v63  }
0x57: {  	s8 =	simm.s32 $0x2F80  }
0x58: {  	[spmem:s3] =	stream.indirect.scatter.add.f32 [tilespmem:s11], [sflag:$0x8], $0x8, s8, s24, $0xb8;
	[tilespmem:$0xB800] =	vst v63  }
0x59: {  	_ =	swait.ge [sflag:s6], $0x1000  }
0x5a: {  	[sflag:s6] =	ssyncset.done $0x0  }
0x5b: {  	s12 =	simm.s32 $0x800;
	[sflag:s6] =	ssyncadd.s32 $0xFFFFF000  }
0x5c: {  	[tilespmem:s18], [sflag:$0x1] =	stream.indirect.gather [hbm4b:s1+s17], $0x8, s12, s17, $0xb8;
	[tilespmem:$0xB800] =	vst v63  }
0x5d: {  	_ =	swait.ge [sflag:s7], $0x1000  }
0x5e: {  	[sflag:s7] =	ssyncset.done $0x0  }
0x5f: {  	s8 =	simm.s32 $0xA00;
	[sflag:s7] =	ssyncadd.s32 $0xFFFFF000  }
0x60: {  	[tilespmem:s19], [sflag:$0x2] =	stream.indirect.gather [hbm4b:s1+s17], $0x8, s8, s17, $0xb8;
	[tilespmem:$0xB800] =	vst v63  }
0x61: {  	_ =	swait.ge [sflag:s9], $0x1000  }
0x62: {  	[sflag:s9] =	ssyncset.done $0x0  }
0x63: {  	s12 =	simm.s32 $0xC00;
	[sflag:s9] =	ssyncadd.s32 $0xFFFFF000  }
0x64: {  	[tilespmem:s21], [sflag:$0x3] =	stream.indirect.gather [hbm4b:s1+s17], $0x8, s12, s17, $0xb8;
	[tilespmem:$0xB800] =	vst v63  }
0x65: {  	_ =	swait.ge [sflag:s10], $0x1000  }
0x66: {  	[sflag:s10] =	ssyncset.done $0x0  }
0x67: {  	s8 =	simm.s32 $0xE00;
	[sflag:s10] =	ssyncadd.s32 $0xFFFFF000  }
0x68: {  	[tilespmem:s23], [sflag:$0x4] =	stream.indirect.gather [hbm4b:s1+s17], $0x8, s8, s17, $0xb8;
	[tilespmem:$0xB800] =	vst v63  }
0x69: {  	_ =	swait.ge [sflag:s14], $0x1000  }
0x6a: {  	[sflag:s14] =	ssyncset.done $0x0  }
0x6b: {  	s12 =	simm.s32 $0x3000;
	[sflag:s14] =	ssyncadd.s32 $0xFFFFF000  }
0x6c: {  	[spmem:s3] =	stream.indirect.scatter.add.f32 [tilespmem:s18], [sflag:$0x5], $0x8, s12, s24, $0xb8;
	[tilespmem:$0xB800] =	vst v63  }
0x6d: {  	s8 =	simm.s32 $0x3080  }
0x6e: {  	[spmem:s3] =	stream.indirect.scatter.add.f32 [tilespmem:s26], [sflag:$0x5], $0x8, s8, s24, $0xb8;
	[tilespmem:$0xB800] =	vst v63  }
0x6f: {  	s12 =	simm.s32 $0x3100  }
0x70: {  	[spmem:s3] =	stream.indirect.scatter.add.f32 [tilespmem:s29], [sflag:$0x5], $0x8, s12, s24, $0xb8;
	[tilespmem:$0xB800] =	vst v63  }
0x71: {  	s8 =	simm.s32 $0x3180  }
0x72: {  	[spmem:s3] =	stream.indirect.scatter.add.f32 [tilespmem:s31], [sflag:$0x5], $0x8, s8, s24, $0xb8;
	[tilespmem:$0xB800] =	vst v63  }
0x73: {  	_ =	swait.ge [sflag:s15], $0x1000  }
0x74: {  	[sflag:s15] =	ssyncset.done $0x0  }
0x75: {  	s12 =	simm.s32 $0x3200;
	[sflag:s15] =	ssyncadd.s32 $0xFFFFF000  }
0x76: {  	[spmem:s3] =	stream.indirect.scatter.add.f32 [tilespmem:s19], [sflag:$0x6], $0x8, s12, s24, $0xb8;
	[tilespmem:$0xB800] =	vst v63  }
0x77: {  	s8 =	simm.s32 $0x3280  }
0x78: {  	[spmem:s3] =	stream.indirect.scatter.add.f32 [tilespmem:s20], [sflag:$0x6], $0x8, s8, s24, $0xb8;
	[tilespmem:$0xB800] =	vst v63  }
0x79: {  	s12 =	simm.s32 $0x3300  }
0x7a: {  	[spmem:s3] =	stream.indirect.scatter.add.f32 [tilespmem:s25], [sflag:$0x6], $0x8, s12, s24, $0xb8;
	[tilespmem:$0xB800] =	vst v63  }
0x7b: {  	s8 =	simm.s32 $0x3380  }
0x7c: {  	[spmem:s3] =	stream.indirect.scatter.add.f32 [tilespmem:s30], [sflag:$0x6], $0x8, s8, s24, $0xb8;
	[tilespmem:$0xB800] =	vst v63  }
0x7d: {  	_ =	swait.ge [sflag:s13], $0x1000  }
0x7e: {  	[sflag:s13] =	ssyncset.done $0x0  }
0x7f: {  	s12 =	simm.s32 $0x3400;
	[sflag:s13] =	ssyncadd.s32 $0xFFFFF000  }
0x80: {  	[spmem:s3] =	stream.indirect.scatter.add.f32 [tilespmem:s21], [sflag:$0x7], $0x8, s12, s24, $0xb8;
	[tilespmem:$0xB800] =	vst v63  }
0x81: {  	s8 =	simm.s32 $0x3480  }
0x82: {  	[spmem:s3] =	stream.indirect.scatter.add.f32 [tilespmem:s22], [sflag:$0x7], $0x8, s8, s24, $0xb8;
	[tilespmem:$0xB800] =	vst v63  }
0x83: {  	s12 =	simm.s32 $0x3500  }
0x84: {  	[spmem:s3] =	stream.indirect.scatter.add.f32 [tilespmem:s2], [sflag:$0x7], $0x8, s12, s24, $0xb8;
	[tilespmem:$0xB800] =	vst v63  }
0x85: {  	s8 =	simm.s32 $0x3580  }
0x86: {  	[spmem:s3] =	stream.indirect.scatter.add.f32 [tilespmem:s28], [sflag:$0x7], $0x8, s8, s24, $0xb8;
	[tilespmem:$0xB800] =	vst v63  }
0x87: {  	_ =	swait.ge [sflag:s16], $0x1000  }
0x88: {  	[sflag:s16] =	ssyncset.done $0x0  }
0x89: {  	s12 =	simm.s32 $0x3600;
	[sflag:s16] =	ssyncadd.s32 $0xFFFFF000  }
0x8a: {  	[spmem:s3] =	stream.indirect.scatter.add.f32 [tilespmem:s23], [sflag:$0x8], $0x8, s12, s24, $0xb8;
	[tilespmem:$0xB800] =	vst v63  }
0x8b: {  	s8 =	simm.s32 $0x3680  }
0x8c: {  	[spmem:s3] =	stream.indirect.scatter.add.f32 [tilespmem:s0], [sflag:$0x8], $0x8, s8, s24, $0xb8;
	[tilespmem:$0xB800] =	vst v63  }
0x8d: {  	s4 =	simm.s32 $0x2000;
	s12 =	simm.s32 $0x3700;
	s8 =	simm.s32 $0x3780  }
0x8e: {  	[spmem:s3] =	stream.indirect.scatter.add.f32 [tilespmem:s5], [sflag:$0x8], $0x8, s12, s24, $0xb8;
	[tilespmem:$0xB800] =	vst v63  }
.LBB2_2:
0x8f: {  	[spmem:s3] =	stream.indirect.scatter.add.f32 [tilespmem:s11], [sflag:$0x8], $0x8, s8, s24, $0xb8;
	[tilespmem:$0xB800] =	vst v63  }
0x90: {  	s8 =	smov.u32 s4  }
0x91: {  	p0 =	sne.s32 s4, $0x6000;
	s4 =	sadd.s32 $0x2000, s4;
	_ =	swait.ge [sflag:s6], $0x1000  }
0x92: {  	s8 =	sshra.s32 s8, $0x2;
	[sflag:s6] =	ssyncset.done $0x0  }
0x93: {  	s12 =	sadd.s32 $0x800, s8;
	[sflag:s6] =	ssyncadd.s32 $0xFFFFF000  }
0x94: {  	[tilespmem:s18], [sflag:$0x1] =	stream.indirect.gather [hbm4b:s1+s17], $0x8, s12, s17, $0xb8;
	[tilespmem:$0xB800] =	vst v63  }
0x95: {  	_ =	swait.ge [sflag:s7], $0x1000  }
0x96: {  	[sflag:s7] =	ssyncset.done $0x0  }
0x97: {  	s12 =	sadd.s32 $0xA00, s8;
	[sflag:s7] =	ssyncadd.s32 $0xFFFFF000  }
0x98: {  	[tilespmem:s19], [sflag:$0x2] =	stream.indirect.gather [hbm4b:s1+s17], $0x8, s12, s17, $0xb8;
	[tilespmem:$0xB800] =	vst v63  }
0x99: {  	_ =	swait.ge [sflag:s9], $0x1000  }
0x9a: {  	[sflag:s9] =	ssyncset.done $0x0  }
0x9b: {  	s12 =	sadd.s32 $0xC00, s8;
	[sflag:s9] =	ssyncadd.s32 $0xFFFFF000  }
0x9c: {  	[tilespmem:s21], [sflag:$0x3] =	stream.indirect.gather [hbm4b:s1+s17], $0x8, s12, s17, $0xb8;
	[tilespmem:$0xB800] =	vst v63  }
0x9d: {  	_ =	swait.ge [sflag:s10], $0x1000  }
0x9e: {  	[sflag:s10] =	ssyncset.done $0x0  }
0x9f: {  	s12 =	sadd.s32 $0xE00, s8;
	[sflag:s10] =	ssyncadd.s32 $0xFFFFF000  }
0xa0: {  	[tilespmem:s23], [sflag:$0x4] =	stream.indirect.gather [hbm4b:s1+s17], $0x8, s12, s17, $0xb8;
	[tilespmem:$0xB800] =	vst v63  }
0xa1: {  	_ =	swait.ge [sflag:s14], $0x1000  }
0xa2: {  	[sflag:s14] =	ssyncset.done $0x0  }
0xa3: {  	s12 =	sadd.s32 $0x3000, s8;
	[sflag:s14] =	ssyncadd.s32 $0xFFFFF000  }
0xa4: {  	[spmem:s3] =	stream.indirect.scatter.add.f32 [tilespmem:s18], [sflag:$0x5], $0x8, s12, s24, $0xb8;
	[tilespmem:$0xB800] =	vst v63  }
0xa5: {  	s12 =	sadd.s32 $0x3080, s8  }
0xa6: {  	[spmem:s3] =	stream.indirect.scatter.add.f32 [tilespmem:s26], [sflag:$0x5], $0x8, s12, s24, $0xb8;
	[tilespmem:$0xB800] =	vst v63  }
0xa7: {  	s12 =	sadd.s32 $0x3100, s8  }
0xa8: {  	[spmem:s3] =	stream.indirect.scatter.add.f32 [tilespmem:s29], [sflag:$0x5], $0x8, s12, s24, $0xb8;
	[tilespmem:$0xB800] =	vst v63  }
0xa9: {  	s12 =	sadd.s32 $0x3180, s8  }
0xaa: {  	[spmem:s3] =	stream.indirect.scatter.add.f32 [tilespmem:s31], [sflag:$0x5], $0x8, s12, s24, $0xb8;
	[tilespmem:$0xB800] =	vst v63  }
0xab: {  	_ =	swait.ge [sflag:s15], $0x1000  }
0xac: {  	[sflag:s15] =	ssyncset.done $0x0  }
0xad: {  	s12 =	sadd.s32 $0x3200, s8;
	[sflag:s15] =	ssyncadd.s32 $0xFFFFF000  }
0xae: {  	[spmem:s3] =	stream.indirect.scatter.add.f32 [tilespmem:s19], [sflag:$0x6], $0x8, s12, s24, $0xb8;
	[tilespmem:$0xB800] =	vst v63  }
0xaf: {  	s12 =	sadd.s32 $0x3280, s8  }
0xb0: {  	[spmem:s3] =	stream.indirect.scatter.add.f32 [tilespmem:s20], [sflag:$0x6], $0x8, s12, s24, $0xb8;
	[tilespmem:$0xB800] =	vst v63  }
0xb1: {  	s12 =	sadd.s32 $0x3300, s8  }
0xb2: {  	[spmem:s3] =	stream.indirect.scatter.add.f32 [tilespmem:s25], [sflag:$0x6], $0x8, s12, s24, $0xb8;
	[tilespmem:$0xB800] =	vst v63  }
0xb3: {  	s12 =	sadd.s32 $0x3380, s8  }
0xb4: {  	[spmem:s3] =	stream.indirect.scatter.add.f32 [tilespmem:s30], [sflag:$0x6], $0x8, s12, s24, $0xb8;
	[tilespmem:$0xB800] =	vst v63  }
0xb5: {  	_ =	swait.ge [sflag:s13], $0x1000  }
0xb6: {  	[sflag:s13] =	ssyncset.done $0x0  }
0xb7: {  	s12 =	sadd.s32 $0x3400, s8;
	[sflag:s13] =	ssyncadd.s32 $0xFFFFF000  }
0xb8: {  	[spmem:s3] =	stream.indirect.scatter.add.f32 [tilespmem:s21], [sflag:$0x7], $0x8, s12, s24, $0xb8;
	[tilespmem:$0xB800] =	vst v63  }
0xb9: {  	s12 =	sadd.s32 $0x3480, s8  }
0xba: {  	[spmem:s3] =	stream.indirect.scatter.add.f32 [tilespmem:s22], [sflag:$0x7], $0x8, s12, s24, $0xb8;
	[tilespmem:$0xB800] =	vst v63  }
0xbb: {  	s12 =	sadd.s32 $0x3500, s8  }
0xbc: {  	[spmem:s3] =	stream.indirect.scatter.add.f32 [tilespmem:s2], [sflag:$0x7], $0x8, s12, s24, $0xb8;
	[tilespmem:$0xB800] =	vst v63  }
0xbd: {  	s12 =	sadd.s32 $0x3580, s8  }
0xbe: {  	[spmem:s3] =	stream.indirect.scatter.add.f32 [tilespmem:s28], [sflag:$0x7], $0x8, s12, s24, $0xb8;
	[tilespmem:$0xB800] =	vst v63  }
0xbf: {  	_ =	swait.ge [sflag:s16], $0x1000  }
0xc0: {  	[sflag:s16] =	ssyncset.done $0x0  }
0xc1: {  	s12 =	sadd.s32 $0x3600, s8;
	[sflag:s16] =	ssyncadd.s32 $0xFFFFF000  }
0xc2: {  	[spmem:s3] =	stream.indirect.scatter.add.f32 [tilespmem:s23], [sflag:$0x8], $0x8, s12, s24, $0xb8;
	[tilespmem:$0xB800] =	vst v63  }
.Ltmp0:
0xc3: {  	s12 =	sadd.s32 $0x3680, s8;
	(pc) =	sbr.rel @p0 .LBB2_2-.Ltmp0, $4  }
0xc4: {  	[spmem:s3] =	stream.indirect.scatter.add.f32 [tilespmem:s0], [sflag:$0x8], $0x8, s12, s24, $0xb8;
	[tilespmem:$0xB800] =	vst v63  }
0xc5: {  	s12 =	sadd.s32 $0x3700, s8  }
0xc6: {  	[spmem:s3] =	stream.indirect.scatter.add.f32 [tilespmem:s5], [sflag:$0x8], $0x8, s12, s24, $0xb8;
	[tilespmem:$0xB800] =	vst v63  }
0xc7: {  	s8 =	sadd.s32 $0x3780, s8  }
0xc8: {  	[spmem:s3] =	stream.indirect.scatter.add.f32 [tilespmem:s11], [sflag:$0x8], $0x8, s8, s24, $0xb8;
	[tilespmem:$0xB800] =	vst v63  }
0xc9: {  	_ =	swait.ge [sflag:s6], $0x1000  }
0xca: {  	[sflag:s6] =	ssyncset.done $0x0  }
0xcb: {  	[sflag:s6] =	ssyncadd.s32 $0xFFFFF000  }
0xcc: {  	_ =	swait.ge [sflag:s7], $0x1000  }
0xcd: {  	[sflag:s7] =	ssyncset.done $0x0  }
0xce: {  	[sflag:s7] =	ssyncadd.s32 $0xFFFFF000  }
0xcf: {  	_ =	swait.ge [sflag:s9], $0x1000  }
0xd0: {  	[sflag:s9] =	ssyncset.done $0x0  }
0xd1: {  	[sflag:s9] =	ssyncadd.s32 $0xFFFFF000  }
0xd2: {  	_ =	swait.ge [sflag:s10], $0x1000  }
0xd3: {  	[sflag:s10] =	ssyncset.done $0x0  }
0xd4: {  	[sflag:s10] =	ssyncadd.s32 $0xFFFFF000  }
0xd5: {  	[bflag:$0x0] =	sbarrier.arrive $0xFFFF  }
0xd6: {  	s12 =	simm.s32 $0x9000;
	s4 =	rddreg [dreg:$0x7]  }
0xd7: {  	[tilespmem:s12], [sflag:$0x9] =	stream.linear.gather [spmem:s4], $0x1400, $0x38;
	[tilespmem:$0xB800] =	vst v63  }
0xd8: {  	s12 =	simm.s32 $0x9  }
0xd9: {  	_ =	swait.ge [sflag:s12], $0x1400  }
0xda: {  	s8 =	simm.s32 $0x9000;
	[sflag:s12] =	ssyncset.done $0x0  }
0xdb: {  	s4 =	rddreg [dreg:$0x8];
	[sflag:s12] =	ssyncadd.s32 $0xFFFFEC00;
	s12 =	simm.s32 $0x0  }
0xdc: {  	[hbm4b:s4+s12] =	stream.linear.scatter [tilespmem:s8], [sflag:$0x9], $0x1400, $0x38;
	[tilespmem:$0xB800] =	vst v63  }
0xdd: {  	s4 =	simm.s32 $0x9  }
0xde: {  	_ =	swait.ge [sflag:s4], $0x1400  }
0xdf: {  	s8 =	rddreg [dreg:$0xa]  }
0xe0: {  	[sflag:s4] =	ssyncset.done $0x0;
	s4 =	rddreg [dreg:$0x9];
	s12 =	sadd.s32 $0x1, s8  }
0xe1: {  	p0 =	sne.s32 s12, s4  }
.Ltmp1:
0xe2: {  	_ = 	snop;
	(pc) =	sbr.rel @p0 .LBB2_1-.Ltmp1, $3  }
0xe3: {  	_ =	sdelay $0x1  }
0xe4: {  	s8 =	simm.s32 $0x9  }
0xe5: {  	[dreg:$0xa] =	wrdreg s12;
	[sflag:s8] =	ssyncadd.s32 $0xFFFFEC00;
	s8 =	simm.s32 $0x0  }
0xe6: {  	_ =	sfence.sel $0x180000  }
0xe7: {  	[bflag:$0x0] =	sbarrier.arrive $0xFFFF  }
0xe8: {  	_ =	strace $0x9000004D  }
0xe9: {  	s0 =	stileid.u32;
	[bflag:$0x2] =	sbarrier.arrive $0xFFFF  }
0xea: {  	p0 =	sne.s32 s0, $0x0;
	s0 =	rddreg [dreg:$0x3]  }
0xeb: {  	s0 =	sadd.s32 @!p0 $0x100000, s0  }
0xec: {  	[sflag:s0] =	ssyncadd.tile.s32 @!p0 $0x1;
	_ =	shalt  }
.Lfunc_end2:
_tile_overlayer_lowered:
.L_overlay_start_2:
0xed: {  	(tag) =	ssettag $0x2  }
0xee: {  	s0 =	rddreg [dreg:$0x0];
	s2 =	stileid.u32  }
0xef: {  	s1 =	rddreg [dreg:$0x1];
	p0 =	sne.s32 s2, $0x0  }
0xf0: {  	s3 =	rddreg [dreg:$0x2];
	[bflag:$0x3] =	sbarrier.arrive $0xFFFF;
	s2 =	simm.s32 @!p0 $0x1C09  }
0xf1: {  	[timem:s3], [sflag:s2] =	dma.local @!p0 [hbm:s0], s1  }
0xf2: {  	s0 =	simm.s32 @!p0 $0x9  }
0xf3: {  	_ =	swait.ge @!p0 [sflag:s0], s1  }
0xf4: {  	s1 =	ssub.s32 @!p0 $0x0, s1;
	[sflag:s0] =	ssyncset.done @!p0 $0x0  }
0xf5: {  	[sflag:s0] =	ssyncadd.s32 @!p0 s1  }
0xf6: {  	[bflag:$0x3] =	sbarrier.arrive $0xFFFF  }
0xf7: {  	_ =	shalt  }

// kernel: kernel.8.cloned.1.call-start
scs
__scs_entry_jumppad:
0x0: {  	(pc) =	sbr.rel $0x88, $3  }
0x1: {  	(tag) =	ssettag $0x0;
	lr =	simm.s32 $0x1  }
0x2: {  	[smem:$0x3F9B] =	sst lr;
	_ =	strace $0xD0000000  }
0x3: {  	_ = 	snop  }
0x4: {  	_ = 	snop  }
0x5: {  	_ = 	snop  }
0x6: {  	_ = 	snop  }
0x7: {  	_ = 	snop  }
__scs_overlays_trampoline_lowered:
0x8: {  	[smem:$0x3FAA] =	sst s0  }
0x9: {  	[smem:$0x3FAB] =	sst s1  }
0xa: {  	[smem:$0x3FAC] =	sst s2  }
0xb: {  	[smem:$0x3FAD] =	sst s3  }
0xc: {  	[smem:$0x3FAE] =	sst s4  }
0xd: {  	[smem:$0x3FAF] =	sst s5  }
0xe: {  	[smem:$0x3FB0] =	sst s6  }
0xf: {  	[smem:$0x3FB1] =	sst s7  }
0x10: {  	[smem:$0x3FB2] =	sst s8  }
0x11: {  	[smem:$0x3FB3] =	sst s9;
	s0 =	simm.s32 @!p0 $0x0  }
0x12: {  	s1 =	sld [smem:$0x3F99];
	s0 =	simm.s32 @p0 $0x1  }
0x13: {  	[smem:$0x3FB4] =	sst s0;
	s0 =	simm.s32 @!p1 $0x0  }
0x14: {  	s2 =	sld [smem:$0x3F98];
	s0 =	simm.s32 @p1 $0x1  }
0x15: {  	[smem:$0x3FB5] =	sst s0;
	s0 =	simm.s32 @!p2 $0x0  }
0x16: {  	s3 =	sld [smem:$0x3FDB];
	s0 =	simm.s32 @p2 $0x1  }
0x17: {  	s4 =	simm.s32 $0x1BF5;
	[smem:$0x3FB7] =	sst s0  }
0x18: {  	s0 =	sld [smem:$0x3F9A];
	_ =	swait.ge [sflag:s4], $0x0  }
0x19: {  	s7 =	sld [smem:$0x3F9B]  }
0x1a: {  	s8 =	sadd.s32 $0xFFFFE003, lr  }
0x1b: {  	s9 =	sadd.s32 $0xFFFFFEF7, lr;
	s5 =	simm.s32 $0xFFFFFFFF;
	p2 =	slt.u32 s8, $0xFFFFF086  }
0x1c: {  	p1 =	slt.u32 s9, $0xF7A;
	s5 =	simm.s32 @!p2 $0x0  }
0x1d: {  	s5 =	simm.s32 @p1 $0x1;
	p0 =	seq.s32 s7, s2  }
0x1e: {  	s7 =	smul.u32 @!p0 $0xF7A, s2;
	p2 =	seq.s32 @!p0 s5, $0x0  }
0x1f: {  	s9 =	smul.u32 $0xF7A, s1;
	s8 =	simm.s32 @!p0 $0x1BF5;
	p2 =	por !p2, p0  }
0x20: {  	[sflag:s8] =	ssyncset.s32 @!p0 $0xFFFFF086;
	s6 =	sadd.s32 @!p0 s3, s7;
	s7 =	simm.s32 @!p0 $0x108  }
0x21: {  	s3 =	sadd.s32 s3, s9;
	s6 =	sadd.s32 @!p0 $0x88, s6;
	s7 =	simm.s32 @p2 $0x1082  }
0x22: {  	[simem:s7], [sflag:s8] =	dma.local @!p0 [hbm:s6], $0xF7A  }
0x23: {  	s9 =	sor.u32 $0xD0000000, s2;
	s6 =	simm.s32 $0x108;
	_ =	swait.ge @!p0 [sflag:s8], $0x0  }
0x24: {  	s3 =	sadd.s32 $0x88, s3;
	s6 =	simm.s32 @!p1 $0x1082;
	[sflag:s4] =	ssyncset.s32 $0xFFFFF086  }
0x25: {  	[simem:s6], [sflag:s4] =	dma.local [hbm:s3], $0xF7A  }
0x26: {  	[smem:$0x3F9B] =	sst s1;
	(tag) =	ssettag s2;
	_ =	strace s9  }
0x27: {  	s1 =	sld [smem:$0x3FAB]  }
0x28: {  	s2 =	sld [smem:$0x3FAC]  }
0x29: {  	s4 =	sld [smem:$0x3FAE]  }
0x2a: {  	p0 =	seq.s32 s5, $0x0;
	s5 =	sld [smem:$0x3FAF]  }
0x2b: {  	s6 =	sld [smem:$0x3FB0]  }
0x2c: {  	s7 =	sld [smem:$0x3FB1]  }
0x2d: {  	s3 =	simm.s32 $0x108;
	s8 =	sld [smem:$0x3FB2]  }
0x2e: {  	s3 =	simm.s32 @!p0 $0x1082;
	s9 =	sld [smem:$0x3FB3]  }
0x2f: {  	lr =	sadd.s32 s0, s3;
	s0 =	sld [smem:$0x3FAA]  }
0x30: {  	s3 =	sld [smem:$0x3FAD]  }
0x31: {  	[smem:$0x3FB6] =	sst s10  }
0x32: {  	s10 =	sld [smem:$0x3FB4];
	_ =	sdelay $0x3  }
0x33: {  	p0 =	seq.s32 s10, $0x1;
	s10 =	sld [smem:$0x3FB6];
	_ =	sdelay $0x3  }
0x34: {  	[smem:$0x3FB6] =	sst s10  }
0x35: {  	s10 =	sld [smem:$0x3FB5];
	_ =	sdelay $0x3  }
0x36: {  	p1 =	seq.s32 s10, $0x1;
	s10 =	sld [smem:$0x3FB6];
	_ =	sdelay $0x3  }
0x37: {  	[smem:$0x3FB6] =	sst s10  }
0x38: {  	s10 =	sld [smem:$0x3FB7]  }
0x39: {  	_ = 	snop;
	(pc) =	sbr.ind lr, $3  }
0x3a: {  	_ = 	snop  }
0x3b: {  	_ = 	snop  }
0x3c: {  	p2 =	seq.s32 s10, $0x1;
	s10 =	sld [smem:$0x3FB6]  }
0x3d: {  	_ =	shalt  }
0x3e: {  	_ =	shalt  }
0x3f: {  	_ =	shalt  }
0x40: {  	_ =	shalt  }
0x41: {  	_ =	shalt  }
0x42: {  	_ =	shalt  }
0x43: {  	_ =	shalt  }
0x44: {  	_ =	shalt  }
0x45: {  	_ =	shalt  }
0x46: {  	_ =	shalt  }
0x47: {  	_ =	shalt  }
0x48: {  	_ =	shalt  }
0x49: {  	_ =	shalt  }
0x4a: {  	_ =	shalt  }
0x4b: {  	_ =	shalt  }
0x4c: {  	_ =	shalt  }
0x4d: {  	_ =	shalt  }
0x4e: {  	_ =	shalt  }
0x4f: {  	_ =	shalt  }
0x50: {  	_ =	shalt  }
0x51: {  	_ =	shalt  }
0x52: {  	_ =	shalt  }
0x53: {  	_ =	shalt  }
0x54: {  	_ =	shalt  }
0x55: {  	_ =	shalt  }
0x56: {  	_ =	shalt  }
0x57: {  	_ =	shalt  }
0x58: {  	_ =	shalt  }
0x59: {  	_ =	shalt  }
0x5a: {  	_ =	shalt  }
0x5b: {  	_ =	shalt  }
0x5c: {  	_ =	shalt  }
0x5d: {  	_ =	shalt  }
0x5e: {  	_ =	shalt  }
0x5f: {  	_ =	shalt  }
0x60: {  	_ =	shalt  }
0x61: {  	_ =	shalt  }
0x62: {  	_ =	shalt  }
0x63: {  	_ =	shalt  }
0x64: {  	_ =	shalt  }
0x65: {  	_ =	shalt  }
0x66: {  	_ =	shalt  }
0x67: {  	_ =	shalt  }
0x68: {  	_ =	shalt  }
0x69: {  	_ =	shalt  }
0x6a: {  	_ =	shalt  }
0x6b: {  	_ =	shalt  }
0x6c: {  	_ =	shalt  }
0x6d: {  	_ =	shalt  }
0x6e: {  	_ =	shalt  }
0x6f: {  	_ =	shalt  }
0x70: {  	_ =	shalt  }
0x71: {  	_ =	shalt  }
0x72: {  	_ =	shalt  }
0x73: {  	_ =	shalt  }
0x74: {  	_ =	shalt  }
0x75: {  	_ =	shalt  }
0x76: {  	_ =	shalt  }
0x77: {  	_ =	shalt  }
0x78: {  	_ =	shalt  }
0x79: {  	_ =	shalt  }
0x7a: {  	_ =	shalt  }
0x7b: {  	_ =	shalt  }
0x7c: {  	_ =	shalt  }
0x7d: {  	_ =	shalt  }
0x7e: {  	_ =	shalt  }
0x7f: {  	_ =	shalt  }
0x80: {  	_ =	shalt  }
0x81: {  	_ =	shalt  }
0x82: {  	_ =	shalt  }
0x83: {  	_ =	shalt  }
0x84: {  	_ =	shalt  }
0x85: {  	_ =	shalt  }
0x86: {  	_ =	shalt  }
0x87: {  	_ =	shalt  }
.Lfunc_end0:
.L_simem_size_0:
called_computation_lowered:
.L_overlay_start_0:
0x88: {  	s2 =	sld [smem:$0x3FD9]  }
0x89: {  	s3 =	sld [smem:$0x3FFE];
	_ =	sdelay $0x1  }
0x8a: {  	s1 =	srdreg.scid  }
0x8b: {  	s0 =	sand.u32 $0x1, s1  }
0x8c: {  	s17 =	sshll.u32 s0, $0xA;
	s2 =	sadd.s32 s3, s2  }
0x8d: {  	s2 =	sadd.s32 s2, s17  }
0x8e: {  	[smem:$0x3FC2] =	sst s2  }
0x8f: {  	_ = 	snop  }
0x90: {  	s2 =	sld [smem:$0x3FD0];
	(tm) =	ssettm $0x1  }
0x91: {  	s18 =	sld [smem:$0x3FFB];
	_ =	sdelay $0x3  }
0x92: {  	_ =	strace s18  }
0x93: {  	s3 =	sld [smem:$0x3FFC];
	_ =	sdelay $0x3  }
0x94: {  	_ =	strace s3  }
0x95: {  	s3 =	sld [smem:$0x3FFD];
	_ =	sdelay $0x3  }
0x96: {  	_ =	strace s3  }
0x97: {  	_ =	strace $0x8FFFFFFF  }
0x98: {  	s19 =	sld [smem:$0x3FDB];
	_ =	sdelay $0x1  }
0x99: {  	s4 =	simm.s32 $_scs_section_size  }
0x9a: {  	s5 =	simm.s32 $_size__tile_overlayer_lowered;
	s6 =	simm.s32 $_tile_overlayer_lowered  }
0x9b: {  	s22 =	simm.s32 $0x1BFF;
	s21 =	sshll.u32 s6, $0x1;
	s3 =	sadd.s32 s4, s19  }
0x9c: {  	s7 =	simm.s32 $0x0;
	s20 =	sshll.u32 s5, $0x1;
	s5 =	sadd.s32 s21, s3  }
0x9d: {  	[timem:s7], [sflag:s22] =	dma.local [hbm:s5], s20  }
0x9e: {  	_ =	swait.ge [sflag:s22], s20  }
0x9f: {  	s4 =	ssub.s32 $0x0, s20;
	[sflag:s22] =	ssyncset.done $0x0  }
0xa0: {  	[sflag:s22] =	ssyncadd.s32 s4;
	_ =	sdelay $0x1  }
0xa1: {  	s23 =	simm.s32 $0x1B8B  }
0xa2: {  	_ =	swait.ge [sflag:s23], $0x1  }
0xa3: {  	[sflag:s23] =	ssyncset.done $0x0  }
0xa4: {  	s25 =	simm.s32 $0x1B8E;
	s24 =	sld [smem:$0x3FFE];
	[sflag:s23] =	ssyncadd.s32 $0xFFFFFFFF  }
0xa5: {  	s26 =	simm.s32 $execute0_lowered;
	[smem:$0x3FD2] =	sst s25  }
0xa6: {  	s5 =	sshll.u32 s26, $0x1;
	_ =	strace $0x80000046;
	[dreg:$0x1] =	wrdreg $0xFFFFFFFF  }
0xa7: {  	s28 =	simm.s32 $_size_execute0_lowered;
	s3 =	sadd.s32 s3, s5;
	[dreg:$0x0] =	wrdreg $0x0  }
0xa8: {  	s5 =	sshll.u32 s28, $0x1;
	[dreg:$0x2] =	wrdreg s3  }
0xa9: {  	[dreg:$0x3] =	wrdreg s5  }
0xaa: {  	[dreg:$0x4] =	wrdreg $0xC0  }
0xab: {  	_ =	task [dreg:s7], $0x5FFFF  }
0xac: {  	[dreg:$0x1] =	wrdreg $0xFFFFFFFF  }
0xad: {  	[dreg:$0x0] =	wrdreg $0x60  }
0xae: {  	[dreg:$0x2] =	wrdreg s24  }
0xaf: {  	[dreg:$0x3] =	wrdreg s2  }
0xb0: {  	[dreg:$0x4] =	wrdreg $0x2B000  }
0xb1: {  	[dreg:$0x5] =	wrdreg $0x9  }
0xb2: {  	_ =	task.clear_ibuf [dreg:s7], $0x6FFFF;
	_ =	strace $0x90000046  }
0xb3: {  	s29 =	simm.s32 $0x9;
	_ =	strace $0x80000048  }
0xb4: {  	_ =	swait.ge [sflag:s29], $0x1  }
0xb5: {  	[sflag:s29] =	ssyncadd.s32 $0xFFFFFFFF  }
0xb6: {  	_ =	strace $0x90000048  }
0xb7: {  	_ =	sfence  }
0xb8: {  	s30 =	sld [smem:$0x0];
	_ =	sdelay $0x2  }
0xb9: {  	s31 =	sshll.u32 s1, $0xD;
	s1 =	sshrl.u32 s1, $0x2  }
0xba: {  	s3 =	sand.u32 $0x4000, s31;
	s1 =	sadd.s32 s1, s30  }
0xbb: {  	s0 =	sor.u32 s3, s0;
	s1 =	sshll.u32 s1, $0x11  }
0xbc: {  	s0 =	sor.u32 s1, s0  }
0xbd: {  	s0 =	sadd.s32 $0x8F2B, s0  }
0xbe: {  	[sflag:s0] =	ssyncadd.remote.s32 $0x1  }
0xbf: {  	_ =	sfence.sel $0xFFFF  }
0xc0: {  	[dreg:$0x0] =	wrdreg $0xFFFFFFFF;
	(pc) =	sbr.abs _section_cstart, $3  }
0xc1: {  	[dreg:$0x1] =	wrdreg $0xFFFFFFFF  }
0xc2: {  	_ =	task.clear_ibuf [dreg:s7], $0x2FFFF;
	_ =	strace $0x9FFFFFFF  }
0xc3: {  	(tm) =	ssettm $0x7FFFFFFF  }
tec
execute0_lowered:
.L_overlay_start_1:
0x0: {  	(tag) =	ssettag $0x1  }
0x1: {  	s0 =	srdreg.scid  }
0x2: {  	s1 =	rddreg [dreg:$0x0];
	s5 =	stileid.u32  }
0x3: {  	s7 =	rddreg [dreg:$0x1];
	s10 =	simm.s32 $0x1;
	s11 =	simm.s32 $0x2  }
0x4: {  	s12 =	simm.s32 $0x80;
	s13 =	simm.s32 $0x2800;
	s19 =	simm.s32 $0x2000  }
0x5: {  	s20 =	simm.s32 $0x2080;
	s21 =	simm.s32 $0x2100;
	s22 =	simm.s32 $0x2180  }
0x6: {  	s23 =	simm.s32 $0x2200;
	s24 =	simm.s32 $0x2280;
	s28 =	simm.s32 $0x2400  }
0x7: {  	s29 =	simm.s32 $0x2480;
	s30 =	simm.s32 $0x2500;
	s31 =	simm.s32 $0x2580  }
0x8: {  	s14 =	simm.s32 $0x2700;
	s15 =	simm.s32 $0x2780;
	s16 =	simm.s32 $0x3  }
0x9: {  	s17 =	simm.s32 $0x0;
	s0 =	sand.u32 $0x1, s0;
	s6 =	smul.u32 $0x280, s5  }
0xa: {  	s2 =	sshll.u32 s0, $0x4;
	s25 =	ssub.s32 $0x2, s0;
	s0 =	smul.u32 $0x2800, s0  }
0xb: {  	s3 =	sor.u32 s5, s2;
	s2 =	rddreg [dreg:$0x2];
	s9 =	sshrl.u32 s25, $0x1  }
0xc: {  	s4 =	smul.u32 $0x500, s3;
	s3 =	simm.s32 $0x0;
	s26 =	ssub.s32 s25, s9  }
0xd: {  	s0 =	sadd.s32 s6, s0;
	s6 =	sadd.s32 s6, s2;
	s9 =	simm.s32 $0x2880  }
0xe: {  	s25 =	simm.s32 $0x2300;
	[smem:$0x7FF] =	sst s3;
	s0 =	sshrl.u32 s0, $0x3  }
0xf: {  	_ =	strace $0x80000047;
	s8 =	sadd.s32 s4, s1;
	s4 =	sadd.s32 $0xB600, s1  }
0x10: {  	s7 =	sadd.s32 s7, s0;
	s1 =	simm.s32 $0x2600;
	s0 =	simm.s32 $0x2680  }
0x11: {  	v0 =	vimm.f32 $1.000000000e+00;
	s5 =	sadd.s32 $0x1600, s8;
	s8 =	smax.u32 s26, $0x1;
	s26 =	simm.s32 $0x2380  }
.LBB2_1:
0x12: {  	[tilespmem:$0x2800] =	vst v0  }
0x13: {  	[tilespmem:$0x2810] =	vst v0  }
0x14: {  	[tilespmem:$0x2820] =	vst v0  }
0x15: {  	[tilespmem:$0x2830] =	vst v0  }
0x16: {  	[tilespmem:$0x2840] =	vst v0  }
0x17: {  	[tilespmem:$0x2850] =	vst v0  }
0x18: {  	[tilespmem:$0x2860] =	vst v0  }
0x19: {  	[tilespmem:$0x2870] =	vst v0  }
0x1a: {  	[tilespmem:s3], [sflag:$0x2] =	stream.linear.gather [hbm4b:s5+s3], $0x2800, $0x38;
	[tilespmem:$0x2D80] =	vst v63  }
0x1b: {  	_ = 	snop  }
0x1c: {  	[tilespmem:s9], [sflag:$0x1] =	stream.linear.gather [hbm4b:s4+s3], $0x280, $0x38;
	[tilespmem:$0x2D80] =	vst v63  }
0x1d: {  	_ =	swait.ge [sflag:s10], $0x280  }
0x1e: {  	[sflag:s10] =	ssyncset.done $0x0  }
0x1f: {  	[sflag:s10] =	ssyncadd.s32 $0xFFFFFD80  }
0x20: {  	[spmem:s6] =	stream.linear.scatter [tilespmem:s9], [sflag:$0x1], $0x280, $0x38;
	[tilespmem:$0x2D80] =	vst v63  }
0x21: {  	_ =	swait.ge [sflag:s11], $0x2800  }
0x22: {  	[sflag:s11] =	ssyncset.done $0x0  }
0x23: {  	[sflag:s11] =	ssyncadd.s32 $0xFFFFD800  }
0x24: {  	_ =	swait.ge [sflag:s10], $0x280  }
0x25: {  	[sflag:s10] =	ssyncset.done $0x0  }
0x26: {  	[sflag:s10] =	ssyncadd.s32 $0xFFFFFD80  }
0x27: {  	[bflag:$0x0] =	sbarrier.arrive $0xFFFF  }
0x28: {  	[spmem:s2] =	stream.indirect.scatter.add.f32 [tilespmem:s13], [sflag:$0x1], $0x1, s3, s12, $0xb8;
	[tilespmem:$0x2D80] =	vst v63  }
0x29: {  	_ = 	snop  }
0x2a: {  	[spmem:s2] =	stream.indirect.scatter.add.f32 [tilespmem:s13], [sflag:$0x1], $0x1, s12, s12, $0xb8;
	[tilespmem:$0x2D80] =	vst v63  }
0x2b: {  	s18 =	simm.s32 $0x100  }
0x2c: {  	[spmem:s2] =	stream.indirect.scatter.add.f32 [tilespmem:s13], [sflag:$0x1], $0x1, s18, s12, $0xb8;
	[tilespmem:$0x2D80] =	vst v63  }
0x2d: {  	s18 =	simm.s32 $0x180  }
0x2e: {  	[spmem:s2] =	stream.indirect.scatter.add.f32 [tilespmem:s13], [sflag:$0x1], $0x1, s18, s12, $0xb8;
	[tilespmem:$0x2D80] =	vst v63  }
0x2f: {  	s18 =	simm.s32 $0x200  }
0x30: {  	[spmem:s2] =	stream.indirect.scatter.add.f32 [tilespmem:s13], [sflag:$0x1], $0x1, s18, s12, $0xb8;
	[tilespmem:$0x2D80] =	vst v63  }
0x31: {  	s18 =	simm.s32 $0x280  }
0x32: {  	[spmem:s2] =	stream.indirect.scatter.add.f32 [tilespmem:s13], [sflag:$0x1], $0x1, s18, s12, $0xb8;
	[tilespmem:$0x2D80] =	vst v63  }
0x33: {  	s18 =	simm.s32 $0x300  }
0x34: {  	[spmem:s2] =	stream.indirect.scatter.add.f32 [tilespmem:s13], [sflag:$0x1], $0x1, s18, s12, $0xb8;
	[tilespmem:$0x2D80] =	vst v63  }
0x35: {  	s18 =	simm.s32 $0x380  }
0x36: {  	[spmem:s2] =	stream.indirect.scatter.add.f32 [tilespmem:s13], [sflag:$0x1], $0x1, s18, s12, $0xb8;
	[tilespmem:$0x2D80] =	vst v63  }
0x37: {  	s18 =	simm.s32 $0x400  }
0x38: {  	[spmem:s2] =	stream.indirect.scatter.add.f32 [tilespmem:s13], [sflag:$0x1], $0x1, s18, s12, $0xb8;
	[tilespmem:$0x2D80] =	vst v63  }
0x39: {  	s18 =	simm.s32 $0x480  }
0x3a: {  	[spmem:s2] =	stream.indirect.scatter.add.f32 [tilespmem:s13], [sflag:$0x1], $0x1, s18, s12, $0xb8;
	[tilespmem:$0x2D80] =	vst v63  }
0x3b: {  	s18 =	simm.s32 $0x500  }
0x3c: {  	[spmem:s2] =	stream.indirect.scatter.add.f32 [tilespmem:s13], [sflag:$0x1], $0x1, s18, s12, $0xb8;
	[tilespmem:$0x2D80] =	vst v63  }
0x3d: {  	s18 =	simm.s32 $0x580  }
0x3e: {  	[spmem:s2] =	stream.indirect.scatter.add.f32 [tilespmem:s13], [sflag:$0x1], $0x1, s18, s12, $0xb8;
	[tilespmem:$0x2D80] =	vst v63  }
0x3f: {  	s18 =	simm.s32 $0x600  }
0x40: {  	[spmem:s2] =	stream.indirect.scatter.add.f32 [tilespmem:s13], [sflag:$0x1], $0x1, s18, s12, $0xb8;
	[tilespmem:$0x2D80] =	vst v63  }
0x41: {  	s18 =	simm.s32 $0x680  }
0x42: {  	[spmem:s2] =	stream.indirect.scatter.add.f32 [tilespmem:s13], [sflag:$0x1], $0x1, s18, s12, $0xb8;
	[tilespmem:$0x2D80] =	vst v63  }
0x43: {  	s18 =	simm.s32 $0x700  }
0x44: {  	[spmem:s2] =	stream.indirect.scatter.add.f32 [tilespmem:s13], [sflag:$0x1], $0x1, s18, s12, $0xb8;
	[tilespmem:$0x2D80] =	vst v63  }
0x45: {  	s18 =	simm.s32 $0x780  }
0x46: {  	[spmem:s2] =	stream.indirect.scatter.add.f32 [tilespmem:s13], [sflag:$0x1], $0x1, s18, s12, $0xb8;
	[tilespmem:$0x2D80] =	vst v63  }
0x47: {  	s18 =	simm.s32 $0x800  }
0x48: {  	[spmem:s2] =	stream.indirect.scatter.add.f32 [tilespmem:s13], [sflag:$0x1], $0x1, s18, s12, $0xb8;
	[tilespmem:$0x2D80] =	vst v63  }
0x49: {  	s18 =	simm.s32 $0x880  }
0x4a: {  	[spmem:s2] =	stream.indirect.scatter.add.f32 [tilespmem:s13], [sflag:$0x1], $0x1, s18, s12, $0xb8;
	[tilespmem:$0x2D80] =	vst v63  }
0x4b: {  	s18 =	simm.s32 $0x900  }
0x4c: {  	[spmem:s2] =	stream.indirect.scatter.add.f32 [tilespmem:s13], [sflag:$0x1], $0x1, s18, s12, $0xb8;
	[tilespmem:$0x2D80] =	vst v63  }
0x4d: {  	s18 =	simm.s32 $0x980  }
0x4e: {  	[spmem:s2] =	stream.indirect.scatter.add.f32 [tilespmem:s13], [sflag:$0x1], $0x1, s18, s12, $0xb8;
	[tilespmem:$0x2D80] =	vst v63  }
0x4f: {  	s18 =	simm.s32 $0xA00  }
0x50: {  	[spmem:s2] =	stream.indirect.scatter.add.f32 [tilespmem:s13], [sflag:$0x1], $0x1, s18, s12, $0xb8;
	[tilespmem:$0x2D80] =	vst v63  }
0x51: {  	s18 =	simm.s32 $0xA80  }
0x52: {  	[spmem:s2] =	stream.indirect.scatter.add.f32 [tilespmem:s13], [sflag:$0x1], $0x1, s18, s12, $0xb8;
	[tilespmem:$0x2D80] =	vst v63  }
0x53: {  	s18 =	simm.s32 $0xB00  }
0x54: {  	[spmem:s2] =	stream.indirect.scatter.add.f32 [tilespmem:s13], [sflag:$0x1], $0x1, s18, s12, $0xb8;
	[tilespmem:$0x2D80] =	vst v63  }
0x55: {  	s18 =	simm.s32 $0xB80  }
0x56: {  	[spmem:s2] =	stream.indirect.scatter.add.f32 [tilespmem:s13], [sflag:$0x1], $0x1, s18, s12, $0xb8;
	[tilespmem:$0x2D80] =	vst v63  }
0x57: {  	s18 =	simm.s32 $0xC00  }
0x58: {  	[spmem:s2] =	stream.indirect.scatter.add.f32 [tilespmem:s13], [sflag:$0x1], $0x1, s18, s12, $0xb8;
	[tilespmem:$0x2D80] =	vst v63  }
0x59: {  	s18 =	simm.s32 $0xC80  }
0x5a: {  	[spmem:s2] =	stream.indirect.scatter.add.f32 [tilespmem:s13], [sflag:$0x1], $0x1, s18, s12, $0xb8;
	[tilespmem:$0x2D80] =	vst v63  }
0x5b: {  	s18 =	simm.s32 $0xD00  }
0x5c: {  	[spmem:s2] =	stream.indirect.scatter.add.f32 [tilespmem:s13], [sflag:$0x1], $0x1, s18, s12, $0xb8;
	[tilespmem:$0x2D80] =	vst v63  }
0x5d: {  	s18 =	simm.s32 $0xD80  }
0x5e: {  	[spmem:s2] =	stream.indirect.scatter.add.f32 [tilespmem:s13], [sflag:$0x1], $0x1, s18, s12, $0xb8;
	[tilespmem:$0x2D80] =	vst v63  }
0x5f: {  	s18 =	simm.s32 $0xE00  }
0x60: {  	[spmem:s2] =	stream.indirect.scatter.add.f32 [tilespmem:s13], [sflag:$0x1], $0x1, s18, s12, $0xb8;
	[tilespmem:$0x2D80] =	vst v63  }
0x61: {  	s18 =	simm.s32 $0xE80  }
0x62: {  	[spmem:s2] =	stream.indirect.scatter.add.f32 [tilespmem:s13], [sflag:$0x1], $0x1, s18, s12, $0xb8;
	[tilespmem:$0x2D80] =	vst v63  }
0x63: {  	s18 =	simm.s32 $0xF00  }
0x64: {  	[spmem:s2] =	stream.indirect.scatter.add.f32 [tilespmem:s13], [sflag:$0x1], $0x1, s18, s12, $0xb8;
	[tilespmem:$0x2D80] =	vst v63  }
0x65: {  	s18 =	simm.s32 $0xF80  }
0x66: {  	[spmem:s2] =	stream.indirect.scatter.add.f32 [tilespmem:s13], [sflag:$0x1], $0x1, s18, s12, $0xb8;
	[tilespmem:$0x2D80] =	vst v63  }
0x67: {  	s18 =	simm.s32 $0x1000  }
0x68: {  	[spmem:s2] =	stream.indirect.scatter.add.f32 [tilespmem:s13], [sflag:$0x1], $0x1, s18, s12, $0xb8;
	[tilespmem:$0x2D80] =	vst v63  }
0x69: {  	s18 =	simm.s32 $0x1080  }
0x6a: {  	[spmem:s2] =	stream.indirect.scatter.add.f32 [tilespmem:s13], [sflag:$0x1], $0x1, s18, s12, $0xb8;
	[tilespmem:$0x2D80] =	vst v63  }
0x6b: {  	s18 =	simm.s32 $0x1100  }
0x6c: {  	[spmem:s2] =	stream.indirect.scatter.add.f32 [tilespmem:s13], [sflag:$0x1], $0x1, s18, s12, $0xb8;
	[tilespmem:$0x2D80] =	vst v63  }
0x6d: {  	s18 =	simm.s32 $0x1180  }
0x6e: {  	[spmem:s2] =	stream.indirect.scatter.add.f32 [tilespmem:s13], [sflag:$0x1], $0x1, s18, s12, $0xb8;
	[tilespmem:$0x2D80] =	vst v63  }
0x6f: {  	s18 =	simm.s32 $0x1200  }
0x70: {  	[spmem:s2] =	stream.indirect.scatter.add.f32 [tilespmem:s13], [sflag:$0x1], $0x1, s18, s12, $0xb8;
	[tilespmem:$0x2D80] =	vst v63  }
0x71: {  	s18 =	simm.s32 $0x1280  }
0x72: {  	[spmem:s2] =	stream.indirect.scatter.add.f32 [tilespmem:s13], [sflag:$0x1], $0x1, s18, s12, $0xb8;
	[tilespmem:$0x2D80] =	vst v63  }
0x73: {  	s18 =	simm.s32 $0x1300  }
0x74: {  	[spmem:s2] =	stream.indirect.scatter.add.f32 [tilespmem:s13], [sflag:$0x1], $0x1, s18, s12, $0xb8;
	[tilespmem:$0x2D80] =	vst v63  }
0x75: {  	s18 =	simm.s32 $0x1380  }
0x76: {  	[spmem:s2] =	stream.indirect.scatter.add.f32 [tilespmem:s13], [sflag:$0x1], $0x1, s18, s12, $0xb8;
	[tilespmem:$0x2D80] =	vst v63  }
0x77: {  	s18 =	simm.s32 $0x1400  }
0x78: {  	[spmem:s2] =	stream.indirect.scatter.add.f32 [tilespmem:s13], [sflag:$0x1], $0x1, s18, s12, $0xb8;
	[tilespmem:$0x2D80] =	vst v63  }
0x79: {  	s18 =	simm.s32 $0x1480  }
0x7a: {  	[spmem:s2] =	stream.indirect.scatter.add.f32 [tilespmem:s13], [sflag:$0x1], $0x1, s18, s12, $0xb8;
	[tilespmem:$0x2D80] =	vst v63  }
0x7b: {  	s18 =	simm.s32 $0x1500  }
0x7c: {  	[spmem:s2] =	stream.indirect.scatter.add.f32 [tilespmem:s13], [sflag:$0x1], $0x1, s18, s12, $0xb8;
	[tilespmem:$0x2D80] =	vst v63  }
0x7d: {  	s18 =	simm.s32 $0x1580  }
0x7e: {  	[spmem:s2] =	stream.indirect.scatter.add.f32 [tilespmem:s13], [sflag:$0x1], $0x1, s18, s12, $0xb8;
	[tilespmem:$0x2D80] =	vst v63  }
0x7f: {  	s18 =	simm.s32 $0x1600  }
0x80: {  	[spmem:s2] =	stream.indirect.scatter.add.f32 [tilespmem:s13], [sflag:$0x1], $0x1, s18, s12, $0xb8;
	[tilespmem:$0x2D80] =	vst v63  }
0x81: {  	s18 =	simm.s32 $0x1680  }
0x82: {  	[spmem:s2] =	stream.indirect.scatter.add.f32 [tilespmem:s13], [sflag:$0x1], $0x1, s18, s12, $0xb8;
	[tilespmem:$0x2D80] =	vst v63  }
0x83: {  	s18 =	simm.s32 $0x1700  }
0x84: {  	[spmem:s2] =	stream.indirect.scatter.add.f32 [tilespmem:s13], [sflag:$0x1], $0x1, s18, s12, $0xb8;
	[tilespmem:$0x2D80] =	vst v63  }
0x85: {  	s18 =	simm.s32 $0x1780  }
0x86: {  	[spmem:s2] =	stream.indirect.scatter.add.f32 [tilespmem:s13], [sflag:$0x1], $0x1, s18, s12, $0xb8;
	[tilespmem:$0x2D80] =	vst v63  }
0x87: {  	s18 =	simm.s32 $0x1800  }
0x88: {  	[spmem:s2] =	stream.indirect.scatter.add.f32 [tilespmem:s13], [sflag:$0x1], $0x1, s18, s12, $0xb8;
	[tilespmem:$0x2D80] =	vst v63  }
0x89: {  	s18 =	simm.s32 $0x1880  }
0x8a: {  	[spmem:s2] =	stream.indirect.scatter.add.f32 [tilespmem:s13], [sflag:$0x1], $0x1, s18, s12, $0xb8;
	[tilespmem:$0x2D80] =	vst v63  }
0x8b: {  	s18 =	simm.s32 $0x1900  }
0x8c: {  	[spmem:s2] =	stream.indirect.scatter.add.f32 [tilespmem:s13], [sflag:$0x1], $0x1, s18, s12, $0xb8;
	[tilespmem:$0x2D80] =	vst v63  }
0x8d: {  	s18 =	simm.s32 $0x1980  }
0x8e: {  	[spmem:s2] =	stream.indirect.scatter.add.f32 [tilespmem:s13], [sflag:$0x1], $0x1, s18, s12, $0xb8;
	[tilespmem:$0x2D80] =	vst v63  }
0x8f: {  	s18 =	simm.s32 $0x1A00  }
0x90: {  	[spmem:s2] =	stream.indirect.scatter.add.f32 [tilespmem:s13], [sflag:$0x1], $0x1, s18, s12, $0xb8;
	[tilespmem:$0x2D80] =	vst v63  }
0x91: {  	s18 =	simm.s32 $0x1A80  }
0x92: {  	[spmem:s2] =	stream.indirect.scatter.add.f32 [tilespmem:s13], [sflag:$0x1], $0x1, s18, s12, $0xb8;
	[tilespmem:$0x2D80] =	vst v63  }
0x93: {  	s18 =	simm.s32 $0x1B00  }
0x94: {  	[spmem:s2] =	stream.indirect.scatter.add.f32 [tilespmem:s13], [sflag:$0x1], $0x1, s18, s12, $0xb8;
	[tilespmem:$0x2D80] =	vst v63  }
0x95: {  	s18 =	simm.s32 $0x1B80  }
0x96: {  	[spmem:s2] =	stream.indirect.scatter.add.f32 [tilespmem:s13], [sflag:$0x1], $0x1, s18, s12, $0xb8;
	[tilespmem:$0x2D80] =	vst v63  }
0x97: {  	s18 =	simm.s32 $0x1C00  }
0x98: {  	[spmem:s2] =	stream.indirect.scatter.add.f32 [tilespmem:s13], [sflag:$0x1], $0x1, s18, s12, $0xb8;
	[tilespmem:$0x2D80] =	vst v63  }
0x99: {  	s18 =	simm.s32 $0x1C80  }
0x9a: {  	[spmem:s2] =	stream.indirect.scatter.add.f32 [tilespmem:s13], [sflag:$0x1], $0x1, s18, s12, $0xb8;
	[tilespmem:$0x2D80] =	vst v63  }
0x9b: {  	s18 =	simm.s32 $0x1D00  }
0x9c: {  	[spmem:s2] =	stream.indirect.scatter.add.f32 [tilespmem:s13], [sflag:$0x1], $0x1, s18, s12, $0xb8;
	[tilespmem:$0x2D80] =	vst v63  }
0x9d: {  	s18 =	simm.s32 $0x1D80  }
0x9e: {  	[spmem:s2] =	stream.indirect.scatter.add.f32 [tilespmem:s13], [sflag:$0x1], $0x1, s18, s12, $0xb8;
	[tilespmem:$0x2D80] =	vst v63  }
0x9f: {  	s18 =	simm.s32 $0x1E00  }
0xa0: {  	[spmem:s2] =	stream.indirect.scatter.add.f32 [tilespmem:s13], [sflag:$0x1], $0x1, s18, s12, $0xb8;
	[tilespmem:$0x2D80] =	vst v63  }
0xa1: {  	s18 =	simm.s32 $0x1E80  }
0xa2: {  	[spmem:s2] =	stream.indirect.scatter.add.f32 [tilespmem:s13], [sflag:$0x1], $0x1, s18, s12, $0xb8;
	[tilespmem:$0x2D80] =	vst v63  }
0xa3: {  	s18 =	simm.s32 $0x1F00  }
0xa4: {  	[spmem:s2] =	stream.indirect.scatter.add.f32 [tilespmem:s13], [sflag:$0x1], $0x1, s18, s12, $0xb8;
	[tilespmem:$0x2D80] =	vst v63  }
0xa5: {  	s18 =	simm.s32 $0x1F80  }
0xa6: {  	[spmem:s2] =	stream.indirect.scatter.add.f32 [tilespmem:s13], [sflag:$0x1], $0x1, s18, s12, $0xb8;
	[tilespmem:$0x2D80] =	vst v63  }
0xa7: {  	_ = 	snop  }
0xa8: {  	[spmem:s2] =	stream.indirect.scatter.add.f32 [tilespmem:s13], [sflag:$0x1], $0x1, s19, s12, $0xb8;
	[tilespmem:$0x2D80] =	vst v63  }
0xa9: {  	_ = 	snop  }
0xaa: {  	[spmem:s2] =	stream.indirect.scatter.add.f32 [tilespmem:s13], [sflag:$0x1], $0x1, s20, s12, $0xb8;
	[tilespmem:$0x2D80] =	vst v63  }
0xab: {  	_ = 	snop  }
0xac: {  	[spmem:s2] =	stream.indirect.scatter.add.f32 [tilespmem:s13], [sflag:$0x1], $0x1, s21, s12, $0xb8;
	[tilespmem:$0x2D80] =	vst v63  }
0xad: {  	_ = 	snop  }
0xae: {  	[spmem:s2] =	stream.indirect.scatter.add.f32 [tilespmem:s13], [sflag:$0x1], $0x1, s22, s12, $0xb8;
	[tilespmem:$0x2D80] =	vst v63  }
0xaf: {  	_ = 	snop  }
0xb0: {  	[spmem:s2] =	stream.indirect.scatter.add.f32 [tilespmem:s13], [sflag:$0x1], $0x1, s23, s12, $0xb8;
	[tilespmem:$0x2D80] =	vst v63  }
0xb1: {  	_ = 	snop  }
0xb2: {  	[spmem:s2] =	stream.indirect.scatter.add.f32 [tilespmem:s13], [sflag:$0x1], $0x1, s24, s12, $0xb8;
	[tilespmem:$0x2D80] =	vst v63  }
0xb3: {  	_ = 	snop  }
0xb4: {  	[spmem:s2] =	stream.indirect.scatter.add.f32 [tilespmem:s13], [sflag:$0x1], $0x1, s25, s12, $0xb8;
	[tilespmem:$0x2D80] =	vst v63  }
0xb5: {  	_ = 	snop  }
0xb6: {  	[spmem:s2] =	stream.indirect.scatter.add.f32 [tilespmem:s13], [sflag:$0x1], $0x1, s26, s12, $0xb8;
	[tilespmem:$0x2D80] =	vst v63  }
0xb7: {  	_ = 	snop  }
0xb8: {  	[spmem:s2] =	stream.indirect.scatter.add.f32 [tilespmem:s13], [sflag:$0x1], $0x1, s28, s12, $0xb8;
	[tilespmem:$0x2D80] =	vst v63  }
0xb9: {  	_ = 	snop  }
0xba: {  	[spmem:s2] =	stream.indirect.scatter.add.f32 [tilespmem:s13], [sflag:$0x1], $0x1, s29, s12, $0xb8;
	[tilespmem:$0x2D80] =	vst v63  }
0xbb: {  	_ = 	snop  }
0xbc: {  	[spmem:s2] =	stream.indirect.scatter.add.f32 [tilespmem:s13], [sflag:$0x1], $0x1, s30, s12, $0xb8;
	[tilespmem:$0x2D80] =	vst v63  }
0xbd: {  	_ = 	snop  }
0xbe: {  	[spmem:s2] =	stream.indirect.scatter.add.f32 [tilespmem:s13], [sflag:$0x1], $0x1, s31, s12, $0xb8;
	[tilespmem:$0x2D80] =	vst v63  }
0xbf: {  	_ = 	snop  }
0xc0: {  	[spmem:s2] =	stream.indirect.scatter.add.f32 [tilespmem:s13], [sflag:$0x1], $0x1, s1, s12, $0xb8;
	[tilespmem:$0x2D80] =	vst v63  }
0xc1: {  	_ = 	snop  }
0xc2: {  	[spmem:s2] =	stream.indirect.scatter.add.f32 [tilespmem:s13], [sflag:$0x1], $0x1, s0, s12, $0xb8;
	[tilespmem:$0x2D80] =	vst v63  }
0xc3: {  	_ = 	snop  }
0xc4: {  	[spmem:s2] =	stream.indirect.scatter.add.f32 [tilespmem:s13], [sflag:$0x1], $0x1, s14, s12, $0xb8;
	[tilespmem:$0x2D80] =	vst v63  }
0xc5: {  	_ = 	snop  }
0xc6: {  	[spmem:s2] =	stream.indirect.scatter.add.f32 [tilespmem:s13], [sflag:$0x1], $0x1, s15, s12, $0xb8;
	[tilespmem:$0x2D80] =	vst v63  }
0xc7: {  	_ =	swait.ge [sflag:s10], $0x80  }
0xc8: {  	s18 =	simm.s32 $0x4F;
	[sflag:s10] =	ssyncset.done $0x0  }
.LBB2_2:
0xc9: {  	p0 =	sne.s32 s18, $0x1;
	s18 =	sadd.s32 $0xFFFFFFFF, s18;
	[sflag:s10] =	ssyncadd.s32 $0xFFFFFF80  }
.Ltmp0:
0xca: {  	(pc) =	sbr.rel @p0 .LBB2_2-.Ltmp0, $3  }
0xcb: {  	_ =	sdelay $0x1  }
0xcc: {  	_ =	swait.ge [sflag:s10], $0x80  }
0xcd: {  	[sflag:s10] =	ssyncset.done $0x0  }
0xce: {  	[sflag:s10] =	ssyncadd.s32 $0xFFFFFF80  }
0xcf: {  	[bflag:$0x0] =	sbarrier.arrive $0xFFFF  }
0xd0: {  	[tilespmem:s9], [sflag:$0x3] =	stream.linear.gather [spmem:s6], $0x280, $0x38;
	[tilespmem:$0x2D80] =	vst v63  }
0xd1: {  	s17 =	sadd.s32 $0x1, s17;
	_ =	swait.ge [sflag:s16], $0x280  }
0xd2: {  	p0 =	sne.s32 s17, s8;
	[sflag:s16] =	ssyncset.done $0x0  }
.Ltmp1:
0xd3: {  	[sflag:s16] =	ssyncadd.s32 $0xFFFFFD80;
	(pc) =	sbr.rel @p0 .LBB2_1-.Ltmp1, $4  }
0xd4: {  	[hbm4b:s7+s3] =	stream.linear.scatter [tilespmem:s9], [sflag:$0x3], $0x280, $0x38;
	[tilespmem:$0x2D80] =	vst v63  }
0xd5: {  	_ =	swait.ge [sflag:s16], $0x280  }
0xd6: {  	[sflag:s16] =	ssyncset.done $0x0  }
0xd7: {  	[sflag:s16] =	ssyncadd.s32 $0xFFFFFD80  }
0xd8: {  	_ =	sfence.sel $0x180000  }
0xd9: {  	[bflag:$0x0] =	sbarrier.arrive $0xFFFF  }
0xda: {  	_ =	strace $0x90000047  }
0xdb: {  	s0 =	stileid.u32;
	[bflag:$0x2] =	sbarrier.arrive $0xFFFF  }
0xdc: {  	p0 =	sne.s32 s0, $0x0;
	s0 =	rddreg [dreg:$0x3]  }
0xdd: {  	s0 =	sadd.s32 @!p0 $0x100000, s0  }
0xde: {  	[sflag:s0] =	ssyncadd.tile.s32 @!p0 $0x1;
	_ =	shalt  }
.Lfunc_end2:
_tile_overlayer_lowered:
.L_overlay_start_2:
0xdf: {  	(tag) =	ssettag $0x2  }
0xe0: {  	s0 =	rddreg [dreg:$0x0];
	s2 =	stileid.u32  }
0xe1: {  	s1 =	rddreg [dreg:$0x1];
	p0 =	sne.s32 s2, $0x0  }
0xe2: {  	s3 =	rddreg [dreg:$0x2];
	[bflag:$0x3] =	sbarrier.arrive $0xFFFF;
	s2 =	simm.s32 @!p0 $0x1C03  }
0xe3: {  	[timem:s3], [sflag:s2] =	dma.local @!p0 [hbm:s0], s1  }
0xe4: {  	s0 =	simm.s32 @!p0 $0x3  }
0xe5: {  	_ =	swait.ge @!p0 [sflag:s0], s1  }
0xe6: {  	s1 =	ssub.s32 @!p0 $0x0, s1;
	[sflag:s0] =	ssyncset.done @!p0 $0x0  }
0xe7: {  	[sflag:s0] =	ssyncadd.s32 @!p0 s1  }
0xe8: {  	[bflag:$0x3] =	sbarrier.arrive $0xFFFF  }
0xe9: {  	_ =	shalt  }

</sc_bundles>
